<compile_context>
chip_gen: v7x
topology: tpu7x:2x2x1
jax: 0.10.2.dev20260603
libtpu: 0.0.44.dev20260713+nightly
codegen_flags: <defaults>
</compile_context>

<pallas_src>
import functools

import jax
import jax.numpy as jnp
from jax import lax
from jax.experimental import pallas as pl
from jax.experimental.pallas import tpu as pltpu
from jax.experimental.pallas import tpu_sc as plsc

MAX_NEIGHBORS = 10
PAD_VALUE = -1
EMBED_D = 128

_NC = 2
_NS = 16
_NW = _NC * _NS


def _tc_project(tbl, W, blk):
  N, D = tbl.shape
  E = W.shape[1]
  assert N % blk == 0

  def body(t_r, w_r, o_r):
    o_r[...] = lax.dot_general(t_r[...], w_r[...], (((1,), (0,)), ((), ())),
                               preferred_element_type=jnp.float32)

  return pl.pallas_call(
      body,
      grid=(N // blk,),
      in_specs=[
          pl.BlockSpec((blk, D), lambda i: (i, 0)),
          pl.BlockSpec((D, E), lambda i: (0, 0)),
      ],
      out_specs=pl.BlockSpec((blk, E), lambda i: (i, 0)),
      out_shape=jax.ShapeDtypeStruct((N, E), jnp.float32),
  )(tbl, W)


def _sc_gather_sums(idx_all, w_all, p_cell, p_drug, gene_features, B):
  D = EMBED_D
  assert B % _NW == 0
  epw = B // _NW
  ipw = epw * MAX_NEIGHBORS
  iall = 3 * ipw + epw
  wall = 3 * epw * 16

  mesh = plsc.VectorSubcoreMesh(core_axis_name="c", subcore_axis_name="s")

  @functools.partial(
      pl.kernel,
      out_type=[jax.ShapeDtypeStruct((B, D), jnp.float32)] * 4,
      mesh=mesh,
      scratch_types=[
          pltpu.VMEM((iall,), jnp.int32),
          pltpu.VMEM((wall,), jnp.float32),
          pltpu.VMEM((ipw, D), jnp.float32),
          pltpu.VMEM((ipw, D), jnp.float32),
          pltpu.VMEM((epw, D), jnp.float32),
          pltpu.VMEM((epw, D), jnp.float32),
          pltpu.VMEM((epw, D), jnp.float32),
          pltpu.VMEM((epw, D), jnp.float32),
          pltpu.SemaphoreType.DMA,
          pltpu.SemaphoreType.DMA,
          pltpu.SemaphoreType.DMA,
          pltpu.SemaphoreType.DMA,
      ],
  )
  def k(idx_all_h, w_all_h, pc_h, pd_h, gene_h,
        sums_c_h, sums_d_h, sums_g_h, self_h,
        idx_v, w_v, rows_a, rows_b, out_c, out_d, out_g, self_v,
        sem_a, sem_b, sem_s, sem_f):
    wid = lax.axis_index("s") * _NC + lax.axis_index("c")
    base_e = wid * epw
    rows_bufs = (rows_a, rows_b)
    gather_sems = (sem_a, sem_b)

    pltpu.sync_copy(idx_all_h.at[pl.ds(wid * iall, iall)], idx_v)
    pltpu.sync_copy(w_all_h.at[pl.ds(wid * wall, wall)], w_v)

    def fire_gathers(t, tbl_h, q):
      i0 = t * ipw
      for c0, csz in ((0, 128), (128, 128), (256, 64)):
        pltpu.make_async_copy(
            tbl_h.at[idx_v.at[pl.ds(i0 + c0, csz)]],
            rows_bufs[q].at[pl.ds(c0, csz)], gather_sems[q]).start()

    def drain_gathers(q, tbl_h):
      pltpu.make_async_copy(tbl_h.at[pl.ds(0, ipw)], rows_bufs[q],
                            gather_sems[q]).wait()

    def accum_type(t, q, out_v):
      rows_v = rows_bufs[q]
      w0 = t * epw * 16

      def elem(e, carry):
        wvec = w_v[pl.ds(pl.multiple_of(w0 + e * 16, 16), 16)]
        ws = [wvec[j] for j in range(MAX_NEIGHBORS)]
        row0 = e * MAX_NEIGHBORS
        for c in range(D // 16):
          sl = pl.ds(c * 16, 16)
          acc0 = rows_v[row0 + 0, sl] * ws[0]
          acc1 = rows_v[row0 + 1, sl] * ws[1]
          for j in range(2, MAX_NEIGHBORS, 2):
            acc0 = acc0 + rows_v[row0 + j, sl] * ws[j]
            acc1 = acc1 + rows_v[row0 + j + 1, sl] * ws[j + 1]
          out_v[e, sl] = acc0 + acc1
        return carry

      lax.fori_loop(0, epw, elem, 0)

    def store(out_v, out_h):
      pltpu.make_async_copy(out_v, out_h.at[pl.ds(base_e, epw)],
                            sem_s).start()

    tables = (pc_h, pd_h, gene_h)
    outs_v = (out_c, out_d, out_g)
    outs_h = (sums_c_h, sums_d_h, sums_g_h)

    fire_gathers(0, tables[0], 0)
    fire_gathers(1, tables[1], 1)
    pltpu.make_async_copy(
        pd_h.at[idx_v.at[pl.ds(3 * ipw, epw)]], self_v, sem_f).start()
    for t in range(3):
      q = t % 2
      drain_gathers(q, tables[t])
      accum_type(t, q, outs_v[t])
      if t + 2 < 3:
        fire_gathers(t + 2, tables[t + 2], q)
      store(outs_v[t], outs_h[t])

    pltpu.make_async_copy(pd_h.at[pl.ds(0, epw)], self_v, sem_f).wait()
    store(self_v, self_h)

    pltpu.make_async_copy(sums_c_h.at[pl.ds(0, 4 * epw)],
                          rows_a.at[pl.ds(0, 4 * epw)], sem_s).wait()

  return k(idx_all, w_all, p_cell, p_drug, gene_features)


def _tc_mlp(self_p, sums_c, sums_d, sums_g, cnt_c, cnt_d, cnt_g,
            b_cell, b_drug, W_gene, b_gene, W_l1, b_l1, W_l2, b_l2):
  B = self_p.shape[0]
  f32 = jnp.float32
  inv_m = 1.0 / MAX_NEIGHBORS

  def dot(a, b):
    return lax.dot_general(a, b, (((1,), (0,)), ((), ())),
                           preferred_element_type=f32)

  def body(sp_r, sc_r, sd_r, sg_r, cc_r, cd_r, cg_r,
           bc_r, bd_r, Wg_r, bg_r, Wl1_r, bl1_r, Wl2_r, bl2_r, out_r):
    h = sp_r[...] + bd_r[...]
    agg_c = (sc_r[...] + cc_r[...] * bc_r[...]) * inv_m
    agg_d = (sd_r[...] + cd_r[...] * bd_r[...]) * inv_m
    agg_g = (dot(sg_r[...], Wg_r[...]) + cg_r[...] * bg_r[...]) * inv_m
    for Wl_r, bl_r in ((Wl1_r, bl1_r), (Wl2_r, bl2_r)):
      Wl = Wl_r[...]
      pre = (dot(h, Wl[0:EMBED_D]) + dot(agg_c, Wl[EMBED_D:2 * EMBED_D])
             + dot(agg_d, Wl[2 * EMBED_D:3 * EMBED_D])
             + dot(agg_g, Wl[3 * EMBED_D:4 * EMBED_D]) + bl_r[...])
      h = jnp.maximum(pre, 0.0)
    out_r[...] = h

  E = EMBED_D
  full = lambda shape: pl.BlockSpec(shape, lambda: tuple(0 for _ in shape))
  b2 = lambda v: v.reshape(1, E)
  c2 = lambda v: v.reshape(B, 1)
  return pl.pallas_call(
      body,
      in_specs=[
          full((B, E)), full((B, E)), full((B, E)), full((B, E)),
          full((B, 1)), full((B, 1)), full((B, 1)),
          full((1, E)), full((1, E)),
          full((E, E)), full((1, E)),
          full((4 * E, E)), full((1, E)),
          full((4 * E, E)), full((1, E)),
      ],
      out_specs=full((B, E)),
      out_shape=jax.ShapeDtypeStruct((B, E), jnp.float32),
  )(self_p, sums_c, sums_d, sums_g, c2(cnt_c), c2(cnt_d), c2(cnt_g),
    b2(b_cell), b2(b_drug), W_gene, b2(b_gene),
    W_l1, b2(b_l1), W_l2, b2(b_l2))


def kernel(id_batch, neigh_cell, neigh_drug, neigh_gene,
           cell_features, drug_features, gene_features,
           W_cell, b_cell, W_drug, b_drug, W_gene, b_gene,
           W_l1, b_l1, W_l2, b_l2):
  def prep(neigh):
    mask = neigh != PAD_VALUE
    safe = jnp.where(mask, neigh, 0).astype(jnp.int32)
    idx = safe.reshape(-1)
    w = jnp.pad(mask.astype(jnp.float32),
                ((0, 0), (0, 16 - MAX_NEIGHBORS))).reshape(-1)
    cnt = mask.sum(axis=1).astype(jnp.float32)
    return idx, w, cnt

  idx_c, w_c, cnt_c = prep(neigh_cell)
  idx_d, w_d, cnt_d = prep(neigh_drug)
  idx_g, w_g, cnt_g = prep(neigh_gene)

  B = id_batch.shape[0]
  epw = B // _NW
  ipw = epw * MAX_NEIGHBORS
  r = lambda a, n: a.reshape(_NW, n)
  idx_all = jnp.concatenate(
      [r(idx_c, ipw), r(idx_d, ipw), r(idx_g, ipw),
       r(id_batch.astype(jnp.int32), epw)], axis=1).reshape(-1)
  w_all = jnp.concatenate(
      [r(w_c, epw * 16), r(w_d, epw * 16), r(w_g, epw * 16)],
      axis=1).reshape(-1)

  p_drug = _tc_project(drug_features, W_drug, 400)
  p_cell = _tc_project(cell_features, W_cell, 400)

  sums_c, sums_d, sums_g, self_p = _sc_gather_sums(
      idx_all, w_all, p_cell, p_drug, gene_features, B)

  return _tc_mlp(self_p, sums_c, sums_d, sums_g, cnt_c, cnt_d, cnt_g,
                 b_cell, b_drug, W_gene, b_gene, W_l1, b_l1, W_l2, b_l2)

# --- scband reference (transcript-rebuilt; emitter-appended) ---
"""Pipeline reference for scband-het-agg-36438502539521 (READ-ONLY COPY).

The authoritative reference and input builder live on the scoring server;
editing this copy changes nothing except your own understanding.
"""

import jax, jax.numpy as jnp
import numpy as np

MAX_NEIGHBORS = 10
PAD_VALUE = -1
EMBED_D = 128

def setup_inputs(seed: int = 0) -> dict:
    key = jax.random.key(seed)
    ks = jax.random.split(key, 24)
    N_cell, N_drug, N_gene = 2000, 20000, 50000
    D_cell, D_drug, D_gene = 256, 2048, 128
    B = 1024
    id_batch = jax.random.randint(ks[0], (B,), 0, N_drug)
    def make_neigh(k1, k2, N):
        idx = jax.random.randint(k1, (B, MAX_NEIGHBORS), 0, N)
        pad = jax.random.uniform(k2, (B, MAX_NEIGHBORS)) < 0.3
        return jnp.where(pad, PAD_VALUE, idx)
    neigh_cell = make_neigh(ks[1], ks[2], N_cell)
    neigh_drug = make_neigh(ks[3], ks[4], N_drug)
    neigh_gene = make_neigh(ks[5], ks[6], N_gene)
    cell_features = jax.random.normal(ks[7], (N_cell, D_cell), jnp.float32)
    drug_features = jax.random.normal(ks[8], (N_drug, D_drug), jnp.float32)
    gene_features = jax.random.normal(ks[9], (N_gene, D_gene), jnp.float32)
    W_cell = jax.random.normal(ks[10], (D_cell, EMBED_D), jnp.float32) / np.sqrt(D_cell)
    b_cell = jnp.zeros((EMBED_D,), jnp.float32)
    W_drug = jax.random.normal(ks[11], (D_drug, EMBED_D), jnp.float32) / np.sqrt(D_drug)
    b_drug = jnp.zeros((EMBED_D,), jnp.float32)
    W_gene = jax.random.normal(ks[12], (D_gene, EMBED_D), jnp.float32) / np.sqrt(D_gene)
    b_gene = jnp.zeros((EMBED_D,), jnp.float32)
    W_l1 = jax.random.normal(ks[13], (4 * EMBED_D, EMBED_D), jnp.float32) / np.sqrt(4 * EMBED_D)
    b_l1 = jnp.zeros((EMBED_D,), jnp.float32)
    W_l2 = jax.random.normal(ks[14], (4 * EMBED_D, EMBED_D), jnp.float32) / np.sqrt(4 * EMBED_D)
    b_l2 = jnp.zeros((EMBED_D,), jnp.float32)
    return {
        'id_batch': id_batch,
        'neigh_cell': neigh_cell,
        'neigh_drug': neigh_drug,
        'neigh_gene': neigh_gene,
        'cell_features': cell_features,
        'drug_features': drug_features,
        'gene_features': gene_features,
        'W_cell': W_cell, 'b_cell': b_cell,
        'W_drug': W_drug, 'b_drug': b_drug,
        'W_gene': W_gene, 'b_gene': b_gene,
        'W_l1': W_l1, 'b_l1': b_l1,
        'W_l2': W_l2, 'b_l2': b_l2,
    }

def reference(id_batch, neigh_cell, neigh_drug, neigh_gene,
              cell_features, drug_features, gene_features,
              W_cell, b_cell, W_drug, b_drug, W_gene, b_gene,
              W_l1, b_l1, W_l2, b_l2):
    B = id_batch.shape[0]
    # conteng_agg for the batch (drug-type center nodes): gather raw feats + linear proj
    self_h = jnp.take(drug_features, id_batch, axis=0) @ W_drug + b_drug
    # per-type neighbor features (initial projected feats, recomputed identically each layer in the
    # original module since conteng_agg always reads raw features); pads masked to zero
    def nbr_agg(neigh, tbl, W, b):
        mask = (neigh != PAD_VALUE)
        lids = jnp.where(mask, neigh, 0).reshape(-1)
        f = jnp.take(tbl, lids, axis=0) @ W + b
        f = f.reshape(B, MAX_NEIGHBORS, EMBED_D) * mask[:, :, None].astype(f.dtype)
        return f.mean(axis=1)
    agg_c = nbr_agg(neigh_cell, cell_features, W_cell, b_cell)
    agg_d = nbr_agg(neigh_drug, drug_features, W_drug, b_drug)
    agg_g = nbr_agg(neigh_gene, gene_features, W_gene, b_gene)
    h = self_h
    for W_l, b_l in ((W_l1, b_l1), (W_l2, b_l2)):
        h = jax.nn.relu(jnp.concatenate([h, agg_c, agg_d, agg_g], axis=1) @ W_l + b_l)
    return h

if __name__ == "__main__":
    import jax
    _d = setup_inputs()
    print(jax.jit(kernel)(*tuple(_d.values())))

</pallas_src>

<mosaic_0001>
#map = affine_map<(d0, d1) -> (0)>
#map1 = affine_map<(d0, d1) -> (0, 0)>
module attributes {stable_mosaic.version = 14 : i64} {
  func.func @k(%arg0: i32, %arg1: i32, %arg2: memref<31744xi32, #tpu.memory_space<hbm>>, %arg3: memref<49152xf32, #tpu.memory_space<hbm>>, %arg4: memref<2000x128xf32, #tpu.memory_space<hbm>>, %arg5: memref<20000x128xf32, #tpu.memory_space<hbm>>, %arg6: memref<50000x128xf32, #tpu.memory_space<hbm>>, %arg7: memref<1024x128xf32, #tpu.memory_space<hbm>>, %arg8: memref<1024x128xf32, #tpu.memory_space<hbm>>, %arg9: memref<1024x128xf32, #tpu.memory_space<hbm>>, %arg10: memref<1024x128xf32, #tpu.memory_space<hbm>>, %arg11: memref<992xi32, #tpu.memory_space<vmem>>, %arg12: memref<1536xf32, #tpu.memory_space<vmem>>, %arg13: memref<320x128xf32, #tpu.memory_space<vmem>>, %arg14: memref<320x128xf32, #tpu.memory_space<vmem>>, %arg15: memref<32x128xf32, #tpu.memory_space<vmem>>, %arg16: memref<32x128xf32, #tpu.memory_space<vmem>>, %arg17: memref<32x128xf32, #tpu.memory_space<vmem>>, %arg18: memref<32x128xf32, #tpu.memory_space<vmem>>, %arg19: memref<!tpu.dma_semaphore, #tpu.memory_space<semaphore_mem>>, %arg20: memref<!tpu.dma_semaphore, #tpu.memory_space<semaphore_mem>>, %arg21: memref<!tpu.dma_semaphore, #tpu.memory_space<semaphore_mem>>, %arg22: memref<!tpu.dma_semaphore, #tpu.memory_space<semaphore_mem>>) attributes {dimension_semantics = [#tpu.dimension_semantics<core_parallel>, #tpu.dimension_semantics<subcore_parallel>], iteration_bounds = array<i64: 2, 16>, scalar_prefetch = 0 : i64, scratch_operands = 12 : i64, tpu.core_type = #tpu.core_type<sc_vector_subcore>, window_params = [{transform_indices = #map}, {transform_indices = #map}, {transform_indices = #map1}, {transform_indices = #map1}, {transform_indices = #map1}, {transform_indices = #map1}, {transform_indices = #map1}, {transform_indices = #map1}, {transform_indices = #map1}]} {
    %mul3A = arith.constant 2 : i32
    %mul3A_0 = arith.muli %arg1, %mul3A : i32
    %add3A = arith.addi %mul3A_0, %arg0 : i32
    %mul3A_1 = arith.constant 32 : i32
    %mul3A_2 = arith.muli %add3A, %mul3A_1 : i32
    %mul3A_3 = arith.constant 992 : i32
    %mul3A_4 = arith.muli %add3A, %mul3A_3 : i32
    "tpu.region"() ({
      %run_scoped3A = tpu.sem_alloc : memref<!tpu.dma_semaphore, #tpu.memory_space<semaphore_mem>>
      %dma_start3A_151 = tpu.memref_slice %arg2[%mul3A_4] : memref<31744xi32, #tpu.memory_space<hbm>> -> memref<992xi32, #tpu.memory_space<hbm>>
      %dma_start3A_152 = tpu.memref_slice %arg2[%mul3A_4] : memref<31744xi32, #tpu.memory_space<hbm>> -> memref<992xi32, #tpu.memory_space<hbm>>
      tpu.enqueue_dma source(%dma_start3A_152 : memref<992xi32, #tpu.memory_space<hbm>>) target(%arg11 : memref<992xi32, #tpu.memory_space<vmem>>) target_semaphore(%run_scoped3A : memref<!tpu.dma_semaphore, #tpu.memory_space<semaphore_mem>>)
      %dma_wait3A_153 = tpu.memref_slice %arg2[%mul3A_4] : memref<31744xi32, #tpu.memory_space<hbm>> -> memref<992xi32, #tpu.memory_space<hbm>>
      %dma_wait3A_154 = tpu.memref_slice %arg2[%mul3A_4] : memref<31744xi32, #tpu.memory_space<hbm>> -> memref<992xi32, #tpu.memory_space<hbm>>
      tpu.wait_dma2 semaphore(%run_scoped3A : memref<!tpu.dma_semaphore, #tpu.memory_space<semaphore_mem>>) src(%dma_wait3A_154 : memref<992xi32, #tpu.memory_space<hbm>>) dst(%arg11 : memref<992xi32, #tpu.memory_space<vmem>>)
      tpu.yield
    }) : () -> ()
    %mul3A_5 = arith.constant 1536 : i32
    %mul3A_6 = arith.muli %add3A, %mul3A_5 : i32
    "tpu.region"() ({
      %run_scoped3A = tpu.sem_alloc : memref<!tpu.dma_semaphore, #tpu.memory_space<semaphore_mem>>
      %dma_start3A_151 = tpu.memref_slice %arg3[%mul3A_6] : memref<49152xf32, #tpu.memory_space<hbm>> -> memref<1536xf32, #tpu.memory_space<hbm>>
      %dma_start3A_152 = tpu.memref_slice %arg3[%mul3A_6] : memref<49152xf32, #tpu.memory_space<hbm>> -> memref<1536xf32, #tpu.memory_space<hbm>>
      tpu.enqueue_dma source(%dma_start3A_152 : memref<1536xf32, #tpu.memory_space<hbm>>) target(%arg12 : memref<1536xf32, #tpu.memory_space<vmem>>) target_semaphore(%run_scoped3A : memref<!tpu.dma_semaphore, #tpu.memory_space<semaphore_mem>>)
      %dma_wait3A_153 = tpu.memref_slice %arg3[%mul3A_6] : memref<49152xf32, #tpu.memory_space<hbm>> -> memref<1536xf32, #tpu.memory_space<hbm>>
      %dma_wait3A_154 = tpu.memref_slice %arg3[%mul3A_6] : memref<49152xf32, #tpu.memory_space<hbm>> -> memref<1536xf32, #tpu.memory_space<hbm>>
      tpu.wait_dma2 semaphore(%run_scoped3A : memref<!tpu.dma_semaphore, #tpu.memory_space<semaphore_mem>>) src(%dma_wait3A_154 : memref<1536xf32, #tpu.memory_space<hbm>>) dst(%arg12 : memref<1536xf32, #tpu.memory_space<vmem>>)
      tpu.yield
    }) : () -> ()
    %dma_start3A = arith.constant 0 : i32
    %dma_start3A_7 = arith.constant 0 : i32
    %dma_start3A_8 = tpu.memref_slice %arg13[%dma_start3A, %dma_start3A_7] : memref<320x128xf32, #tpu.memory_space<vmem>> -> memref<128x128xf32, #tpu.memory_space<vmem>>
    %dma_start3A_9 = arith.constant 0 : i32
    %dma_start3A_10 = tpu.memref_slice %arg11[%dma_start3A_9] : memref<992xi32, #tpu.memory_space<vmem>> -> memref<128xi32, #tpu.memory_space<vmem>>
    %dma_start3A_11 = arith.constant 0 : i32
    %dma_start3A_12 = arith.constant 0 : i32
    %dma_start3A_13 = tpu.memref_slice %arg4[%dma_start3A_11, %dma_start3A_12] : memref<2000x128xf32, #tpu.memory_space<hbm>> -> memref<2000x128xf32, #tpu.memory_space<hbm>>
    tpu.enqueue_indirect_dma source(%dma_start3A_13 : memref<2000x128xf32, #tpu.memory_space<hbm>>) target(%dma_start3A_8 : memref<128x128xf32, #tpu.memory_space<vmem>>) offsets(%dma_start3A_10 : memref<128xi32, #tpu.memory_space<vmem>>) semaphore(%arg19 : memref<!tpu.dma_semaphore, #tpu.memory_space<semaphore_mem>>)
    %dma_start3A_14 = arith.constant 128 : i32
    %dma_start3A_15 = arith.constant 0 : i32
    %dma_start3A_16 = tpu.memref_slice %arg13[%dma_start3A_14, %dma_start3A_15] : memref<320x128xf32, #tpu.memory_space<vmem>> -> memref<128x128xf32, #tpu.memory_space<vmem>>
    %dma_start3A_17 = arith.constant 128 : i32
    %dma_start3A_18 = tpu.memref_slice %arg11[%dma_start3A_17] : memref<992xi32, #tpu.memory_space<vmem>> -> memref<128xi32, #tpu.memory_space<vmem>>
    %dma_start3A_19 = arith.constant 0 : i32
    %dma_start3A_20 = arith.constant 0 : i32
    %dma_start3A_21 = tpu.memref_slice %arg4[%dma_start3A_19, %dma_start3A_20] : memref<2000x128xf32, #tpu.memory_space<hbm>> -> memref<2000x128xf32, #tpu.memory_space<hbm>>
    tpu.enqueue_indirect_dma source(%dma_start3A_21 : memref<2000x128xf32, #tpu.memory_space<hbm>>) target(%dma_start3A_16 : memref<128x128xf32, #tpu.memory_space<vmem>>) offsets(%dma_start3A_18 : memref<128xi32, #tpu.memory_space<vmem>>) semaphore(%arg19 : memref<!tpu.dma_semaphore, #tpu.memory_space<semaphore_mem>>)
    %dma_start3A_22 = arith.constant 256 : i32
    %dma_start3A_23 = arith.constant 0 : i32
    %dma_start3A_24 = tpu.memref_slice %arg13[%dma_start3A_22, %dma_start3A_23] : memref<320x128xf32, #tpu.memory_space<vmem>> -> memref<64x128xf32, #tpu.memory_space<vmem>>
    %dma_start3A_25 = arith.constant 256 : i32
    %dma_start3A_26 = tpu.memref_slice %arg11[%dma_start3A_25] : memref<992xi32, #tpu.memory_space<vmem>> -> memref<64xi32, #tpu.memory_space<vmem>>
    %dma_start3A_27 = arith.constant 0 : i32
    %dma_start3A_28 = arith.constant 0 : i32
    %dma_start3A_29 = tpu.memref_slice %arg4[%dma_start3A_27, %dma_start3A_28] : memref<2000x128xf32, #tpu.memory_space<hbm>> -> memref<2000x128xf32, #tpu.memory_space<hbm>>
    tpu.enqueue_indirect_dma source(%dma_start3A_29 : memref<2000x128xf32, #tpu.memory_space<hbm>>) target(%dma_start3A_24 : memref<64x128xf32, #tpu.memory_space<vmem>>) offsets(%dma_start3A_26 : memref<64xi32, #tpu.memory_space<vmem>>) semaphore(%arg19 : memref<!tpu.dma_semaphore, #tpu.memory_space<semaphore_mem>>)
    %dma_start3A_30 = arith.constant 0 : i32
    %dma_start3A_31 = arith.constant 0 : i32
    %dma_start3A_32 = tpu.memref_slice %arg14[%dma_start3A_30, %dma_start3A_31] : memref<320x128xf32, #tpu.memory_space<vmem>> -> memref<128x128xf32, #tpu.memory_space<vmem>>
    %dma_start3A_33 = arith.constant 320 : i32
    %dma_start3A_34 = tpu.memref_slice %arg11[%dma_start3A_33] : memref<992xi32, #tpu.memory_space<vmem>> -> memref<128xi32, #tpu.memory_space<vmem>>
    %dma_start3A_35 = arith.constant 0 : i32
    %dma_start3A_36 = arith.constant 0 : i32
    %dma_start3A_37 = tpu.memref_slice %arg5[%dma_start3A_35, %dma_start3A_36] : memref<20000x128xf32, #tpu.memory_space<hbm>> -> memref<20000x128xf32, #tpu.memory_space<hbm>>
    tpu.enqueue_indirect_dma source(%dma_start3A_37 : memref<20000x128xf32, #tpu.memory_space<hbm>>) target(%dma_start3A_32 : memref<128x128xf32, #tpu.memory_space<vmem>>) offsets(%dma_start3A_34 : memref<128xi32, #tpu.memory_space<vmem>>) semaphore(%arg20 : memref<!tpu.dma_semaphore, #tpu.memory_space<semaphore_mem>>)
    %dma_start3A_38 = arith.constant 128 : i32
    %dma_start3A_39 = arith.constant 0 : i32
    %dma_start3A_40 = tpu.memref_slice %arg14[%dma_start3A_38, %dma_start3A_39] : memref<320x128xf32, #tpu.memory_space<vmem>> -> memref<128x128xf32, #tpu.memory_space<vmem>>
    %dma_start3A_41 = arith.constant 448 : i32
    %dma_start3A_42 = tpu.memref_slice %arg11[%dma_start3A_41] : memref<992xi32, #tpu.memory_space<vmem>> -> memref<128xi32, #tpu.memory_space<vmem>>
    %dma_start3A_43 = arith.constant 0 : i32
    %dma_start3A_44 = arith.constant 0 : i32
    %dma_start3A_45 = tpu.memref_slice %arg5[%dma_start3A_43, %dma_start3A_44] : memref<20000x128xf32, #tpu.memory_space<hbm>> -> memref<20000x128xf32, #tpu.memory_space<hbm>>
    tpu.enqueue_indirect_dma source(%dma_start3A_45 : memref<20000x128xf32, #tpu.memory_space<hbm>>) target(%dma_start3A_40 : memref<128x128xf32, #tpu.memory_space<vmem>>) offsets(%dma_start3A_42 : memref<128xi32, #tpu.memory_space<vmem>>) semaphore(%arg20 : memref<!tpu.dma_semaphore, #tpu.memory_space<semaphore_mem>>)
    %dma_start3A_46 = arith.constant 256 : i32
    %dma_start3A_47 = arith.constant 0 : i32
    %dma_start3A_48 = tpu.memref_slice %arg14[%dma_start3A_46, %dma_start3A_47] : memref<320x128xf32, #tpu.memory_space<vmem>> -> memref<64x128xf32, #tpu.memory_space<vmem>>
    %dma_start3A_49 = arith.constant 576 : i32
    %dma_start3A_50 = tpu.memref_slice %arg11[%dma_start3A_49] : memref<992xi32, #tpu.memory_space<vmem>> -> memref<64xi32, #tpu.memory_space<vmem>>
    %dma_start3A_51 = arith.constant 0 : i32
    %dma_start3A_52 = arith.constant 0 : i32
    %dma_start3A_53 = tpu.memref_slice %arg5[%dma_start3A_51, %dma_start3A_52] : memref<20000x128xf32, #tpu.memory_space<hbm>> -> memref<20000x128xf32, #tpu.memory_space<hbm>>
    tpu.enqueue_indirect_dma source(%dma_start3A_53 : memref<20000x128xf32, #tpu.memory_space<hbm>>) target(%dma_start3A_48 : memref<64x128xf32, #tpu.memory_space<vmem>>) offsets(%dma_start3A_50 : memref<64xi32, #tpu.memory_space<vmem>>) semaphore(%arg20 : memref<!tpu.dma_semaphore, #tpu.memory_space<semaphore_mem>>)
    %dma_start3A_54 = arith.constant 960 : i32
    %dma_start3A_55 = tpu.memref_slice %arg11[%dma_start3A_54] : memref<992xi32, #tpu.memory_space<vmem>> -> memref<32xi32, #tpu.memory_space<vmem>>
    %dma_start3A_56 = arith.constant 0 : i32
    %dma_start3A_57 = arith.constant 0 : i32
    %dma_start3A_58 = tpu.memref_slice %arg5[%dma_start3A_56, %dma_start3A_57] : memref<20000x128xf32, #tpu.memory_space<hbm>> -> memref<20000x128xf32, #tpu.memory_space<hbm>>
    tpu.enqueue_indirect_dma source(%dma_start3A_58 : memref<20000x128xf32, #tpu.memory_space<hbm>>) target(%arg18 : memref<32x128xf32, #tpu.memory_space<vmem>>) offsets(%dma_start3A_55 : memref<32xi32, #tpu.memory_space<vmem>>) semaphore(%arg22 : memref<!tpu.dma_semaphore, #tpu.memory_space<semaphore_mem>>)
    %dma_wait3A = arith.constant 0 : i32
    %dma_wait3A_59 = arith.constant 0 : i32
    %dma_wait3A_60 = tpu.memref_slice %arg4[%dma_wait3A, %dma_wait3A_59] : memref<2000x128xf32, #tpu.memory_space<hbm>> -> memref<320x128xf32, #tpu.memory_space<hbm>>
    %dma_wait3A_61 = arith.constant 0 : i32
    %dma_wait3A_62 = arith.constant 0 : i32
    %dma_wait3A_63 = tpu.memref_slice %arg4[%dma_wait3A_61, %dma_wait3A_62] : memref<2000x128xf32, #tpu.memory_space<hbm>> -> memref<320x128xf32, #tpu.memory_space<hbm>>
    tpu.wait_dma2 semaphore(%arg19 : memref<!tpu.dma_semaphore, #tpu.memory_space<semaphore_mem>>) src(%dma_wait3A_63 : memref<320x128xf32, #tpu.memory_space<hbm>>) dst(%arg13 : memref<320x128xf32, #tpu.memory_space<vmem>>)
    %scan3A = arith.constant 0 : i32
    %scan3A_64 = arith.constant 0 : i32
    %scan3A_65 = arith.constant 32 : i32
    %scan3A_66 = arith.addi %scan3A_64, %scan3A_65 : i32
    %scan3A_67 = arith.constant 1 : i32
    scf.for %scan3A_151 = %scan3A_64 to %scan3A_66 step %scan3A_67  : i32 {
      %mul3A_152 = arith.constant 16 : i32
      %mul3A_153 = arith.muli %scan3A_151, %mul3A_152 : i32
      %add3A_154 = arith.constant 0 : i32
      %add3A_155 = arith.addi %add3A_154, %mul3A_153 : i32
      %multiple_of3A = tpu.assume_multiple %add3A_155, 16 : i32
      %get3A = arith.index_cast %multiple_of3A : i32 to index
      %get3A_156 = tpu.vector_load %arg12[%get3A] {strides = array<i32>} : memref<1536xf32, #tpu.memory_space<vmem>>, vector<16xf32>,
      %get3A_157 = vector.shape_cast %get3A_156 : vector<16xf32> to vector<16xf32>
      %slice3A = vector.extract_strided_slice %get3A_157 {offsets = [0], sizes = [1], strides = [1]} : vector<16xf32> to vector<1xf32>
      %squeeze3A = vector.extract %slice3A[0] : f32 from vector<1xf32>
      %slice3A_158 = vector.extract_strided_slice %get3A_157 {offsets = [1], sizes = [1], strides = [1]} : vector<16xf32> to vector<1xf32>
      %squeeze3A_159 = vector.extract %slice3A_158[0] : f32 from vector<1xf32>
      %slice3A_160 = vector.extract_strided_slice %get3A_157 {offsets = [2], sizes = [1], strides = [1]} : vector<16xf32> to vector<1xf32>
      %squeeze3A_161 = vector.extract %slice3A_160[0] : f32 from vector<1xf32>
      %slice3A_162 = vector.extract_strided_slice %get3A_157 {offsets = [3], sizes = [1], strides = [1]} : vector<16xf32> to vector<1xf32>
      %squeeze3A_163 = vector.extract %slice3A_162[0] : f32 from vector<1xf32>
      %slice3A_164 = vector.extract_strided_slice %get3A_157 {offsets = [4], sizes = [1], strides = [1]} : vector<16xf32> to vector<1xf32>
      %squeeze3A_165 = vector.extract %slice3A_164[0] : f32 from vector<1xf32>
      %slice3A_166 = vector.extract_strided_slice %get3A_157 {offsets = [5], sizes = [1], strides = [1]} : vector<16xf32> to vector<1xf32>
      %squeeze3A_167 = vector.extract %slice3A_166[0] : f32 from vector<1xf32>
      %slice3A_168 = vector.extract_strided_slice %get3A_157 {offsets = [6], sizes = [1], strides = [1]} : vector<16xf32> to vector<1xf32>
      %squeeze3A_169 = vector.extract %slice3A_168[0] : f32 from vector<1xf32>
      %slice3A_170 = vector.extract_strided_slice %get3A_157 {offsets = [7], sizes = [1], strides = [1]} : vector<16xf32> to vector<1xf32>
      %squeeze3A_171 = vector.extract %slice3A_170[0] : f32 from vector<1xf32>
      %slice3A_172 = vector.extract_strided_slice %get3A_157 {offsets = [8], sizes = [1], strides = [1]} : vector<16xf32> to vector<1xf32>
      %squeeze3A_173 = vector.extract %slice3A_172[0] : f32 from vector<1xf32>
      %slice3A_174 = vector.extract_strided_slice %get3A_157 {offsets = [9], sizes = [1], strides = [1]} : vector<16xf32> to vector<1xf32>
      %squeeze3A_175 = vector.extract %slice3A_174[0] : f32 from vector<1xf32>
      %mul3A_176 = arith.constant 10 : i32
      %mul3A_177 = arith.muli %scan3A_151, %mul3A_176 : i32
      %add3A_178 = arith.constant 0 : i32
      %add3A_179 = arith.addi %mul3A_177, %add3A_178 : i32
      %get3A_180 = arith.index_cast %add3A_179 : i32 to index
      %get3A_181 = arith.constant 0 : index
      %get3A_182 = tpu.vector_load %arg13[%get3A_180, %get3A_181] {strides = array<i32>} : memref<320x128xf32, #tpu.memory_space<vmem>>, vector<1x16xf32>,
      %get3A_183 = vector.shape_cast %get3A_182 : vector<1x16xf32> to vector<16xf32>
      %mul3A_184 = vector.broadcast %squeeze3A : f32 to vector<16xf32>
      %mul3A_185 = arith.mulf %get3A_183, %mul3A_184 : vector<16xf32>
      %add3A_186 = arith.constant 1 : i32
      %add3A_187 = arith.addi %mul3A_177, %add3A_186 : i32
      %get3A_188 = arith.index_cast %add3A_187 : i32 to index
      %get3A_189 = arith.constant 0 : index
      %get3A_190 = tpu.vector_load %arg13[%get3A_188, %get3A_189] {strides = array<i32>} : memref<320x128xf32, #tpu.memory_space<vmem>>, vector<1x16xf32>,
      %get3A_191 = vector.shape_cast %get3A_190 : vector<1x16xf32> to vector<16xf32>
      %mul3A_192 = vector.broadcast %squeeze3A_159 : f32 to vector<16xf32>
      %mul3A_193 = arith.mulf %get3A_191, %mul3A_192 : vector<16xf32>
      %add3A_194 = arith.constant 2 : i32
      %add3A_195 = arith.addi %mul3A_177, %add3A_194 : i32
      %get3A_196 = arith.index_cast %add3A_195 : i32 to index
      %get3A_197 = arith.constant 0 : index
      %get3A_198 = tpu.vector_load %arg13[%get3A_196, %get3A_197] {strides = array<i32>} : memref<320x128xf32, #tpu.memory_space<vmem>>, vector<1x16xf32>,
      %get3A_199 = vector.shape_cast %get3A_198 : vector<1x16xf32> to vector<16xf32>
      %mul3A_200 = vector.broadcast %squeeze3A_161 : f32 to vector<16xf32>
      %mul3A_201 = arith.mulf %get3A_199, %mul3A_200 : vector<16xf32>
      %add3A_202 = arith.addf %mul3A_185, %mul3A_201 : vector<16xf32>
      %add3A_203 = arith.constant 2 : i32
      %add3A_204 = arith.addi %mul3A_177, %add3A_203 : i32
      %add3A_205 = arith.constant 1 : i32
      %add3A_206 = arith.addi %add3A_204, %add3A_205 : i32
      %get3A_207 = arith.index_cast %add3A_206 : i32 to index
      %get3A_208 = arith.constant 0 : index
      %get3A_209 = tpu.vector_load %arg13[%get3A_207, %get3A_208] {strides = array<i32>} : memref<320x128xf32, #tpu.memory_space<vmem>>, vector<1x16xf32>,
      %get3A_210 = vector.shape_cast %get3A_209 : vector<1x16xf32> to vector<16xf32>
      %mul3A_211 = vector.broadcast %squeeze3A_163 : f32 to vector<16xf32>
      %mul3A_212 = arith.mulf %get3A_210, %mul3A_211 : vector<16xf32>
      %add3A_213 = arith.addf %mul3A_193, %mul3A_212 : vector<16xf32>
      %add3A_214 = arith.constant 4 : i32
      %add3A_215 = arith.addi %mul3A_177, %add3A_214 : i32
      %get3A_216 = arith.index_cast %add3A_215 : i32 to index
      %get3A_217 = arith.constant 0 : index
      %get3A_218 = tpu.vector_load %arg13[%get3A_216, %get3A_217] {strides = array<i32>} : memref<320x128xf32, #tpu.memory_space<vmem>>, vector<1x16xf32>,
      %get3A_219 = vector.shape_cast %get3A_218 : vector<1x16xf32> to vector<16xf32>
      %mul3A_220 = vector.broadcast %squeeze3A_165 : f32 to vector<16xf32>
      %mul3A_221 = arith.mulf %get3A_219, %mul3A_220 : vector<16xf32>
      %add3A_222 = arith.addf %add3A_202, %mul3A_221 : vector<16xf32>
      %add3A_223 = arith.constant 4 : i32
      %add3A_224 = arith.addi %mul3A_177, %add3A_223 : i32
      %add3A_225 = arith.constant 1 : i32
      %add3A_226 = arith.addi %add3A_224, %add3A_225 : i32
      %get3A_227 = arith.index_cast %add3A_226 : i32 to index
      %get3A_228 = arith.constant 0 : index
      %get3A_229 = tpu.vector_load %arg13[%get3A_227, %get3A_228] {strides = array<i32>} : memref<320x128xf32, #tpu.memory_space<vmem>>, vector<1x16xf32>,
      %get3A_230 = vector.shape_cast %get3A_229 : vector<1x16xf32> to vector<16xf32>
      %mul3A_231 = vector.broadcast %squeeze3A_167 : f32 to vector<16xf32>
      %mul3A_232 = arith.mulf %get3A_230, %mul3A_231 : vector<16xf32>
      %add3A_233 = arith.addf %add3A_213, %mul3A_232 : vector<16xf32>
      %add3A_234 = arith.constant 6 : i32
      %add3A_235 = arith.addi %mul3A_177, %add3A_234 : i32
      %get3A_236 = arith.index_cast %add3A_235 : i32 to index
      %get3A_237 = arith.constant 0 : index
      %get3A_238 = tpu.vector_load %arg13[%get3A_236, %get3A_237] {strides = array<i32>} : memref<320x128xf32, #tpu.memory_space<vmem>>, vector<1x16xf32>,
      %get3A_239 = vector.shape_cast %get3A_238 : vector<1x16xf32> to vector<16xf32>
      %mul3A_240 = vector.broadcast %squeeze3A_169 : f32 to vector<16xf32>
      %mul3A_241 = arith.mulf %get3A_239, %mul3A_240 : vector<16xf32>
      %add3A_242 = arith.addf %add3A_222, %mul3A_241 : vector<16xf32>
      %add3A_243 = arith.constant 6 : i32
      %add3A_244 = arith.addi %mul3A_177, %add3A_243 : i32
      %add3A_245 = arith.constant 1 : i32
      %add3A_246 = arith.addi %add3A_244, %add3A_245 : i32
      %get3A_247 = arith.index_cast %add3A_246 : i32 to index
      %get3A_248 = arith.constant 0 : index
      %get3A_249 = tpu.vector_load %arg13[%get3A_247, %get3A_248] {strides = array<i32>} : memref<320x128xf32, #tpu.memory_space<vmem>>, vector<1x16xf32>,
      %get3A_250 = vector.shape_cast %get3A_249 : vector<1x16xf32> to vector<16xf32>
      %mul3A_251 = vector.broadcast %squeeze3A_171 : f32 to vector<16xf32>
      %mul3A_252 = arith.mulf %get3A_250, %mul3A_251 : vector<16xf32>
      %add3A_253 = arith.addf %add3A_233, %mul3A_252 : vector<16xf32>
      %add3A_254 = arith.constant 8 : i32
      %add3A_255 = arith.addi %mul3A_177, %add3A_254 : i32
      %get3A_256 = arith.index_cast %add3A_255 : i32 to index
      %get3A_257 = arith.constant 0 : index
      %get3A_258 = tpu.vector_load %arg13[%get3A_256, %get3A_257] {strides = array<i32>} : memref<320x128xf32, #tpu.memory_space<vmem>>, vector<1x16xf32>,
      %get3A_259 = vector.shape_cast %get3A_258 : vector<1x16xf32> to vector<16xf32>
      %mul3A_260 = vector.broadcast %squeeze3A_173 : f32 to vector<16xf32>
      %mul3A_261 = arith.mulf %get3A_259, %mul3A_260 : vector<16xf32>
      %add3A_262 = arith.addf %add3A_242, %mul3A_261 : vector<16xf32>
      %add3A_263 = arith.constant 8 : i32
      %add3A_264 = arith.addi %mul3A_177, %add3A_263 : i32
      %add3A_265 = arith.constant 1 : i32
      %add3A_266 = arith.addi %add3A_264, %add3A_265 : i32
      %get3A_267 = arith.index_cast %add3A_266 : i32 to index
      %get3A_268 = arith.constant 0 : index
      %get3A_269 = tpu.vector_load %arg13[%get3A_267, %get3A_268] {strides = array<i32>} : memref<320x128xf32, #tpu.memory_space<vmem>>, vector<1x16xf32>,
      %get3A_270 = vector.shape_cast %get3A_269 : vector<1x16xf32> to vector<16xf32>
      %mul3A_271 = vector.broadcast %squeeze3A_175 : f32 to vector<16xf32>
      %mul3A_272 = arith.mulf %get3A_270, %mul3A_271 : vector<16xf32>
      %add3A_273 = arith.addf %add3A_253, %mul3A_272 : vector<16xf32>
      %add3A_274 = arith.addf %add3A_262, %add3A_273 : vector<16xf32>
      %swap3A = arith.index_cast %scan3A_151 : i32 to index
      %swap3A_275 = arith.constant 0 : index
      %swap3A_276 = tpu.vector_load %arg15[%swap3A, %swap3A_275] {strides = array<i32>} : memref<32x128xf32, #tpu.memory_space<vmem>>, vector<1x16xf32>,
      %swap3A_277 = vector.shape_cast %swap3A_276 : vector<1x16xf32> to vector<16xf32>
      %swap3A_278 = vector.shape_cast %add3A_274 : vector<16xf32> to vector<1x16xf32>
      tpu.vector_store %arg15[%swap3A, %swap3A_275], %swap3A_278 {strides = array<i32>} : memref<32x128xf32, #tpu.memory_space<vmem>>, vector<1x16xf32>,
      %add3A_279 = arith.constant 0 : i32
      %add3A_280 = arith.addi %mul3A_177, %add3A_279 : i32
      %get3A_281 = arith.index_cast %add3A_280 : i32 to index
      %get3A_282 = arith.constant 16 : index
      %get3A_283 = tpu.vector_load %arg13[%get3A_281, %get3A_282] {strides = array<i32>} : memref<320x128xf32, #tpu.memory_space<vmem>>, vector<1x16xf32>,
      %get3A_284 = vector.shape_cast %get3A_283 : vector<1x16xf32> to vector<16xf32>
      %mul3A_285 = vector.broadcast %squeeze3A : f32 to vector<16xf32>
      %mul3A_286 = arith.mulf %get3A_284, %mul3A_285 : vector<16xf32>
      %add3A_287 = arith.constant 1 : i32
      %add3A_288 = arith.addi %mul3A_177, %add3A_287 : i32
      %get3A_289 = arith.index_cast %add3A_288 : i32 to index
      %get3A_290 = arith.constant 16 : index
      %get3A_291 = tpu.vector_load %arg13[%get3A_289, %get3A_290] {strides = array<i32>} : memref<320x128xf32, #tpu.memory_space<vmem>>, vector<1x16xf32>,
      %get3A_292 = vector.shape_cast %get3A_291 : vector<1x16xf32> to vector<16xf32>
      %mul3A_293 = vector.broadcast %squeeze3A_159 : f32 to vector<16xf32>
      %mul3A_294 = arith.mulf %get3A_292, %mul3A_293 : vector<16xf32>
      %add3A_295 = arith.constant 2 : i32
      %add3A_296 = arith.addi %mul3A_177, %add3A_295 : i32
      %get3A_297 = arith.index_cast %add3A_296 : i32 to index
      %get3A_298 = arith.constant 16 : index
      %get3A_299 = tpu.vector_load %arg13[%get3A_297, %get3A_298] {strides = array<i32>} : memref<320x128xf32, #tpu.memory_space<vmem>>, vector<1x16xf32>,
      %get3A_300 = vector.shape_cast %get3A_299 : vector<1x16xf32> to vector<16xf32>
      %mul3A_301 = vector.broadcast %squeeze3A_161 : f32 to vector<16xf32>
      %mul3A_302 = arith.mulf %get3A_300, %mul3A_301 : vector<16xf32>
      %add3A_303 = arith.addf %mul3A_286, %mul3A_302 : vector<16xf32>
      %add3A_304 = arith.constant 2 : i32
      %add3A_305 = arith.addi %mul3A_177, %add3A_304 : i32
      %add3A_306 = arith.constant 1 : i32
      %add3A_307 = arith.addi %add3A_305, %add3A_306 : i32
      %get3A_308 = arith.index_cast %add3A_307 : i32 to index
      %get3A_309 = arith.constant 16 : index
      %get3A_310 = tpu.vector_load %arg13[%get3A_308, %get3A_309] {strides = array<i32>} : memref<320x128xf32, #tpu.memory_space<vmem>>, vector<1x16xf32>,
      %get3A_311 = vector.shape_cast %get3A_310 : vector<1x16xf32> to vector<16xf32>
      %mul3A_312 = vector.broadcast %squeeze3A_163 : f32 to vector<16xf32>
      %mul3A_313 = arith.mulf %get3A_311, %mul3A_312 : vector<16xf32>
      %add3A_314 = arith.addf %mul3A_294, %mul3A_313 : vector<16xf32>
      %add3A_315 = arith.constant 4 : i32
      %add3A_316 = arith.addi %mul3A_177, %add3A_315 : i32
      %get3A_317 = arith.index_cast %add3A_316 : i32 to index
      %get3A_318 = arith.constant 16 : index
      %get3A_319 = tpu.vector_load %arg13[%get3A_317, %get3A_318] {strides = array<i32>} : memref<320x128xf32, #tpu.memory_space<vmem>>, vector<1x16xf32>,
      %get3A_320 = vector.shape_cast %get3A_319 : vector<1x16xf32> to vector<16xf32>
      %mul3A_321 = vector.broadcast %squeeze3A_165 : f32 to vector<16xf32>
      %mul3A_322 = arith.mulf %get3A_320, %mul3A_321 : vector<16xf32>
      %add3A_323 = arith.addf %add3A_303, %mul3A_322 : vector<16xf32>
      %add3A_324 = arith.constant 4 : i32
      %add3A_325 = arith.addi %mul3A_177, %add3A_324 : i32
      %add3A_326 = arith.constant 1 : i32
      %add3A_327 = arith.addi %add3A_325, %add3A_326 : i32
      %get3A_328 = arith.index_cast %add3A_327 : i32 to index
      %get3A_329 = arith.constant 16 : index
      %get3A_330 = tpu.vector_load %arg13[%get3A_328, %get3A_329] {strides = array<i32>} : memref<320x128xf32, #tpu.memory_space<vmem>>, vector<1x16xf32>,
      %get3A_331 = vector.shape_cast %get3A_330 : vector<1x16xf32> to vector<16xf32>
      %mul3A_332 = vector.broadcast %squeeze3A_167 : f32 to vector<16xf32>
      %mul3A_333 = arith.mulf %get3A_331, %mul3A_332 : vector<16xf32>
      %add3A_334 = arith.addf %add3A_314, %mul3A_333 : vector<16xf32>
      %add3A_335 = arith.constant 6 : i32
      %add3A_336 = arith.addi %mul3A_177, %add3A_335 : i32
      %get3A_337 = arith.index_cast %add3A_336 : i32 to index
      %get3A_338 = arith.constant 16 : index
      %get3A_339 = tpu.vector_load %arg13[%get3A_337, %get3A_338] {strides = array<i32>} : memref<320x128xf32, #tpu.memory_space<vmem>>, vector<1x16xf32>,
      %get3A_340 = vector.shape_cast %get3A_339 : vector<1x16xf32> to vector<16xf32>
      %mul3A_341 = vector.broadcast %squeeze3A_169 : f32 to vector<16xf32>
      %mul3A_342 = arith.mulf %get3A_340, %mul3A_341 : vector<16xf32>
      %add3A_343 = arith.addf %add3A_323, %mul3A_342 : vector<16xf32>
      %add3A_344 = arith.constant 6 : i32
      %add3A_345 = arith.addi %mul3A_177, %add3A_344 : i32
      %add3A_346 = arith.constant 1 : i32
      %add3A_347 = arith.addi %add3A_345, %add3A_346 : i32
      %get3A_348 = arith.index_cast %add3A_347 : i32 to index
      %get3A_349 = arith.constant 16 : index
      %get3A_350 = tpu.vector_load %arg13[%get3A_348, %get3A_349] {strides = array<i32>} : memref<320x128xf32, #tpu.memory_space<vmem>>, vector<1x16xf32>,
      %get3A_351 = vector.shape_cast %get3A_350 : vector<1x16xf32> to vector<16xf32>
      %mul3A_352 = vector.broadcast %squeeze3A_171 : f32 to vector<16xf32>
      %mul3A_353 = arith.mulf %get3A_351, %mul3A_352 : vector<16xf32>
      %add3A_354 = arith.addf %add3A_334, %mul3A_353 : vector<16xf32>
      %add3A_355 = arith.constant 8 : i32
      %add3A_356 = arith.addi %mul3A_177, %add3A_355 : i32
      %get3A_357 = arith.index_cast %add3A_356 : i32 to index
      %get3A_358 = arith.constant 16 : index
      %get3A_359 = tpu.vector_load %arg13[%get3A_357, %get3A_358] {strides = array<i32>} : memref<320x128xf32, #tpu.memory_space<vmem>>, vector<1x16xf32>,
      %get3A_360 = vector.shape_cast %get3A_359 : vector<1x16xf32> to vector<16xf32>
      %mul3A_361 = vector.broadcast %squeeze3A_173 : f32 to vector<16xf32>
      %mul3A_362 = arith.mulf %get3A_360, %mul3A_361 : vector<16xf32>
      %add3A_363 = arith.addf %add3A_343, %mul3A_362 : vector<16xf32>
      %add3A_364 = arith.constant 8 : i32
      %add3A_365 = arith.addi %mul3A_177, %add3A_364 : i32
      %add3A_366 = arith.constant 1 : i32
      %add3A_367 = arith.addi %add3A_365, %add3A_366 : i32
      %get3A_368 = arith.index_cast %add3A_367 : i32 to index
      %get3A_369 = arith.constant 16 : index
      %get3A_370 = tpu.vector_load %arg13[%get3A_368, %get3A_369] {strides = array<i32>} : memref<320x128xf32, #tpu.memory_space<vmem>>, vector<1x16xf32>,
      %get3A_371 = vector.shape_cast %get3A_370 : vector<1x16xf32> to vector<16xf32>
      %mul3A_372 = vector.broadcast %squeeze3A_175 : f32 to vector<16xf32>
      %mul3A_373 = arith.mulf %get3A_371, %mul3A_372 : vector<16xf32>
      %add3A_374 = arith.addf %add3A_354, %mul3A_373 : vector<16xf32>
      %add3A_375 = arith.addf %add3A_363, %add3A_374 : vector<16xf32>
      %swap3A_376 = arith.index_cast %scan3A_151 : i32 to index
      %swap3A_377 = arith.constant 16 : index
      %swap3A_378 = tpu.vector_load %arg15[%swap3A_376, %swap3A_377] {strides = array<i32>} : memref<32x128xf32, #tpu.memory_space<vmem>>, vector<1x16xf32>,
      %swap3A_379 = vector.shape_cast %swap3A_378 : vector<1x16xf32> to vector<16xf32>
      %swap3A_380 = vector.shape_cast %add3A_375 : vector<16xf32> to vector<1x16xf32>
      tpu.vector_store %arg15[%swap3A_376, %swap3A_377], %swap3A_380 {strides = array<i32>} : memref<32x128xf32, #tpu.memory_space<vmem>>, vector<1x16xf32>,
      %add3A_381 = arith.constant 0 : i32
      %add3A_382 = arith.addi %mul3A_177, %add3A_381 : i32
      %get3A_383 = arith.index_cast %add3A_382 : i32 to index
      %get3A_384 = arith.constant 32 : index
      %get3A_385 = tpu.vector_load %arg13[%get3A_383, %get3A_384] {strides = array<i32>} : memref<320x128xf32, #tpu.memory_space<vmem>>, vector<1x16xf32>,
      %get3A_386 = vector.shape_cast %get3A_385 : vector<1x16xf32> to vector<16xf32>
      %mul3A_387 = vector.broadcast %squeeze3A : f32 to vector<16xf32>
      %mul3A_388 = arith.mulf %get3A_386, %mul3A_387 : vector<16xf32>
      %add3A_389 = arith.constant 1 : i32
      %add3A_390 = arith.addi %mul3A_177, %add3A_389 : i32
      %get3A_391 = arith.index_cast %add3A_390 : i32 to index
      %get3A_392 = arith.constant 32 : index
      %get3A_393 = tpu.vector_load %arg13[%get3A_391, %get3A_392] {strides = array<i32>} : memref<320x128xf32, #tpu.memory_space<vmem>>, vector<1x16xf32>,
      %get3A_394 = vector.shape_cast %get3A_393 : vector<1x16xf32> to vector<16xf32>
      %mul3A_395 = vector.broadcast %squeeze3A_159 : f32 to vector<16xf32>
      %mul3A_396 = arith.mulf %get3A_394, %mul3A_395 : vector<16xf32>
      %add3A_397 = arith.constant 2 : i32
      %add3A_398 = arith.addi %mul3A_177, %add3A_397 : i32
      %get3A_399 = arith.index_cast %add3A_398 : i32 to index
      %get3A_400 = arith.constant 32 : index
      %get3A_401 = tpu.vector_load %arg13[%get3A_399, %get3A_400] {strides = array<i32>} : memref<320x128xf32, #tpu.memory_space<vmem>>, vector<1x16xf32>,
      %get3A_402 = vector.shape_cast %get3A_401 : vector<1x16xf32> to vector<16xf32>
      %mul3A_403 = vector.broadcast %squeeze3A_161 : f32 to vector<16xf32>
      %mul3A_404 = arith.mulf %get3A_402, %mul3A_403 : vector<16xf32>
      %add3A_405 = arith.addf %mul3A_388, %mul3A_404 : vector<16xf32>
      %add3A_406 = arith.constant 2 : i32
      %add3A_407 = arith.addi %mul3A_177, %add3A_406 : i32
      %add3A_408 = arith.constant 1 : i32
      %add3A_409 = arith.addi %add3A_407, %add3A_408 : i32
      %get3A_410 = arith.index_cast %add3A_409 : i32 to index
      %get3A_411 = arith.constant 32 : index
      %get3A_412 = tpu.vector_load %arg13[%get3A_410, %get3A_411] {strides = array<i32>} : memref<320x128xf32, #tpu.memory_space<vmem>>, vector<1x16xf32>,
      %get3A_413 = vector.shape_cast %get3A_412 : vector<1x16xf32> to vector<16xf32>
      %mul3A_414 = vector.broadcast %squeeze3A_163 : f32 to vector<16xf32>
      %mul3A_415 = arith.mulf %get3A_413, %mul3A_414 : vector<16xf32>
      %add3A_416 = arith.addf %mul3A_396, %mul3A_415 : vector<16xf32>
      %add3A_417 = arith.constant 4 : i32
      %add3A_418 = arith.addi %mul3A_177, %add3A_417 : i32
      %get3A_419 = arith.index_cast %add3A_418 : i32 to index
      %get3A_420 = arith.constant 32 : index
      %get3A_421 = tpu.vector_load %arg13[%get3A_419, %get3A_420] {strides = array<i32>} : memref<320x128xf32, #tpu.memory_space<vmem>>, vector<1x16xf32>,
      %get3A_422 = vector.shape_cast %get3A_421 : vector<1x16xf32> to vector<16xf32>
      %mul3A_423 = vector.broadcast %squeeze3A_165 : f32 to vector<16xf32>
      %mul3A_424 = arith.mulf %get3A_422, %mul3A_423 : vector<16xf32>
      %add3A_425 = arith.addf %add3A_405, %mul3A_424 : vector<16xf32>
      %add3A_426 = arith.constant 4 : i32
      %add3A_427 = arith.addi %mul3A_177, %add3A_426 : i32
      %add3A_428 = arith.constant 1 : i32
      %add3A_429 = arith.addi %add3A_427, %add3A_428 : i32
      %get3A_430 = arith.index_cast %add3A_429 : i32 to index
      %get3A_431 = arith.constant 32 : index
      %get3A_432 = tpu.vector_load %arg13[%get3A_430, %get3A_431] {strides = array<i32>} : memref<320x128xf32, #tpu.memory_space<vmem>>, vector<1x16xf32>,
      %get3A_433 = vector.shape_cast %get3A_432 : vector<1x16xf32> to vector<16xf32>
      %mul3A_434 = vector.broadcast %squeeze3A_167 : f32 to vector<16xf32>
      %mul3A_435 = arith.mulf %get3A_433, %mul3A_434 : vector<16xf32>
      %add3A_436 = arith.addf %add3A_416, %mul3A_435 : vector<16xf32>
      %add3A_437 = arith.constant 6 : i32
      %add3A_438 = arith.addi %mul3A_177, %add3A_437 : i32
      %get3A_439 = arith.index_cast %add3A_438 : i32 to index
      %get3A_440 = arith.constant 32 : index
      %get3A_441 = tpu.vector_load %arg13[%get3A_439, %get3A_440] {strides = array<i32>} : memref<320x128xf32, #tpu.memory_space<vmem>>, vector<1x16xf32>,
      %get3A_442 = vector.shape_cast %get3A_441 : vector<1x16xf32> to vector<16xf32>
      %mul3A_443 = vector.broadcast %squeeze3A_169 : f32 to vector<16xf32>
      %mul3A_444 = arith.mulf %get3A_442, %mul3A_443 : vector<16xf32>
      %add3A_445 = arith.addf %add3A_425, %mul3A_444 : vector<16xf32>
      %add3A_446 = arith.constant 6 : i32
      %add3A_447 = arith.addi %mul3A_177, %add3A_446 : i32
      %add3A_448 = arith.constant 1 : i32
      %add3A_449 = arith.addi %add3A_447, %add3A_448 : i32
      %get3A_450 = arith.index_cast %add3A_449 : i32 to index
      %get3A_451 = arith.constant 32 : index
      %get3A_452 = tpu.vector_load %arg13[%get3A_450, %get3A_451] {strides = array<i32>} : memref<320x128xf32, #tpu.memory_space<vmem>>, vector<1x16xf32>,
      %get3A_453 = vector.shape_cast %get3A_452 : vector<1x16xf32> to vector<16xf32>
      %mul3A_454 = vector.broadcast %squeeze3A_171 : f32 to vector<16xf32>
      %mul3A_455 = arith.mulf %get3A_453, %mul3A_454 : vector<16xf32>
      %add3A_456 = arith.addf %add3A_436, %mul3A_455 : vector<16xf32>
      %add3A_457 = arith.constant 8 : i32
      %add3A_458 = arith.addi %mul3A_177, %add3A_457 : i32
      %get3A_459 = arith.index_cast %add3A_458 : i32 to index
      %get3A_460 = arith.constant 32 : index
      %get3A_461 = tpu.vector_load %arg13[%get3A_459, %get3A_460] {strides = array<i32>} : memref<320x128xf32, #tpu.memory_space<vmem>>, vector<1x16xf32>,
      %get3A_462 = vector.shape_cast %get3A_461 : vector<1x16xf32> to vector<16xf32>
      %mul3A_463 = vector.broadcast %squeeze3A_173 : f32 to vector<16xf32>
      %mul3A_464 = arith.mulf %get3A_462, %mul3A_463 : vector<16xf32>
      %add3A_465 = arith.addf %add3A_445, %mul3A_464 : vector<16xf32>
      %add3A_466 = arith.constant 8 : i32
      %add3A_467 = arith.addi %mul3A_177, %add3A_466 : i32
      %add3A_468 = arith.constant 1 : i32
      %add3A_469 = arith.addi %add3A_467, %add3A_468 : i32
      %get3A_470 = arith.index_cast %add3A_469 : i32 to index
      %get3A_471 = arith.constant 32 : index
      %get3A_472 = tpu.vector_load %arg13[%get3A_470, %get3A_471] {strides = array<i32>} : memref<320x128xf32, #tpu.memory_space<vmem>>, vector<1x16xf32>,
      %get3A_473 = vector.shape_cast %get3A_472 : vector<1x16xf32> to vector<16xf32>
      %mul3A_474 = vector.broadcast %squeeze3A_175 : f32 to vector<16xf32>
      %mul3A_475 = arith.mulf %get3A_473, %mul3A_474 : vector<16xf32>
      %add3A_476 = arith.addf %add3A_456, %mul3A_475 : vector<16xf32>
      %add3A_477 = arith.addf %add3A_465, %add3A_476 : vector<16xf32>
      %swap3A_478 = arith.index_cast %scan3A_151 : i32 to index
      %swap3A_479 = arith.constant 32 : index
      %swap3A_480 = tpu.vector_load %arg15[%swap3A_478, %swap3A_479] {strides = array<i32>} : memref<32x128xf32, #tpu.memory_space<vmem>>, vector<1x16xf32>,
      %swap3A_481 = vector.shape_cast %swap3A_480 : vector<1x16xf32> to vector<16xf32>
      %swap3A_482 = vector.shape_cast %add3A_477 : vector<16xf32> to vector<1x16xf32>
      tpu.vector_store %arg15[%swap3A_478, %swap3A_479], %swap3A_482 {strides = array<i32>} : memref<32x128xf32, #tpu.memory_space<vmem>>, vector<1x16xf32>,
      %add3A_483 = arith.constant 0 : i32
      %add3A_484 = arith.addi %mul3A_177, %add3A_483 : i32
      %get3A_485 = arith.index_cast %add3A_484 : i32 to index
      %get3A_486 = arith.constant 48 : index
      %get3A_487 = tpu.vector_load %arg13[%get3A_485, %get3A_486] {strides = array<i32>} : memref<320x128xf32, #tpu.memory_space<vmem>>, vector<1x16xf32>,
      %get3A_488 = vector.shape_cast %get3A_487 : vector<1x16xf32> to vector<16xf32>
      %mul3A_489 = vector.broadcast %squeeze3A : f32 to vector<16xf32>
      %mul3A_490 = arith.mulf %get3A_488, %mul3A_489 : vector<16xf32>
      %add3A_491 = arith.constant 1 : i32
      %add3A_492 = arith.addi %mul3A_177, %add3A_491 : i32
      %get3A_493 = arith.index_cast %add3A_492 : i32 to index
      %get3A_494 = arith.constant 48 : index
      %get3A_495 = tpu.vector_load %arg13[%get3A_493, %get3A_494] {strides = array<i32>} : memref<320x128xf32, #tpu.memory_space<vmem>>, vector<1x16xf32>,
      %get3A_496 = vector.shape_cast %get3A_495 : vector<1x16xf32> to vector<16xf32>
      %mul3A_497 = vector.broadcast %squeeze3A_159 : f32 to vector<16xf32>
      %mul3A_498 = arith.mulf %get3A_496, %mul3A_497 : vector<16xf32>
      %add3A_499 = arith.constant 2 : i32
      %add3A_500 = arith.addi %mul3A_177, %add3A_499 : i32
      %get3A_501 = arith.index_cast %add3A_500 : i32 to index
      %get3A_502 = arith.constant 48 : index
      %get3A_503 = tpu.vector_load %arg13[%get3A_501, %get3A_502] {strides = array<i32>} : memref<320x128xf32, #tpu.memory_space<vmem>>, vector<1x16xf32>,
      %get3A_504 = vector.shape_cast %get3A_503 : vector<1x16xf32> to vector<16xf32>
      %mul3A_505 = vector.broadcast %squeeze3A_161 : f32 to vector<16xf32>
      %mul3A_506 = arith.mulf %get3A_504, %mul3A_505 : vector<16xf32>
      %add3A_507 = arith.addf %mul3A_490, %mul3A_506 : vector<16xf32>
      %add3A_508 = arith.constant 2 : i32
      %add3A_509 = arith.addi %mul3A_177, %add3A_508 : i32
      %add3A_510 = arith.constant 1 : i32
      %add3A_511 = arith.addi %add3A_509, %add3A_510 : i32
      %get3A_512 = arith.index_cast %add3A_511 : i32 to index
      %get3A_513 = arith.constant 48 : index
      %get3A_514 = tpu.vector_load %arg13[%get3A_512, %get3A_513] {strides = array<i32>} : memref<320x128xf32, #tpu.memory_space<vmem>>, vector<1x16xf32>,
      %get3A_515 = vector.shape_cast %get3A_514 : vector<1x16xf32> to vector<16xf32>
      %mul3A_516 = vector.broadcast %squeeze3A_163 : f32 to vector<16xf32>
      %mul3A_517 = arith.mulf %get3A_515, %mul3A_516 : vector<16xf32>
      %add3A_518 = arith.addf %mul3A_498, %mul3A_517 : vector<16xf32>
      %add3A_519 = arith.constant 4 : i32
      %add3A_520 = arith.addi %mul3A_177, %add3A_519 : i32
      %get3A_521 = arith.index_cast %add3A_520 : i32 to index
      %get3A_522 = arith.constant 48 : index
      %get3A_523 = tpu.vector_load %arg13[%get3A_521, %get3A_522] {strides = array<i32>} : memref<320x128xf32, #tpu.memory_space<vmem>>, vector<1x16xf32>,
      %get3A_524 = vector.shape_cast %get3A_523 : vector<1x16xf32> to vector<16xf32>
      %mul3A_525 = vector.broadcast %squeeze3A_165 : f32 to vector<16xf32>
      %mul3A_526 = arith.mulf %get3A_524, %mul3A_525 : vector<16xf32>
      %add3A_527 = arith.addf %add3A_507, %mul3A_526 : vector<16xf32>
      %add3A_528 = arith.constant 4 : i32
      %add3A_529 = arith.addi %mul3A_177, %add3A_528 : i32
      %add3A_530 = arith.constant 1 : i32
      %add3A_531 = arith.addi %add3A_529, %add3A_530 : i32
      %get3A_532 = arith.index_cast %add3A_531 : i32 to index
      %get3A_533 = arith.constant 48 : index
      %get3A_534 = tpu.vector_load %arg13[%get3A_532, %get3A_533] {strides = array<i32>} : memref<320x128xf32, #tpu.memory_space<vmem>>, vector<1x16xf32>,
      %get3A_535 = vector.shape_cast %get3A_534 : vector<1x16xf32> to vector<16xf32>
      %mul3A_536 = vector.broadcast %squeeze3A_167 : f32 to vector<16xf32>
      %mul3A_537 = arith.mulf %get3A_535, %mul3A_536 : vector<16xf32>
      %add3A_538 = arith.addf %add3A_518, %mul3A_537 : vector<16xf32>
      %add3A_539 = arith.constant 6 : i32
      %add3A_540 = arith.addi %mul3A_177, %add3A_539 : i32
      %get3A_541 = arith.index_cast %add3A_540 : i32 to index
      %get3A_542 = arith.constant 48 : index
      %get3A_543 = tpu.vector_load %arg13[%get3A_541, %get3A_542] {strides = array<i32>} : memref<320x128xf32, #tpu.memory_space<vmem>>, vector<1x16xf32>,
      %get3A_544 = vector.shape_cast %get3A_543 : vector<1x16xf32> to vector<16xf32>
      %mul3A_545 = vector.broadcast %squeeze3A_169 : f32 to vector<16xf32>
      %mul3A_546 = arith.mulf %get3A_544, %mul3A_545 : vector<16xf32>
      %add3A_547 = arith.addf %add3A_527, %mul3A_546 : vector<16xf32>
      %add3A_548 = arith.constant 6 : i32
      %add3A_549 = arith.addi %mul3A_177, %add3A_548 : i32
      %add3A_550 = arith.constant 1 : i32
      %add3A_551 = arith.addi %add3A_549, %add3A_550 : i32
      %get3A_552 = arith.index_cast %add3A_551 : i32 to index
      %get3A_553 = arith.constant 48 : index
      %get3A_554 = tpu.vector_load %arg13[%get3A_552, %get3A_553] {strides = array<i32>} : memref<320x128xf32, #tpu.memory_space<vmem>>, vector<1x16xf32>,
      %get3A_555 = vector.shape_cast %get3A_554 : vector<1x16xf32> to vector<16xf32>
      %mul3A_556 = vector.broadcast %squeeze3A_171 : f32 to vector<16xf32>
      %mul3A_557 = arith.mulf %get3A_555, %mul3A_556 : vector<16xf32>
      %add3A_558 = arith.addf %add3A_538, %mul3A_557 : vector<16xf32>
      %add3A_559 = arith.constant 8 : i32
      %add3A_560 = arith.addi %mul3A_177, %add3A_559 : i32
      %get3A_561 = arith.index_cast %add3A_560 : i32 to index
      %get3A_562 = arith.constant 48 : index
      %get3A_563 = tpu.vector_load %arg13[%get3A_561, %get3A_562] {strides = array<i32>} : memref<320x128xf32, #tpu.memory_space<vmem>>, vector<1x16xf32>,
      %get3A_564 = vector.shape_cast %get3A_563 : vector<1x16xf32> to vector<16xf32>
      %mul3A_565 = vector.broadcast %squeeze3A_173 : f32 to vector<16xf32>
      %mul3A_566 = arith.mulf %get3A_564, %mul3A_565 : vector<16xf32>
      %add3A_567 = arith.addf %add3A_547, %mul3A_566 : vector<16xf32>
      %add3A_568 = arith.constant 8 : i32
      %add3A_569 = arith.addi %mul3A_177, %add3A_568 : i32
      %add3A_570 = arith.constant 1 : i32
      %add3A_571 = arith.addi %add3A_569, %add3A_570 : i32
      %get3A_572 = arith.index_cast %add3A_571 : i32 to index
      %get3A_573 = arith.constant 48 : index
      %get3A_574 = tpu.vector_load %arg13[%get3A_572, %get3A_573] {strides = array<i32>} : memref<320x128xf32, #tpu.memory_space<vmem>>, vector<1x16xf32>,
      %get3A_575 = vector.shape_cast %get3A_574 : vector<1x16xf32> to vector<16xf32>
      %mul3A_576 = vector.broadcast %squeeze3A_175 : f32 to vector<16xf32>
      %mul3A_577 = arith.mulf %get3A_575, %mul3A_576 : vector<16xf32>
      %add3A_578 = arith.addf %add3A_558, %mul3A_577 : vector<16xf32>
      %add3A_579 = arith.addf %add3A_567, %add3A_578 : vector<16xf32>
      %swap3A_580 = arith.index_cast %scan3A_151 : i32 to index
      %swap3A_581 = arith.constant 48 : index
      %swap3A_582 = tpu.vector_load %arg15[%swap3A_580, %swap3A_581] {strides = array<i32>} : memref<32x128xf32, #tpu.memory_space<vmem>>, vector<1x16xf32>,
      %swap3A_583 = vector.shape_cast %swap3A_582 : vector<1x16xf32> to vector<16xf32>
      %swap3A_584 = vector.shape_cast %add3A_579 : vector<16xf32> to vector<1x16xf32>
      tpu.vector_store %arg15[%swap3A_580, %swap3A_581], %swap3A_584 {strides = array<i32>} : memref<32x128xf32, #tpu.memory_space<vmem>>, vector<1x16xf32>,
      %add3A_585 = arith.constant 0 : i32
      %add3A_586 = arith.addi %mul3A_177, %add3A_585 : i32
      %get3A_587 = arith.index_cast %add3A_586 : i32 to index
      %get3A_588 = arith.constant 64 : index
      %get3A_589 = tpu.vector_load %arg13[%get3A_587, %get3A_588] {strides = array<i32>} : memref<320x128xf32, #tpu.memory_space<vmem>>, vector<1x16xf32>,
      %get3A_590 = vector.shape_cast %get3A_589 : vector<1x16xf32> to vector<16xf32>
      %mul3A_591 = vector.broadcast %squeeze3A : f32 to vector<16xf32>
      %mul3A_592 = arith.mulf %get3A_590, %mul3A_591 : vector<16xf32>
      %add3A_593 = arith.constant 1 : i32
      %add3A_594 = arith.addi %mul3A_177, %add3A_593 : i32
      %get3A_595 = arith.index_cast %add3A_594 : i32 to index
      %get3A_596 = arith.constant 64 : index
      %get3A_597 = tpu.vector_load %arg13[%get3A_595, %get3A_596] {strides = array<i32>} : memref<320x128xf32, #tpu.memory_space<vmem>>, vector<1x16xf32>,
      %get3A_598 = vector.shape_cast %get3A_597 : vector<1x16xf32> to vector<16xf32>
      %mul3A_599 = vector.broadcast %squeeze3A_159 : f32 to vector<16xf32>
      %mul3A_600 = arith.mulf %get3A_598, %mul3A_599 : vector<16xf32>
      %add3A_601 = arith.constant 2 : i32
      %add3A_602 = arith.addi %mul3A_177, %add3A_601 : i32
      %get3A_603 = arith.index_cast %add3A_602 : i32 to index
      %get3A_604 = arith.constant 64 : index
      %get3A_605 = tpu.vector_load %arg13[%get3A_603, %get3A_604] {strides = array<i32>} : memref<320x128xf32, #tpu.memory_space<vmem>>, vector<1x16xf32>,
      %get3A_606 = vector.shape_cast %get3A_605 : vector<1x16xf32> to vector<16xf32>
      %mul3A_607 = vector.broadcast %squeeze3A_161 : f32 to vector<16xf32>
      %mul3A_608 = arith.mulf %get3A_606, %mul3A_607 : vector<16xf32>
      %add3A_609 = arith.addf %mul3A_592, %mul3A_608 : vector<16xf32>
      %add3A_610 = arith.constant 2 : i32
      %add3A_611 = arith.addi %mul3A_177, %add3A_610 : i32
      %add3A_612 = arith.constant 1 : i32
      %add3A_613 = arith.addi %add3A_611, %add3A_612 : i32
      %get3A_614 = arith.index_cast %add3A_613 : i32 to index
      %get3A_615 = arith.constant 64 : index
      %get3A_616 = tpu.vector_load %arg13[%get3A_614, %get3A_615] {strides = array<i32>} : memref<320x128xf32, #tpu.memory_space<vmem>>, vector<1x16xf32>,
      %get3A_617 = vector.shape_cast %get3A_616 : vector<1x16xf32> to vector<16xf32>
      %mul3A_618 = vector.broadcast %squeeze3A_163 : f32 to vector<16xf32>
      %mul3A_619 = arith.mulf %get3A_617, %mul3A_618 : vector<16xf32>
      %add3A_620 = arith.addf %mul3A_600, %mul3A_619 : vector<16xf32>
      %add3A_621 = arith.constant 4 : i32
      %add3A_622 = arith.addi %mul3A_177, %add3A_621 : i32
      %get3A_623 = arith.index_cast %add3A_622 : i32 to index
      %get3A_624 = arith.constant 64 : index
      %get3A_625 = tpu.vector_load %arg13[%get3A_623, %get3A_624] {strides = array<i32>} : memref<320x128xf32, #tpu.memory_space<vmem>>, vector<1x16xf32>,
      %get3A_626 = vector.shape_cast %get3A_625 : vector<1x16xf32> to vector<16xf32>
      %mul3A_627 = vector.broadcast %squeeze3A_165 : f32 to vector<16xf32>
      %mul3A_628 = arith.mulf %get3A_626, %mul3A_627 : vector<16xf32>
      %add3A_629 = arith.addf %add3A_609, %mul3A_628 : vector<16xf32>
      %add3A_630 = arith.constant 4 : i32
      %add3A_631 = arith.addi %mul3A_177, %add3A_630 : i32
      %add3A_632 = arith.constant 1 : i32
      %add3A_633 = arith.addi %add3A_631, %add3A_632 : i32
      %get3A_634 = arith.index_cast %add3A_633 : i32 to index
      %get3A_635 = arith.constant 64 : index
      %get3A_636 = tpu.vector_load %arg13[%get3A_634, %get3A_635] {strides = array<i32>} : memref<320x128xf32, #tpu.memory_space<vmem>>, vector<1x16xf32>,
      %get3A_637 = vector.shape_cast %get3A_636 : vector<1x16xf32> to vector<16xf32>
      %mul3A_638 = vector.broadcast %squeeze3A_167 : f32 to vector<16xf32>
      %mul3A_639 = arith.mulf %get3A_637, %mul3A_638 : vector<16xf32>
      %add3A_640 = arith.addf %add3A_620, %mul3A_639 : vector<16xf32>
      %add3A_641 = arith.constant 6 : i32
      %add3A_642 = arith.addi %mul3A_177, %add3A_641 : i32
      %get3A_643 = arith.index_cast %add3A_642 : i32 to index
      %get3A_644 = arith.constant 64 : index
      %get3A_645 = tpu.vector_load %arg13[%get3A_643, %get3A_644] {strides = array<i32>} : memref<320x128xf32, #tpu.memory_space<vmem>>, vector<1x16xf32>,
      %get3A_646 = vector.shape_cast %get3A_645 : vector<1x16xf32> to vector<16xf32>
      %mul3A_647 = vector.broadcast %squeeze3A_169 : f32 to vector<16xf32>
      %mul3A_648 = arith.mulf %get3A_646, %mul3A_647 : vector<16xf32>
      %add3A_649 = arith.addf %add3A_629, %mul3A_648 : vector<16xf32>
      %add3A_650 = arith.constant 6 : i32
      %add3A_651 = arith.addi %mul3A_177, %add3A_650 : i32
      %add3A_652 = arith.constant 1 : i32
      %add3A_653 = arith.addi %add3A_651, %add3A_652 : i32
      %get3A_654 = arith.index_cast %add3A_653 : i32 to index
      %get3A_655 = arith.constant 64 : index
      %get3A_656 = tpu.vector_load %arg13[%get3A_654, %get3A_655] {strides = array<i32>} : memref<320x128xf32, #tpu.memory_space<vmem>>, vector<1x16xf32>,
      %get3A_657 = vector.shape_cast %get3A_656 : vector<1x16xf32> to vector<16xf32>
      %mul3A_658 = vector.broadcast %squeeze3A_171 : f32 to vector<16xf32>
      %mul3A_659 = arith.mulf %get3A_657, %mul3A_658 : vector<16xf32>
      %add3A_660 = arith.addf %add3A_640, %mul3A_659 : vector<16xf32>
      %add3A_661 = arith.constant 8 : i32
      %add3A_662 = arith.addi %mul3A_177, %add3A_661 : i32
      %get3A_663 = arith.index_cast %add3A_662 : i32 to index
      %get3A_664 = arith.constant 64 : index
      %get3A_665 = tpu.vector_load %arg13[%get3A_663, %get3A_664] {strides = array<i32>} : memref<320x128xf32, #tpu.memory_space<vmem>>, vector<1x16xf32>,
      %get3A_666 = vector.shape_cast %get3A_665 : vector<1x16xf32> to vector<16xf32>
      %mul3A_667 = vector.broadcast %squeeze3A_173 : f32 to vector<16xf32>
      %mul3A_668 = arith.mulf %get3A_666, %mul3A_667 : vector<16xf32>
      %add3A_669 = arith.addf %add3A_649, %mul3A_668 : vector<16xf32>
      %add3A_670 = arith.constant 8 : i32
      %add3A_671 = arith.addi %mul3A_177, %add3A_670 : i32
      %add3A_672 = arith.constant 1 : i32
      %add3A_673 = arith.addi %add3A_671, %add3A_672 : i32
      %get3A_674 = arith.index_cast %add3A_673 : i32 to index
      %get3A_675 = arith.constant 64 : index
      %get3A_676 = tpu.vector_load %arg13[%get3A_674, %get3A_675] {strides = array<i32>} : memref<320x128xf32, #tpu.memory_space<vmem>>, vector<1x16xf32>,
      %get3A_677 = vector.shape_cast %get3A_676 : vector<1x16xf32> to vector<16xf32>
      %mul3A_678 = vector.broadcast %squeeze3A_175 : f32 to vector<16xf32>
      %mul3A_679 = arith.mulf %get3A_677, %mul3A_678 : vector<16xf32>
      %add3A_680 = arith.addf %add3A_660, %mul3A_679 : vector<16xf32>
      %add3A_681 = arith.addf %add3A_669, %add3A_680 : vector<16xf32>
      %swap3A_682 = arith.index_cast %scan3A_151 : i32 to index
      %swap3A_683 = arith.constant 64 : index
      %swap3A_684 = tpu.vector_load %arg15[%swap3A_682, %swap3A_683] {strides = array<i32>} : memref<32x128xf32, #tpu.memory_space<vmem>>, vector<1x16xf32>,
      %swap3A_685 = vector.shape_cast %swap3A_684 : vector<1x16xf32> to vector<16xf32>
      %swap3A_686 = vector.shape_cast %add3A_681 : vector<16xf32> to vector<1x16xf32>
      tpu.vector_store %arg15[%swap3A_682, %swap3A_683], %swap3A_686 {strides = array<i32>} : memref<32x128xf32, #tpu.memory_space<vmem>>, vector<1x16xf32>,
      %add3A_687 = arith.constant 0 : i32
      %add3A_688 = arith.addi %mul3A_177, %add3A_687 : i32
      %get3A_689 = arith.index_cast %add3A_688 : i32 to index
      %get3A_690 = arith.constant 80 : index
      %get3A_691 = tpu.vector_load %arg13[%get3A_689, %get3A_690] {strides = array<i32>} : memref<320x128xf32, #tpu.memory_space<vmem>>, vector<1x16xf32>,
      %get3A_692 = vector.shape_cast %get3A_691 : vector<1x16xf32> to vector<16xf32>
      %mul3A_693 = vector.broadcast %squeeze3A : f32 to vector<16xf32>
      %mul3A_694 = arith.mulf %get3A_692, %mul3A_693 : vector<16xf32>
      %add3A_695 = arith.constant 1 : i32
      %add3A_696 = arith.addi %mul3A_177, %add3A_695 : i32
      %get3A_697 = arith.index_cast %add3A_696 : i32 to index
      %get3A_698 = arith.constant 80 : index
      %get3A_699 = tpu.vector_load %arg13[%get3A_697, %get3A_698] {strides = array<i32>} : memref<320x128xf32, #tpu.memory_space<vmem>>, vector<1x16xf32>,
      %get3A_700 = vector.shape_cast %get3A_699 : vector<1x16xf32> to vector<16xf32>
      %mul3A_701 = vector.broadcast %squeeze3A_159 : f32 to vector<16xf32>
      %mul3A_702 = arith.mulf %get3A_700, %mul3A_701 : vector<16xf32>
      %add3A_703 = arith.constant 2 : i32
      %add3A_704 = arith.addi %mul3A_177, %add3A_703 : i32
      %get3A_705 = arith.index_cast %add3A_704 : i32 to index
      %get3A_706 = arith.constant 80 : index
      %get3A_707 = tpu.vector_load %arg13[%get3A_705, %get3A_706] {strides = array<i32>} : memref<320x128xf32, #tpu.memory_space<vmem>>, vector<1x16xf32>,
      %get3A_708 = vector.shape_cast %get3A_707 : vector<1x16xf32> to vector<16xf32>
      %mul3A_709 = vector.broadcast %squeeze3A_161 : f32 to vector<16xf32>
      %mul3A_710 = arith.mulf %get3A_708, %mul3A_709 : vector<16xf32>
      %add3A_711 = arith.addf %mul3A_694, %mul3A_710 : vector<16xf32>
      %add3A_712 = arith.constant 2 : i32
      %add3A_713 = arith.addi %mul3A_177, %add3A_712 : i32
      %add3A_714 = arith.constant 1 : i32
      %add3A_715 = arith.addi %add3A_713, %add3A_714 : i32
      %get3A_716 = arith.index_cast %add3A_715 : i32 to index
      %get3A_717 = arith.constant 80 : index
      %get3A_718 = tpu.vector_load %arg13[%get3A_716, %get3A_717] {strides = array<i32>} : memref<320x128xf32, #tpu.memory_space<vmem>>, vector<1x16xf32>,
      %get3A_719 = vector.shape_cast %get3A_718 : vector<1x16xf32> to vector<16xf32>
      %mul3A_720 = vector.broadcast %squeeze3A_163 : f32 to vector<16xf32>
      %mul3A_721 = arith.mulf %get3A_719, %mul3A_720 : vector<16xf32>
      %add3A_722 = arith.addf %mul3A_702, %mul3A_721 : vector<16xf32>
      %add3A_723 = arith.constant 4 : i32
      %add3A_724 = arith.addi %mul3A_177, %add3A_723 : i32
      %get3A_725 = arith.index_cast %add3A_724 : i32 to index
      %get3A_726 = arith.constant 80 : index
      %get3A_727 = tpu.vector_load %arg13[%get3A_725, %get3A_726] {strides = array<i32>} : memref<320x128xf32, #tpu.memory_space<vmem>>, vector<1x16xf32>,
      %get3A_728 = vector.shape_cast %get3A_727 : vector<1x16xf32> to vector<16xf32>
      %mul3A_729 = vector.broadcast %squeeze3A_165 : f32 to vector<16xf32>
      %mul3A_730 = arith.mulf %get3A_728, %mul3A_729 : vector<16xf32>
      %add3A_731 = arith.addf %add3A_711, %mul3A_730 : vector<16xf32>
      %add3A_732 = arith.constant 4 : i32
      %add3A_733 = arith.addi %mul3A_177, %add3A_732 : i32
      %add3A_734 = arith.constant 1 : i32
      %add3A_735 = arith.addi %add3A_733, %add3A_734 : i32
      %get3A_736 = arith.index_cast %add3A_735 : i32 to index
      %get3A_737 = arith.constant 80 : index
      %get3A_738 = tpu.vector_load %arg13[%get3A_736, %get3A_737] {strides = array<i32>} : memref<320x128xf32, #tpu.memory_space<vmem>>, vector<1x16xf32>,
      %get3A_739 = vector.shape_cast %get3A_738 : vector<1x16xf32> to vector<16xf32>
      %mul3A_740 = vector.broadcast %squeeze3A_167 : f32 to vector<16xf32>
      %mul3A_741 = arith.mulf %get3A_739, %mul3A_740 : vector<16xf32>
      %add3A_742 = arith.addf %add3A_722, %mul3A_741 : vector<16xf32>
      %add3A_743 = arith.constant 6 : i32
      %add3A_744 = arith.addi %mul3A_177, %add3A_743 : i32
      %get3A_745 = arith.index_cast %add3A_744 : i32 to index
      %get3A_746 = arith.constant 80 : index
      %get3A_747 = tpu.vector_load %arg13[%get3A_745, %get3A_746] {strides = array<i32>} : memref<320x128xf32, #tpu.memory_space<vmem>>, vector<1x16xf32>,
      %get3A_748 = vector.shape_cast %get3A_747 : vector<1x16xf32> to vector<16xf32>
      %mul3A_749 = vector.broadcast %squeeze3A_169 : f32 to vector<16xf32>
      %mul3A_750 = arith.mulf %get3A_748, %mul3A_749 : vector<16xf32>
      %add3A_751 = arith.addf %add3A_731, %mul3A_750 : vector<16xf32>
      %add3A_752 = arith.constant 6 : i32
      %add3A_753 = arith.addi %mul3A_177, %add3A_752 : i32
      %add3A_754 = arith.constant 1 : i32
      %add3A_755 = arith.addi %add3A_753, %add3A_754 : i32
      %get3A_756 = arith.index_cast %add3A_755 : i32 to index
      %get3A_757 = arith.constant 80 : index
      %get3A_758 = tpu.vector_load %arg13[%get3A_756, %get3A_757] {strides = array<i32>} : memref<320x128xf32, #tpu.memory_space<vmem>>, vector<1x16xf32>,
      %get3A_759 = vector.shape_cast %get3A_758 : vector<1x16xf32> to vector<16xf32>
      %mul3A_760 = vector.broadcast %squeeze3A_171 : f32 to vector<16xf32>
      %mul3A_761 = arith.mulf %get3A_759, %mul3A_760 : vector<16xf32>
      %add3A_762 = arith.addf %add3A_742, %mul3A_761 : vector<16xf32>
      %add3A_763 = arith.constant 8 : i32
      %add3A_764 = arith.addi %mul3A_177, %add3A_763 : i32
      %get3A_765 = arith.index_cast %add3A_764 : i32 to index
      %get3A_766 = arith.constant 80 : index
      %get3A_767 = tpu.vector_load %arg13[%get3A_765, %get3A_766] {strides = array<i32>} : memref<320x128xf32, #tpu.memory_space<vmem>>, vector<1x16xf32>,
      %get3A_768 = vector.shape_cast %get3A_767 : vector<1x16xf32> to vector<16xf32>
      %mul3A_769 = vector.broadcast %squeeze3A_173 : f32 to vector<16xf32>
      %mul3A_770 = arith.mulf %get3A_768, %mul3A_769 : vector<16xf32>
      %add3A_771 = arith.addf %add3A_751, %mul3A_770 : vector<16xf32>
      %add3A_772 = arith.constant 8 : i32
      %add3A_773 = arith.addi %mul3A_177, %add3A_772 : i32
      %add3A_774 = arith.constant 1 : i32
      %add3A_775 = arith.addi %add3A_773, %add3A_774 : i32
      %get3A_776 = arith.index_cast %add3A_775 : i32 to index
      %get3A_777 = arith.constant 80 : index
      %get3A_778 = tpu.vector_load %arg13[%get3A_776, %get3A_777] {strides = array<i32>} : memref<320x128xf32, #tpu.memory_space<vmem>>, vector<1x16xf32>,
      %get3A_779 = vector.shape_cast %get3A_778 : vector<1x16xf32> to vector<16xf32>
      %mul3A_780 = vector.broadcast %squeeze3A_175 : f32 to vector<16xf32>
      %mul3A_781 = arith.mulf %get3A_779, %mul3A_780 : vector<16xf32>
      %add3A_782 = arith.addf %add3A_762, %mul3A_781 : vector<16xf32>
      %add3A_783 = arith.addf %add3A_771, %add3A_782 : vector<16xf32>
      %swap3A_784 = arith.index_cast %scan3A_151 : i32 to index
      %swap3A_785 = arith.constant 80 : index
      %swap3A_786 = tpu.vector_load %arg15[%swap3A_784, %swap3A_785] {strides = array<i32>} : memref<32x128xf32, #tpu.memory_space<vmem>>, vector<1x16xf32>,
      %swap3A_787 = vector.shape_cast %swap3A_786 : vector<1x16xf32> to vector<16xf32>
      %swap3A_788 = vector.shape_cast %add3A_783 : vector<16xf32> to vector<1x16xf32>
      tpu.vector_store %arg15[%swap3A_784, %swap3A_785], %swap3A_788 {strides = array<i32>} : memref<32x128xf32, #tpu.memory_space<vmem>>, vector<1x16xf32>,
      %add3A_789 = arith.constant 0 : i32
      %add3A_790 = arith.addi %mul3A_177, %add3A_789 : i32
      %get3A_791 = arith.index_cast %add3A_790 : i32 to index
      %get3A_792 = arith.constant 96 : index
      %get3A_793 = tpu.vector_load %arg13[%get3A_791, %get3A_792] {strides = array<i32>} : memref<320x128xf32, #tpu.memory_space<vmem>>, vector<1x16xf32>,
      %get3A_794 = vector.shape_cast %get3A_793 : vector<1x16xf32> to vector<16xf32>
      %mul3A_795 = vector.broadcast %squeeze3A : f32 to vector<16xf32>
      %mul3A_796 = arith.mulf %get3A_794, %mul3A_795 : vector<16xf32>
      %add3A_797 = arith.constant 1 : i32
      %add3A_798 = arith.addi %mul3A_177, %add3A_797 : i32
      %get3A_799 = arith.index_cast %add3A_798 : i32 to index
      %get3A_800 = arith.constant 96 : index
      %get3A_801 = tpu.vector_load %arg13[%get3A_799, %get3A_800] {strides = array<i32>} : memref<320x128xf32, #tpu.memory_space<vmem>>, vector<1x16xf32>,
      %get3A_802 = vector.shape_cast %get3A_801 : vector<1x16xf32> to vector<16xf32>
      %mul3A_803 = vector.broadcast %squeeze3A_159 : f32 to vector<16xf32>
      %mul3A_804 = arith.mulf %get3A_802, %mul3A_803 : vector<16xf32>
      %add3A_805 = arith.constant 2 : i32
      %add3A_806 = arith.addi %mul3A_177, %add3A_805 : i32
      %get3A_807 = arith.index_cast %add3A_806 : i32 to index
      %get3A_808 = arith.constant 96 : index
      %get3A_809 = tpu.vector_load %arg13[%get3A_807, %get3A_808] {strides = array<i32>} : memref<320x128xf32, #tpu.memory_space<vmem>>, vector<1x16xf32>,
      %get3A_810 = vector.shape_cast %get3A_809 : vector<1x16xf32> to vector<16xf32>
      %mul3A_811 = vector.broadcast %squeeze3A_161 : f32 to vector<16xf32>
      %mul3A_812 = arith.mulf %get3A_810, %mul3A_811 : vector<16xf32>
      %add3A_813 = arith.addf %mul3A_796, %mul3A_812 : vector<16xf32>
      %add3A_814 = arith.constant 2 : i32
      %add3A_815 = arith.addi %mul3A_177, %add3A_814 : i32
      %add3A_816 = arith.constant 1 : i32
      %add3A_817 = arith.addi %add3A_815, %add3A_816 : i32
      %get3A_818 = arith.index_cast %add3A_817 : i32 to index
      %get3A_819 = arith.constant 96 : index
      %get3A_820 = tpu.vector_load %arg13[%get3A_818, %get3A_819] {strides = array<i32>} : memref<320x128xf32, #tpu.memory_space<vmem>>, vector<1x16xf32>,
      %get3A_821 = vector.shape_cast %get3A_820 : vector<1x16xf32> to vector<16xf32>
      %mul3A_822 = vector.broadcast %squeeze3A_163 : f32 to vector<16xf32>
      %mul3A_823 = arith.mulf %get3A_821, %mul3A_822 : vector<16xf32>
      %add3A_824 = arith.addf %mul3A_804, %mul3A_823 : vector<16xf32>
      %add3A_825 = arith.constant 4 : i32
      %add3A_826 = arith.addi %mul3A_177, %add3A_825 : i32
      %get3A_827 = arith.index_cast %add3A_826 : i32 to index
      %get3A_828 = arith.constant 96 : index
      %get3A_829 = tpu.vector_load %arg13[%get3A_827, %get3A_828] {strides = array<i32>} : memref<320x128xf32, #tpu.memory_space<vmem>>, vector<1x16xf32>,
      %get3A_830 = vector.shape_cast %get3A_829 : vector<1x16xf32> to vector<16xf32>
      %mul3A_831 = vector.broadcast %squeeze3A_165 : f32 to vector<16xf32>
      %mul3A_832 = arith.mulf %get3A_830, %mul3A_831 : vector<16xf32>
      %add3A_833 = arith.addf %add3A_813, %mul3A_832 : vector<16xf32>
      %add3A_834 = arith.constant 4 : i32
      %add3A_835 = arith.addi %mul3A_177, %add3A_834 : i32
      %add3A_836 = arith.constant 1 : i32
      %add3A_837 = arith.addi %add3A_835, %add3A_836 : i32
      %get3A_838 = arith.index_cast %add3A_837 : i32 to index
      %get3A_839 = arith.constant 96 : index
      %get3A_840 = tpu.vector_load %arg13[%get3A_838, %get3A_839] {strides = array<i32>} : memref<320x128xf32, #tpu.memory_space<vmem>>, vector<1x16xf32>,
      %get3A_841 = vector.shape_cast %get3A_840 : vector<1x16xf32> to vector<16xf32>
      %mul3A_842 = vector.broadcast %squeeze3A_167 : f32 to vector<16xf32>
      %mul3A_843 = arith.mulf %get3A_841, %mul3A_842 : vector<16xf32>
      %add3A_844 = arith.addf %add3A_824, %mul3A_843 : vector<16xf32>
      %add3A_845 = arith.constant 6 : i32
      %add3A_846 = arith.addi %mul3A_177, %add3A_845 : i32
      %get3A_847 = arith.index_cast %add3A_846 : i32 to index
      %get3A_848 = arith.constant 96 : index
      %get3A_849 = tpu.vector_load %arg13[%get3A_847, %get3A_848] {strides = array<i32>} : memref<320x128xf32, #tpu.memory_space<vmem>>, vector<1x16xf32>,
      %get3A_850 = vector.shape_cast %get3A_849 : vector<1x16xf32> to vector<16xf32>
      %mul3A_851 = vector.broadcast %squeeze3A_169 : f32 to vector<16xf32>
      %mul3A_852 = arith.mulf %get3A_850, %mul3A_851 : vector<16xf32>
      %add3A_853 = arith.addf %add3A_833, %mul3A_852 : vector<16xf32>
      %add3A_854 = arith.constant 6 : i32
      %add3A_855 = arith.addi %mul3A_177, %add3A_854 : i32
      %add3A_856 = arith.constant 1 : i32
      %add3A_857 = arith.addi %add3A_855, %add3A_856 : i32
      %get3A_858 = arith.index_cast %add3A_857 : i32 to index
      %get3A_859 = arith.constant 96 : index
      %get3A_860 = tpu.vector_load %arg13[%get3A_858, %get3A_859] {strides = array<i32>} : memref<320x128xf32, #tpu.memory_space<vmem>>, vector<1x16xf32>,
      %get3A_861 = vector.shape_cast %get3A_860 : vector<1x16xf32> to vector<16xf32>
      %mul3A_862 = vector.broadcast %squeeze3A_171 : f32 to vector<16xf32>
      %mul3A_863 = arith.mulf %get3A_861, %mul3A_862 : vector<16xf32>
      %add3A_864 = arith.addf %add3A_844, %mul3A_863 : vector<16xf32>
      %add3A_865 = arith.constant 8 : i32
      %add3A_866 = arith.addi %mul3A_177, %add3A_865 : i32
      %get3A_867 = arith.index_cast %add3A_866 : i32 to index
      %get3A_868 = arith.constant 96 : index
      %get3A_869 = tpu.vector_load %arg13[%get3A_867, %get3A_868] {strides = array<i32>} : memref<320x128xf32, #tpu.memory_space<vmem>>, vector<1x16xf32>,
      %get3A_870 = vector.shape_cast %get3A_869 : vector<1x16xf32> to vector<16xf32>
      %mul3A_871 = vector.broadcast %squeeze3A_173 : f32 to vector<16xf32>
      %mul3A_872 = arith.mulf %get3A_870, %mul3A_871 : vector<16xf32>
      %add3A_873 = arith.addf %add3A_853, %mul3A_872 : vector<16xf32>
      %add3A_874 = arith.constant 8 : i32
      %add3A_875 = arith.addi %mul3A_177, %add3A_874 : i32
      %add3A_876 = arith.constant 1 : i32
      %add3A_877 = arith.addi %add3A_875, %add3A_876 : i32
      %get3A_878 = arith.index_cast %add3A_877 : i32 to index
      %get3A_879 = arith.constant 96 : index
      %get3A_880 = tpu.vector_load %arg13[%get3A_878, %get3A_879] {strides = array<i32>} : memref<320x128xf32, #tpu.memory_space<vmem>>, vector<1x16xf32>,
      %get3A_881 = vector.shape_cast %get3A_880 : vector<1x16xf32> to vector<16xf32>
      %mul3A_882 = vector.broadcast %squeeze3A_175 : f32 to vector<16xf32>
      %mul3A_883 = arith.mulf %get3A_881, %mul3A_882 : vector<16xf32>
      %add3A_884 = arith.addf %add3A_864, %mul3A_883 : vector<16xf32>
      %add3A_885 = arith.addf %add3A_873, %add3A_884 : vector<16xf32>
      %swap3A_886 = arith.index_cast %scan3A_151 : i32 to index
      %swap3A_887 = arith.constant 96 : index
      %swap3A_888 = tpu.vector_load %arg15[%swap3A_886, %swap3A_887] {strides = array<i32>} : memref<32x128xf32, #tpu.memory_space<vmem>>, vector<1x16xf32>,
      %swap3A_889 = vector.shape_cast %swap3A_888 : vector<1x16xf32> to vector<16xf32>
      %swap3A_890 = vector.shape_cast %add3A_885 : vector<16xf32> to vector<1x16xf32>
      tpu.vector_store %arg15[%swap3A_886, %swap3A_887], %swap3A_890 {strides = array<i32>} : memref<32x128xf32, #tpu.memory_space<vmem>>, vector<1x16xf32>,
      %add3A_891 = arith.constant 0 : i32
      %add3A_892 = arith.addi %mul3A_177, %add3A_891 : i32
      %get3A_893 = arith.index_cast %add3A_892 : i32 to index
      %get3A_894 = arith.constant 112 : index
      %get3A_895 = tpu.vector_load %arg13[%get3A_893, %get3A_894] {strides = array<i32>} : memref<320x128xf32, #tpu.memory_space<vmem>>, vector<1x16xf32>,
      %get3A_896 = vector.shape_cast %get3A_895 : vector<1x16xf32> to vector<16xf32>
      %mul3A_897 = vector.broadcast %squeeze3A : f32 to vector<16xf32>
      %mul3A_898 = arith.mulf %get3A_896, %mul3A_897 : vector<16xf32>
      %add3A_899 = arith.constant 1 : i32
      %add3A_900 = arith.addi %mul3A_177, %add3A_899 : i32
      %get3A_901 = arith.index_cast %add3A_900 : i32 to index
      %get3A_902 = arith.constant 112 : index
      %get3A_903 = tpu.vector_load %arg13[%get3A_901, %get3A_902] {strides = array<i32>} : memref<320x128xf32, #tpu.memory_space<vmem>>, vector<1x16xf32>,
      %get3A_904 = vector.shape_cast %get3A_903 : vector<1x16xf32> to vector<16xf32>
      %mul3A_905 = vector.broadcast %squeeze3A_159 : f32 to vector<16xf32>
      %mul3A_906 = arith.mulf %get3A_904, %mul3A_905 : vector<16xf32>
      %add3A_907 = arith.constant 2 : i32
      %add3A_908 = arith.addi %mul3A_177, %add3A_907 : i32
      %get3A_909 = arith.index_cast %add3A_908 : i32 to index
      %get3A_910 = arith.constant 112 : index
      %get3A_911 = tpu.vector_load %arg13[%get3A_909, %get3A_910] {strides = array<i32>} : memref<320x128xf32, #tpu.memory_space<vmem>>, vector<1x16xf32>,
      %get3A_912 = vector.shape_cast %get3A_911 : vector<1x16xf32> to vector<16xf32>
      %mul3A_913 = vector.broadcast %squeeze3A_161 : f32 to vector<16xf32>
      %mul3A_914 = arith.mulf %get3A_912, %mul3A_913 : vector<16xf32>
      %add3A_915 = arith.addf %mul3A_898, %mul3A_914 : vector<16xf32>
      %add3A_916 = arith.constant 2 : i32
      %add3A_917 = arith.addi %mul3A_177, %add3A_916 : i32
      %add3A_918 = arith.constant 1 : i32
      %add3A_919 = arith.addi %add3A_917, %add3A_918 : i32
      %get3A_920 = arith.index_cast %add3A_919 : i32 to index
      %get3A_921 = arith.constant 112 : index
      %get3A_922 = tpu.vector_load %arg13[%get3A_920, %get3A_921] {strides = array<i32>} : memref<320x128xf32, #tpu.memory_space<vmem>>, vector<1x16xf32>,
      %get3A_923 = vector.shape_cast %get3A_922 : vector<1x16xf32> to vector<16xf32>
      %mul3A_924 = vector.broadcast %squeeze3A_163 : f32 to vector<16xf32>
      %mul3A_925 = arith.mulf %get3A_923, %mul3A_924 : vector<16xf32>
      %add3A_926 = arith.addf %mul3A_906, %mul3A_925 : vector<16xf32>
      %add3A_927 = arith.constant 4 : i32
      %add3A_928 = arith.addi %mul3A_177, %add3A_927 : i32
      %get3A_929 = arith.index_cast %add3A_928 : i32 to index
      %get3A_930 = arith.constant 112 : index
      %get3A_931 = tpu.vector_load %arg13[%get3A_929, %get3A_930] {strides = array<i32>} : memref<320x128xf32, #tpu.memory_space<vmem>>, vector<1x16xf32>,
      %get3A_932 = vector.shape_cast %get3A_931 : vector<1x16xf32> to vector<16xf32>
      %mul3A_933 = vector.broadcast %squeeze3A_165 : f32 to vector<16xf32>
      %mul3A_934 = arith.mulf %get3A_932, %mul3A_933 : vector<16xf32>
      %add3A_935 = arith.addf %add3A_915, %mul3A_934 : vector<16xf32>
      %add3A_936 = arith.constant 4 : i32
      %add3A_937 = arith.addi %mul3A_177, %add3A_936 : i32
      %add3A_938 = arith.constant 1 : i32
      %add3A_939 = arith.addi %add3A_937, %add3A_938 : i32
      %get3A_940 = arith.index_cast %add3A_939 : i32 to index
      %get3A_941 = arith.constant 112 : index
      %get3A_942 = tpu.vector_load %arg13[%get3A_940, %get3A_941] {strides = array<i32>} : memref<320x128xf32, #tpu.memory_space<vmem>>, vector<1x16xf32>,
      %get3A_943 = vector.shape_cast %get3A_942 : vector<1x16xf32> to vector<16xf32>
      %mul3A_944 = vector.broadcast %squeeze3A_167 : f32 to vector<16xf32>
      %mul3A_945 = arith.mulf %get3A_943, %mul3A_944 : vector<16xf32>
      %add3A_946 = arith.addf %add3A_926, %mul3A_945 : vector<16xf32>
      %add3A_947 = arith.constant 6 : i32
      %add3A_948 = arith.addi %mul3A_177, %add3A_947 : i32
      %get3A_949 = arith.index_cast %add3A_948 : i32 to index
      %get3A_950 = arith.constant 112 : index
      %get3A_951 = tpu.vector_load %arg13[%get3A_949, %get3A_950] {strides = array<i32>} : memref<320x128xf32, #tpu.memory_space<vmem>>, vector<1x16xf32>,
      %get3A_952 = vector.shape_cast %get3A_951 : vector<1x16xf32> to vector<16xf32>
      %mul3A_953 = vector.broadcast %squeeze3A_169 : f32 to vector<16xf32>
      %mul3A_954 = arith.mulf %get3A_952, %mul3A_953 : vector<16xf32>
      %add3A_955 = arith.addf %add3A_935, %mul3A_954 : vector<16xf32>
      %add3A_956 = arith.constant 6 : i32
      %add3A_957 = arith.addi %mul3A_177, %add3A_956 : i32
      %add3A_958 = arith.constant 1 : i32
      %add3A_959 = arith.addi %add3A_957, %add3A_958 : i32
      %get3A_960 = arith.index_cast %add3A_959 : i32 to index
      %get3A_961 = arith.constant 112 : index
      %get3A_962 = tpu.vector_load %arg13[%get3A_960, %get3A_961] {strides = array<i32>} : memref<320x128xf32, #tpu.memory_space<vmem>>, vector<1x16xf32>,
      %get3A_963 = vector.shape_cast %get3A_962 : vector<1x16xf32> to vector<16xf32>
      %mul3A_964 = vector.broadcast %squeeze3A_171 : f32 to vector<16xf32>
      %mul3A_965 = arith.mulf %get3A_963, %mul3A_964 : vector<16xf32>
      %add3A_966 = arith.addf %add3A_946, %mul3A_965 : vector<16xf32>
      %add3A_967 = arith.constant 8 : i32
      %add3A_968 = arith.addi %mul3A_177, %add3A_967 : i32
      %get3A_969 = arith.index_cast %add3A_968 : i32 to index
      %get3A_970 = arith.constant 112 : index
      %get3A_971 = tpu.vector_load %arg13[%get3A_969, %get3A_970] {strides = array<i32>} : memref<320x128xf32, #tpu.memory_space<vmem>>, vector<1x16xf32>,
      %get3A_972 = vector.shape_cast %get3A_971 : vector<1x16xf32> to vector<16xf32>
      %mul3A_973 = vector.broadcast %squeeze3A_173 : f32 to vector<16xf32>
      %mul3A_974 = arith.mulf %get3A_972, %mul3A_973 : vector<16xf32>
      %add3A_975 = arith.addf %add3A_955, %mul3A_974 : vector<16xf32>
      %add3A_976 = arith.constant 8 : i32
      %add3A_977 = arith.addi %mul3A_177, %add3A_976 : i32
      %add3A_978 = arith.constant 1 : i32
      %add3A_979 = arith.addi %add3A_977, %add3A_978 : i32
      %get3A_980 = arith.index_cast %add3A_979 : i32 to index
      %get3A_981 = arith.constant 112 : index
      %get3A_982 = tpu.vector_load %arg13[%get3A_980, %get3A_981] {strides = array<i32>} : memref<320x128xf32, #tpu.memory_space<vmem>>, vector<1x16xf32>,
      %get3A_983 = vector.shape_cast %get3A_982 : vector<1x16xf32> to vector<16xf32>
      %mul3A_984 = vector.broadcast %squeeze3A_175 : f32 to vector<16xf32>
      %mul3A_985 = arith.mulf %get3A_983, %mul3A_984 : vector<16xf32>
      %add3A_986 = arith.addf %add3A_966, %mul3A_985 : vector<16xf32>
      %add3A_987 = arith.addf %add3A_975, %add3A_986 : vector<16xf32>
      %swap3A_988 = arith.index_cast %scan3A_151 : i32 to index
      %swap3A_989 = arith.constant 112 : index
      %swap3A_990 = tpu.vector_load %arg15[%swap3A_988, %swap3A_989] {strides = array<i32>} : memref<32x128xf32, #tpu.memory_space<vmem>>, vector<1x16xf32>,
      %swap3A_991 = vector.shape_cast %swap3A_990 : vector<1x16xf32> to vector<16xf32>
      %swap3A_992 = vector.shape_cast %add3A_987 : vector<16xf32> to vector<1x16xf32>
      tpu.vector_store %arg15[%swap3A_988, %swap3A_989], %swap3A_992 {strides = array<i32>} : memref<32x128xf32, #tpu.memory_space<vmem>>, vector<1x16xf32>,
    }
    %scan3A_68 = arith.constant 32 : i32
    %dma_start3A_69 = arith.constant 0 : i32
    %dma_start3A_70 = arith.constant 0 : i32
    %dma_start3A_71 = tpu.memref_slice %arg13[%dma_start3A_69, %dma_start3A_70] : memref<320x128xf32, #tpu.memory_space<vmem>> -> memref<128x128xf32, #tpu.memory_space<vmem>>
    %dma_start3A_72 = arith.constant 640 : i32
    %dma_start3A_73 = tpu.memref_slice %arg11[%dma_start3A_72] : memref<992xi32, #tpu.memory_space<vmem>> -> memref<128xi32, #tpu.memory_space<vmem>>
    %dma_start3A_74 = arith.constant 0 : i32
    %dma_start3A_75 = arith.constant 0 : i32
    %dma_start3A_76 = tpu.memref_slice %arg6[%dma_start3A_74, %dma_start3A_75] : memref<50000x128xf32, #tpu.memory_space<hbm>> -> memref<50000x128xf32, #tpu.memory_space<hbm>>
    tpu.enqueue_indirect_dma source(%dma_start3A_76 : memref<50000x128xf32, #tpu.memory_space<hbm>>) target(%dma_start3A_71 : memref<128x128xf32, #tpu.memory_space<vmem>>) offsets(%dma_start3A_73 : memref<128xi32, #tpu.memory_space<vmem>>) semaphore(%arg19 : memref<!tpu.dma_semaphore, #tpu.memory_space<semaphore_mem>>)
    %dma_start3A_77 = arith.constant 128 : i32
    %dma_start3A_78 = arith.constant 0 : i32
    %dma_start3A_79 = tpu.memref_slice %arg13[%dma_start3A_77, %dma_start3A_78] : memref<320x128xf32, #tpu.memory_space<vmem>> -> memref<128x128xf32, #tpu.memory_space<vmem>>
    %dma_start3A_80 = arith.constant 768 : i32
    %dma_start3A_81 = tpu.memref_slice %arg11[%dma_start3A_80] : memref<992xi32, #tpu.memory_space<vmem>> -> memref<128xi32, #tpu.memory_space<vmem>>
    %dma_start3A_82 = arith.constant 0 : i32
    %dma_start3A_83 = arith.constant 0 : i32
    %dma_start3A_84 = tpu.memref_slice %arg6[%dma_start3A_82, %dma_start3A_83] : memref<50000x128xf32, #tpu.memory_space<hbm>> -> memref<50000x128xf32, #tpu.memory_space<hbm>>
    tpu.enqueue_indirect_dma source(%dma_start3A_84 : memref<50000x128xf32, #tpu.memory_space<hbm>>) target(%dma_start3A_79 : memref<128x128xf32, #tpu.memory_space<vmem>>) offsets(%dma_start3A_81 : memref<128xi32, #tpu.memory_space<vmem>>) semaphore(%arg19 : memref<!tpu.dma_semaphore, #tpu.memory_space<semaphore_mem>>)
    %dma_start3A_85 = arith.constant 256 : i32
    %dma_start3A_86 = arith.constant 0 : i32
    %dma_start3A_87 = tpu.memref_slice %arg13[%dma_start3A_85, %dma_start3A_86] : memref<320x128xf32, #tpu.memory_space<vmem>> -> memref<64x128xf32, #tpu.memory_space<vmem>>
    %dma_start3A_88 = arith.constant 896 : i32
    %dma_start3A_89 = tpu.memref_slice %arg11[%dma_start3A_88] : memref<992xi32, #tpu.memory_space<vmem>> -> memref<64xi32, #tpu.memory_space<vmem>>
    %dma_start3A_90 = arith.constant 0 : i32
    %dma_start3A_91 = arith.constant 0 : i32
    %dma_start3A_92 = tpu.memref_slice %arg6[%dma_start3A_90, %dma_start3A_91] : memref<50000x128xf32, #tpu.memory_space<hbm>> -> memref<50000x128xf32, #tpu.memory_space<hbm>>
    tpu.enqueue_indirect_dma source(%dma_start3A_92 : memref<50000x128xf32, #tpu.memory_space<hbm>>) target(%dma_start3A_87 : memref<64x128xf32, #tpu.memory_space<vmem>>) offsets(%dma_start3A_89 : memref<64xi32, #tpu.memory_space<vmem>>) semaphore(%arg19 : memref<!tpu.dma_semaphore, #tpu.memory_space<semaphore_mem>>)
    %dma_start3A_93 = arith.constant 0 : i32
    %dma_start3A_94 = tpu.memref_slice %arg7[%mul3A_2, %dma_start3A_93] : memref<1024x128xf32, #tpu.memory_space<hbm>> -> memref<32x128xf32, #tpu.memory_space<hbm>>
    %dma_start3A_95 = arith.constant 0 : i32
    %dma_start3A_96 = tpu.memref_slice %arg7[%mul3A_2, %dma_start3A_95] : memref<1024x128xf32, #tpu.memory_space<hbm>> -> memref<32x128xf32, #tpu.memory_space<hbm>>
    tpu.enqueue_dma source(%arg15 : memref<32x128xf32, #tpu.memory_space<vmem>>) target(%dma_start3A_96 : memref<32x128xf32, #tpu.memory_space<hbm>>) target_semaphore(%arg21 : memref<!tpu.dma_semaphore, #tpu.memory_space<semaphore_mem>>)
    %dma_wait3A_97 = arith.constant 0 : i32
    %dma_wait3A_98 = arith.constant 0 : i32
    %dma_wait3A_99 = tpu.memref_slice %arg5[%dma_wait3A_97, %dma_wait3A_98] : memref<20000x128xf32, #tpu.memory_space<hbm>> -> memref<320x128xf32, #tpu.memory_space<hbm>>
    %dma_wait3A_100 = arith.constant 0 : i32
    %dma_wait3A_101 = arith.constant 0 : i32
    %dma_wait3A_102 = tpu.memref_slice %arg5[%dma_wait3A_100, %dma_wait3A_101] : memref<20000x128xf32, #tpu.memory_space<hbm>> -> memref<320x128xf32, #tpu.memory_space<hbm>>
    tpu.wait_dma2 semaphore(%arg20 : memref<!tpu.dma_semaphore, #tpu.memory_space<semaphore_mem>>) src(%dma_wait3A_102 : memref<320x128xf32, #tpu.memory_space<hbm>>) dst(%arg14 : memref<320x128xf32, #tpu.memory_space<vmem>>)
    %scan3A_103 = arith.constant 0 : i32
    %scan3A_104 = arith.constant 0 : i32
    %scan3A_105 = arith.constant 32 : i32
    %scan3A_106 = arith.addi %scan3A_104, %scan3A_105 : i32
    %scan3A_107 = arith.constant 1 : i32
    scf.for %scan3A_151 = %scan3A_104 to %scan3A_106 step %scan3A_107  : i32 {
      %mul3A_152 = arith.constant 16 : i32
      %mul3A_153 = arith.muli %scan3A_151, %mul3A_152 : i32
      %add3A_154 = arith.constant 512 : i32
      %add3A_155 = arith.addi %add3A_154, %mul3A_153 : i32
      %multiple_of3A = tpu.assume_multiple %add3A_155, 16 : i32
      %get3A = arith.index_cast %multiple_of3A : i32 to index
      %get3A_156 = tpu.vector_load %arg12[%get3A] {strides = array<i32>} : memref<1536xf32, #tpu.memory_space<vmem>>, vector<16xf32>,
      %get3A_157 = vector.shape_cast %get3A_156 : vector<16xf32> to vector<16xf32>
      %slice3A = vector.extract_strided_slice %get3A_157 {offsets = [0], sizes = [1], strides = [1]} : vector<16xf32> to vector<1xf32>
      %squeeze3A = vector.extract %slice3A[0] : f32 from vector<1xf32>
      %slice3A_158 = vector.extract_strided_slice %get3A_157 {offsets = [1], sizes = [1], strides = [1]} : vector<16xf32> to vector<1xf32>
      %squeeze3A_159 = vector.extract %slice3A_158[0] : f32 from vector<1xf32>
      %slice3A_160 = vector.extract_strided_slice %get3A_157 {offsets = [2], sizes = [1], strides = [1]} : vector<16xf32> to vector<1xf32>
      %squeeze3A_161 = vector.extract %slice3A_160[0] : f32 from vector<1xf32>
      %slice3A_162 = vector.extract_strided_slice %get3A_157 {offsets = [3], sizes = [1], strides = [1]} : vector<16xf32> to vector<1xf32>
      %squeeze3A_163 = vector.extract %slice3A_162[0] : f32 from vector<1xf32>
      %slice3A_164 = vector.extract_strided_slice %get3A_157 {offsets = [4], sizes = [1], strides = [1]} : vector<16xf32> to vector<1xf32>
      %squeeze3A_165 = vector.extract %slice3A_164[0] : f32 from vector<1xf32>
      %slice3A_166 = vector.extract_strided_slice %get3A_157 {offsets = [5], sizes = [1], strides = [1]} : vector<16xf32> to vector<1xf32>
      %squeeze3A_167 = vector.extract %slice3A_166[0] : f32 from vector<1xf32>
      %slice3A_168 = vector.extract_strided_slice %get3A_157 {offsets = [6], sizes = [1], strides = [1]} : vector<16xf32> to vector<1xf32>
      %squeeze3A_169 = vector.extract %slice3A_168[0] : f32 from vector<1xf32>
      %slice3A_170 = vector.extract_strided_slice %get3A_157 {offsets = [7], sizes = [1], strides = [1]} : vector<16xf32> to vector<1xf32>
      %squeeze3A_171 = vector.extract %slice3A_170[0] : f32 from vector<1xf32>
      %slice3A_172 = vector.extract_strided_slice %get3A_157 {offsets = [8], sizes = [1], strides = [1]} : vector<16xf32> to vector<1xf32>
      %squeeze3A_173 = vector.extract %slice3A_172[0] : f32 from vector<1xf32>
      %slice3A_174 = vector.extract_strided_slice %get3A_157 {offsets = [9], sizes = [1], strides = [1]} : vector<16xf32> to vector<1xf32>
      %squeeze3A_175 = vector.extract %slice3A_174[0] : f32 from vector<1xf32>
      %mul3A_176 = arith.constant 10 : i32
      %mul3A_177 = arith.muli %scan3A_151, %mul3A_176 : i32
      %add3A_178 = arith.constant 0 : i32
      %add3A_179 = arith.addi %mul3A_177, %add3A_178 : i32
      %get3A_180 = arith.index_cast %add3A_179 : i32 to index
      %get3A_181 = arith.constant 0 : index
      %get3A_182 = tpu.vector_load %arg14[%get3A_180, %get3A_181] {strides = array<i32>} : memref<320x128xf32, #tpu.memory_space<vmem>>, vector<1x16xf32>,
      %get3A_183 = vector.shape_cast %get3A_182 : vector<1x16xf32> to vector<16xf32>
      %mul3A_184 = vector.broadcast %squeeze3A : f32 to vector<16xf32>
      %mul3A_185 = arith.mulf %get3A_183, %mul3A_184 : vector<16xf32>
      %add3A_186 = arith.constant 1 : i32
      %add3A_187 = arith.addi %mul3A_177, %add3A_186 : i32
      %get3A_188 = arith.index_cast %add3A_187 : i32 to index
      %get3A_189 = arith.constant 0 : index
      %get3A_190 = tpu.vector_load %arg14[%get3A_188, %get3A_189] {strides = array<i32>} : memref<320x128xf32, #tpu.memory_space<vmem>>, vector<1x16xf32>,
      %get3A_191 = vector.shape_cast %get3A_190 : vector<1x16xf32> to vector<16xf32>
      %mul3A_192 = vector.broadcast %squeeze3A_159 : f32 to vector<16xf32>
      %mul3A_193 = arith.mulf %get3A_191, %mul3A_192 : vector<16xf32>
      %add3A_194 = arith.constant 2 : i32
      %add3A_195 = arith.addi %mul3A_177, %add3A_194 : i32
      %get3A_196 = arith.index_cast %add3A_195 : i32 to index
      %get3A_197 = arith.constant 0 : index
      %get3A_198 = tpu.vector_load %arg14[%get3A_196, %get3A_197] {strides = array<i32>} : memref<320x128xf32, #tpu.memory_space<vmem>>, vector<1x16xf32>,
      %get3A_199 = vector.shape_cast %get3A_198 : vector<1x16xf32> to vector<16xf32>
      %mul3A_200 = vector.broadcast %squeeze3A_161 : f32 to vector<16xf32>
      %mul3A_201 = arith.mulf %get3A_199, %mul3A_200 : vector<16xf32>
      %add3A_202 = arith.addf %mul3A_185, %mul3A_201 : vector<16xf32>
      %add3A_203 = arith.constant 2 : i32
      %add3A_204 = arith.addi %mul3A_177, %add3A_203 : i32
      %add3A_205 = arith.constant 1 : i32
      %add3A_206 = arith.addi %add3A_204, %add3A_205 : i32
      %get3A_207 = arith.index_cast %add3A_206 : i32 to index
      %get3A_208 = arith.constant 0 : index
      %get3A_209 = tpu.vector_load %arg14[%get3A_207, %get3A_208] {strides = array<i32>} : memref<320x128xf32, #tpu.memory_space<vmem>>, vector<1x16xf32>,
      %get3A_210 = vector.shape_cast %get3A_209 : vector<1x16xf32> to vector<16xf32>
      %mul3A_211 = vector.broadcast %squeeze3A_163 : f32 to vector<16xf32>
      %mul3A_212 = arith.mulf %get3A_210, %mul3A_211 : vector<16xf32>
      %add3A_213 = arith.addf %mul3A_193, %mul3A_212 : vector<16xf32>
      %add3A_214 = arith.constant 4 : i32
      %add3A_215 = arith.addi %mul3A_177, %add3A_214 : i32
      %get3A_216 = arith.index_cast %add3A_215 : i32 to index
      %get3A_217 = arith.constant 0 : index
      %get3A_218 = tpu.vector_load %arg14[%get3A_216, %get3A_217] {strides = array<i32>} : memref<320x128xf32, #tpu.memory_space<vmem>>, vector<1x16xf32>,
      %get3A_219 = vector.shape_cast %get3A_218 : vector<1x16xf32> to vector<16xf32>
      %mul3A_220 = vector.broadcast %squeeze3A_165 : f32 to vector<16xf32>
      %mul3A_221 = arith.mulf %get3A_219, %mul3A_220 : vector<16xf32>
      %add3A_222 = arith.addf %add3A_202, %mul3A_221 : vector<16xf32>
      %add3A_223 = arith.constant 4 : i32
      %add3A_224 = arith.addi %mul3A_177, %add3A_223 : i32
      %add3A_225 = arith.constant 1 : i32
      %add3A_226 = arith.addi %add3A_224, %add3A_225 : i32
      %get3A_227 = arith.index_cast %add3A_226 : i32 to index
      %get3A_228 = arith.constant 0 : index
      %get3A_229 = tpu.vector_load %arg14[%get3A_227, %get3A_228] {strides = array<i32>} : memref<320x128xf32, #tpu.memory_space<vmem>>, vector<1x16xf32>,
      %get3A_230 = vector.shape_cast %get3A_229 : vector<1x16xf32> to vector<16xf32>
      %mul3A_231 = vector.broadcast %squeeze3A_167 : f32 to vector<16xf32>
      %mul3A_232 = arith.mulf %get3A_230, %mul3A_231 : vector<16xf32>
      %add3A_233 = arith.addf %add3A_213, %mul3A_232 : vector<16xf32>
      %add3A_234 = arith.constant 6 : i32
      %add3A_235 = arith.addi %mul3A_177, %add3A_234 : i32
      %get3A_236 = arith.index_cast %add3A_235 : i32 to index
      %get3A_237 = arith.constant 0 : index
      %get3A_238 = tpu.vector_load %arg14[%get3A_236, %get3A_237] {strides = array<i32>} : memref<320x128xf32, #tpu.memory_space<vmem>>, vector<1x16xf32>,
      %get3A_239 = vector.shape_cast %get3A_238 : vector<1x16xf32> to vector<16xf32>
      %mul3A_240 = vector.broadcast %squeeze3A_169 : f32 to vector<16xf32>
      %mul3A_241 = arith.mulf %get3A_239, %mul3A_240 : vector<16xf32>
      %add3A_242 = arith.addf %add3A_222, %mul3A_241 : vector<16xf32>
      %add3A_243 = arith.constant 6 : i32
      %add3A_244 = arith.addi %mul3A_177, %add3A_243 : i32
      %add3A_245 = arith.constant 1 : i32
      %add3A_246 = arith.addi %add3A_244, %add3A_245 : i32
      %get3A_247 = arith.index_cast %add3A_246 : i32 to index
      %get3A_248 = arith.constant 0 : index
      %get3A_249 = tpu.vector_load %arg14[%get3A_247, %get3A_248] {strides = array<i32>} : memref<320x128xf32, #tpu.memory_space<vmem>>, vector<1x16xf32>,
      %get3A_250 = vector.shape_cast %get3A_249 : vector<1x16xf32> to vector<16xf32>
      %mul3A_251 = vector.broadcast %squeeze3A_171 : f32 to vector<16xf32>
      %mul3A_252 = arith.mulf %get3A_250, %mul3A_251 : vector<16xf32>
      %add3A_253 = arith.addf %add3A_233, %mul3A_252 : vector<16xf32>
      %add3A_254 = arith.constant 8 : i32
      %add3A_255 = arith.addi %mul3A_177, %add3A_254 : i32
      %get3A_256 = arith.index_cast %add3A_255 : i32 to index
      %get3A_257 = arith.constant 0 : index
      %get3A_258 = tpu.vector_load %arg14[%get3A_256, %get3A_257] {strides = array<i32>} : memref<320x128xf32, #tpu.memory_space<vmem>>, vector<1x16xf32>,
      %get3A_259 = vector.shape_cast %get3A_258 : vector<1x16xf32> to vector<16xf32>
      %mul3A_260 = vector.broadcast %squeeze3A_173 : f32 to vector<16xf32>
      %mul3A_261 = arith.mulf %get3A_259, %mul3A_260 : vector<16xf32>
      %add3A_262 = arith.addf %add3A_242, %mul3A_261 : vector<16xf32>
      %add3A_263 = arith.constant 8 : i32
      %add3A_264 = arith.addi %mul3A_177, %add3A_263 : i32
      %add3A_265 = arith.constant 1 : i32
      %add3A_266 = arith.addi %add3A_264, %add3A_265 : i32
      %get3A_267 = arith.index_cast %add3A_266 : i32 to index
      %get3A_268 = arith.constant 0 : index
      %get3A_269 = tpu.vector_load %arg14[%get3A_267, %get3A_268] {strides = array<i32>} : memref<320x128xf32, #tpu.memory_space<vmem>>, vector<1x16xf32>,
      %get3A_270 = vector.shape_cast %get3A_269 : vector<1x16xf32> to vector<16xf32>
      %mul3A_271 = vector.broadcast %squeeze3A_175 : f32 to vector<16xf32>
      %mul3A_272 = arith.mulf %get3A_270, %mul3A_271 : vector<16xf32>
      %add3A_273 = arith.addf %add3A_253, %mul3A_272 : vector<16xf32>
      %add3A_274 = arith.addf %add3A_262, %add3A_273 : vector<16xf32>
      %swap3A = arith.index_cast %scan3A_151 : i32 to index
      %swap3A_275 = arith.constant 0 : index
      %swap3A_276 = tpu.vector_load %arg16[%swap3A, %swap3A_275] {strides = array<i32>} : memref<32x128xf32, #tpu.memory_space<vmem>>, vector<1x16xf32>,
      %swap3A_277 = vector.shape_cast %swap3A_276 : vector<1x16xf32> to vector<16xf32>
      %swap3A_278 = vector.shape_cast %add3A_274 : vector<16xf32> to vector<1x16xf32>
      tpu.vector_store %arg16[%swap3A, %swap3A_275], %swap3A_278 {strides = array<i32>} : memref<32x128xf32, #tpu.memory_space<vmem>>, vector<1x16xf32>,
      %add3A_279 = arith.constant 0 : i32
      %add3A_280 = arith.addi %mul3A_177, %add3A_279 : i32
      %get3A_281 = arith.index_cast %add3A_280 : i32 to index
      %get3A_282 = arith.constant 16 : index
      %get3A_283 = tpu.vector_load %arg14[%get3A_281, %get3A_282] {strides = array<i32>} : memref<320x128xf32, #tpu.memory_space<vmem>>, vector<1x16xf32>,
      %get3A_284 = vector.shape_cast %get3A_283 : vector<1x16xf32> to vector<16xf32>
      %mul3A_285 = vector.broadcast %squeeze3A : f32 to vector<16xf32>
      %mul3A_286 = arith.mulf %get3A_284, %mul3A_285 : vector<16xf32>
      %add3A_287 = arith.constant 1 : i32
      %add3A_288 = arith.addi %mul3A_177, %add3A_287 : i32
      %get3A_289 = arith.index_cast %add3A_288 : i32 to index
      %get3A_290 = arith.constant 16 : index
      %get3A_291 = tpu.vector_load %arg14[%get3A_289, %get3A_290] {strides = array<i32>} : memref<320x128xf32, #tpu.memory_space<vmem>>, vector<1x16xf32>,
      %get3A_292 = vector.shape_cast %get3A_291 : vector<1x16xf32> to vector<16xf32>
      %mul3A_293 = vector.broadcast %squeeze3A_159 : f32 to vector<16xf32>
      %mul3A_294 = arith.mulf %get3A_292, %mul3A_293 : vector<16xf32>
      %add3A_295 = arith.constant 2 : i32
      %add3A_296 = arith.addi %mul3A_177, %add3A_295 : i32
      %get3A_297 = arith.index_cast %add3A_296 : i32 to index
      %get3A_298 = arith.constant 16 : index
      %get3A_299 = tpu.vector_load %arg14[%get3A_297, %get3A_298] {strides = array<i32>} : memref<320x128xf32, #tpu.memory_space<vmem>>, vector<1x16xf32>,
      %get3A_300 = vector.shape_cast %get3A_299 : vector<1x16xf32> to vector<16xf32>
      %mul3A_301 = vector.broadcast %squeeze3A_161 : f32 to vector<16xf32>
      %mul3A_302 = arith.mulf %get3A_300, %mul3A_301 : vector<16xf32>
      %add3A_303 = arith.addf %mul3A_286, %mul3A_302 : vector<16xf32>
      %add3A_304 = arith.constant 2 : i32
      %add3A_305 = arith.addi %mul3A_177, %add3A_304 : i32
      %add3A_306 = arith.constant 1 : i32
      %add3A_307 = arith.addi %add3A_305, %add3A_306 : i32
      %get3A_308 = arith.index_cast %add3A_307 : i32 to index
      %get3A_309 = arith.constant 16 : index
      %get3A_310 = tpu.vector_load %arg14[%get3A_308, %get3A_309] {strides = array<i32>} : memref<320x128xf32, #tpu.memory_space<vmem>>, vector<1x16xf32>,
      %get3A_311 = vector.shape_cast %get3A_310 : vector<1x16xf32> to vector<16xf32>
      %mul3A_312 = vector.broadcast %squeeze3A_163 : f32 to vector<16xf32>
      %mul3A_313 = arith.mulf %get3A_311, %mul3A_312 : vector<16xf32>
      %add3A_314 = arith.addf %mul3A_294, %mul3A_313 : vector<16xf32>
      %add3A_315 = arith.constant 4 : i32
      %add3A_316 = arith.addi %mul3A_177, %add3A_315 : i32
      %get3A_317 = arith.index_cast %add3A_316 : i32 to index
      %get3A_318 = arith.constant 16 : index
      %get3A_319 = tpu.vector_load %arg14[%get3A_317, %get3A_318] {strides = array<i32>} : memref<320x128xf32, #tpu.memory_space<vmem>>, vector<1x16xf32>,
      %get3A_320 = vector.shape_cast %get3A_319 : vector<1x16xf32> to vector<16xf32>
      %mul3A_321 = vector.broadcast %squeeze3A_165 : f32 to vector<16xf32>
      %mul3A_322 = arith.mulf %get3A_320, %mul3A_321 : vector<16xf32>
      %add3A_323 = arith.addf %add3A_303, %mul3A_322 : vector<16xf32>
      %add3A_324 = arith.constant 4 : i32
      %add3A_325 = arith.addi %mul3A_177, %add3A_324 : i32
      %add3A_326 = arith.constant 1 : i32
      %add3A_327 = arith.addi %add3A_325, %add3A_326 : i32
      %get3A_328 = arith.index_cast %add3A_327 : i32 to index
      %get3A_329 = arith.constant 16 : index
      %get3A_330 = tpu.vector_load %arg14[%get3A_328, %get3A_329] {strides = array<i32>} : memref<320x128xf32, #tpu.memory_space<vmem>>, vector<1x16xf32>,
      %get3A_331 = vector.shape_cast %get3A_330 : vector<1x16xf32> to vector<16xf32>
      %mul3A_332 = vector.broadcast %squeeze3A_167 : f32 to vector<16xf32>
      %mul3A_333 = arith.mulf %get3A_331, %mul3A_332 : vector<16xf32>
      %add3A_334 = arith.addf %add3A_314, %mul3A_333 : vector<16xf32>
      %add3A_335 = arith.constant 6 : i32
      %add3A_336 = arith.addi %mul3A_177, %add3A_335 : i32
      %get3A_337 = arith.index_cast %add3A_336 : i32 to index
      %get3A_338 = arith.constant 16 : index
      %get3A_339 = tpu.vector_load %arg14[%get3A_337, %get3A_338] {strides = array<i32>} : memref<320x128xf32, #tpu.memory_space<vmem>>, vector<1x16xf32>,
      %get3A_340 = vector.shape_cast %get3A_339 : vector<1x16xf32> to vector<16xf32>
      %mul3A_341 = vector.broadcast %squeeze3A_169 : f32 to vector<16xf32>
      %mul3A_342 = arith.mulf %get3A_340, %mul3A_341 : vector<16xf32>
      %add3A_343 = arith.addf %add3A_323, %mul3A_342 : vector<16xf32>
      %add3A_344 = arith.constant 6 : i32
      %add3A_345 = arith.addi %mul3A_177, %add3A_344 : i32
      %add3A_346 = arith.constant 1 : i32
      %add3A_347 = arith.addi %add3A_345, %add3A_346 : i32
      %get3A_348 = arith.index_cast %add3A_347 : i32 to index
      %get3A_349 = arith.constant 16 : index
      %get3A_350 = tpu.vector_load %arg14[%get3A_348, %get3A_349] {strides = array<i32>} : memref<320x128xf32, #tpu.memory_space<vmem>>, vector<1x16xf32>,
      %get3A_351 = vector.shape_cast %get3A_350 : vector<1x16xf32> to vector<16xf32>
      %mul3A_352 = vector.broadcast %squeeze3A_171 : f32 to vector<16xf32>
      %mul3A_353 = arith.mulf %get3A_351, %mul3A_352 : vector<16xf32>
      %add3A_354 = arith.addf %add3A_334, %mul3A_353 : vector<16xf32>
      %add3A_355 = arith.constant 8 : i32
      %add3A_356 = arith.addi %mul3A_177, %add3A_355 : i32
      %get3A_357 = arith.index_cast %add3A_356 : i32 to index
      %get3A_358 = arith.constant 16 : index
      %get3A_359 = tpu.vector_load %arg14[%get3A_357, %get3A_358] {strides = array<i32>} : memref<320x128xf32, #tpu.memory_space<vmem>>, vector<1x16xf32>,
      %get3A_360 = vector.shape_cast %get3A_359 : vector<1x16xf32> to vector<16xf32>
      %mul3A_361 = vector.broadcast %squeeze3A_173 : f32 to vector<16xf32>
      %mul3A_362 = arith.mulf %get3A_360, %mul3A_361 : vector<16xf32>
      %add3A_363 = arith.addf %add3A_343, %mul3A_362 : vector<16xf32>
      %add3A_364 = arith.constant 8 : i32
      %add3A_365 = arith.addi %mul3A_177, %add3A_364 : i32
      %add3A_366 = arith.constant 1 : i32
      %add3A_367 = arith.addi %add3A_365, %add3A_366 : i32
      %get3A_368 = arith.index_cast %add3A_367 : i32 to index
      %get3A_369 = arith.constant 16 : index
      %get3A_370 = tpu.vector_load %arg14[%get3A_368, %get3A_369] {strides = array<i32>} : memref<320x128xf32, #tpu.memory_space<vmem>>, vector<1x16xf32>,
      %get3A_371 = vector.shape_cast %get3A_370 : vector<1x16xf32> to vector<16xf32>
      %mul3A_372 = vector.broadcast %squeeze3A_175 : f32 to vector<16xf32>
      %mul3A_373 = arith.mulf %get3A_371, %mul3A_372 : vector<16xf32>
      %add3A_374 = arith.addf %add3A_354, %mul3A_373 : vector<16xf32>
      %add3A_375 = arith.addf %add3A_363, %add3A_374 : vector<16xf32>
      %swap3A_376 = arith.index_cast %scan3A_151 : i32 to index
      %swap3A_377 = arith.constant 16 : index
      %swap3A_378 = tpu.vector_load %arg16[%swap3A_376, %swap3A_377] {strides = array<i32>} : memref<32x128xf32, #tpu.memory_space<vmem>>, vector<1x16xf32>,
      %swap3A_379 = vector.shape_cast %swap3A_378 : vector<1x16xf32> to vector<16xf32>
      %swap3A_380 = vector.shape_cast %add3A_375 : vector<16xf32> to vector<1x16xf32>
      tpu.vector_store %arg16[%swap3A_376, %swap3A_377], %swap3A_380 {strides = array<i32>} : memref<32x128xf32, #tpu.memory_space<vmem>>, vector<1x16xf32>,
      %add3A_381 = arith.constant 0 : i32
      %add3A_382 = arith.addi %mul3A_177, %add3A_381 : i32
      %get3A_383 = arith.index_cast %add3A_382 : i32 to index
      %get3A_384 = arith.constant 32 : index
      %get3A_385 = tpu.vector_load %arg14[%get3A_383, %get3A_384] {strides = array<i32>} : memref<320x128xf32, #tpu.memory_space<vmem>>, vector<1x16xf32>,
      %get3A_386 = vector.shape_cast %get3A_385 : vector<1x16xf32> to vector<16xf32>
      %mul3A_387 = vector.broadcast %squeeze3A : f32 to vector<16xf32>
      %mul3A_388 = arith.mulf %get3A_386, %mul3A_387 : vector<16xf32>
      %add3A_389 = arith.constant 1 : i32
      %add3A_390 = arith.addi %mul3A_177, %add3A_389 : i32
      %get3A_391 = arith.index_cast %add3A_390 : i32 to index
      %get3A_392 = arith.constant 32 : index
      %get3A_393 = tpu.vector_load %arg14[%get3A_391, %get3A_392] {strides = array<i32>} : memref<320x128xf32, #tpu.memory_space<vmem>>, vector<1x16xf32>,
      %get3A_394 = vector.shape_cast %get3A_393 : vector<1x16xf32> to vector<16xf32>
      %mul3A_395 = vector.broadcast %squeeze3A_159 : f32 to vector<16xf32>
      %mul3A_396 = arith.mulf %get3A_394, %mul3A_395 : vector<16xf32>
      %add3A_397 = arith.constant 2 : i32
      %add3A_398 = arith.addi %mul3A_177, %add3A_397 : i32
      %get3A_399 = arith.index_cast %add3A_398 : i32 to index
      %get3A_400 = arith.constant 32 : index
      %get3A_401 = tpu.vector_load %arg14[%get3A_399, %get3A_400] {strides = array<i32>} : memref<320x128xf32, #tpu.memory_space<vmem>>, vector<1x16xf32>,
      %get3A_402 = vector.shape_cast %get3A_401 : vector<1x16xf32> to vector<16xf32>
      %mul3A_403 = vector.broadcast %squeeze3A_161 : f32 to vector<16xf32>
      %mul3A_404 = arith.mulf %get3A_402, %mul3A_403 : vector<16xf32>
      %add3A_405 = arith.addf %mul3A_388, %mul3A_404 : vector<16xf32>
      %add3A_406 = arith.constant 2 : i32
      %add3A_407 = arith.addi %mul3A_177, %add3A_406 : i32
      %add3A_408 = arith.constant 1 : i32
      %add3A_409 = arith.addi %add3A_407, %add3A_408 : i32
      %get3A_410 = arith.index_cast %add3A_409 : i32 to index
      %get3A_411 = arith.constant 32 : index
      %get3A_412 = tpu.vector_load %arg14[%get3A_410, %get3A_411] {strides = array<i32>} : memref<320x128xf32, #tpu.memory_space<vmem>>, vector<1x16xf32>,
      %get3A_413 = vector.shape_cast %get3A_412 : vector<1x16xf32> to vector<16xf32>
      %mul3A_414 = vector.broadcast %squeeze3A_163 : f32 to vector<16xf32>
      %mul3A_415 = arith.mulf %get3A_413, %mul3A_414 : vector<16xf32>
      %add3A_416 = arith.addf %mul3A_396, %mul3A_415 : vector<16xf32>
      %add3A_417 = arith.constant 4 : i32
      %add3A_418 = arith.addi %mul3A_177, %add3A_417 : i32
      %get3A_419 = arith.index_cast %add3A_418 : i32 to index
      %get3A_420 = arith.constant 32 : index
      %get3A_421 = tpu.vector_load %arg14[%get3A_419, %get3A_420] {strides = array<i32>} : memref<320x128xf32, #tpu.memory_space<vmem>>, vector<1x16xf32>,
      %get3A_422 = vector.shape_cast %get3A_421 : vector<1x16xf32> to vector<16xf32>
      %mul3A_423 = vector.broadcast %squeeze3A_165 : f32 to vector<16xf32>
      %mul3A_424 = arith.mulf %get3A_422, %mul3A_423 : vector<16xf32>
      %add3A_425 = arith.addf %add3A_405, %mul3A_424 : vector<16xf32>
      %add3A_426 = arith.constant 4 : i32
      %add3A_427 = arith.addi %mul3A_177, %add3A_426 : i32
      %add3A_428 = arith.constant 1 : i32
      %add3A_429 = arith.addi %add3A_427, %add3A_428 : i32
      %get3A_430 = arith.index_cast %add3A_429 : i32 to index
      %get3A_431 = arith.constant 32 : index
      %get3A_432 = tpu.vector_load %arg14[%get3A_430, %get3A_431] {strides = array<i32>} : memref<320x128xf32, #tpu.memory_space<vmem>>, vector<1x16xf32>,
      %get3A_433 = vector.shape_cast %get3A_432 : vector<1x16xf32> to vector<16xf32>
      %mul3A_434 = vector.broadcast %squeeze3A_167 : f32 to vector<16xf32>
      %mul3A_435 = arith.mulf %get3A_433, %mul3A_434 : vector<16xf32>
      %add3A_436 = arith.addf %add3A_416, %mul3A_435 : vector<16xf32>
      %add3A_437 = arith.constant 6 : i32
      %add3A_438 = arith.addi %mul3A_177, %add3A_437 : i32
      %get3A_439 = arith.index_cast %add3A_438 : i32 to index
      %get3A_440 = arith.constant 32 : index
      %get3A_441 = tpu.vector_load %arg14[%get3A_439, %get3A_440] {strides = array<i32>} : memref<320x128xf32, #tpu.memory_space<vmem>>, vector<1x16xf32>,
      %get3A_442 = vector.shape_cast %get3A_441 : vector<1x16xf32> to vector<16xf32>
      %mul3A_443 = vector.broadcast %squeeze3A_169 : f32 to vector<16xf32>
      %mul3A_444 = arith.mulf %get3A_442, %mul3A_443 : vector<16xf32>
      %add3A_445 = arith.addf %add3A_425, %mul3A_444 : vector<16xf32>
      %add3A_446 = arith.constant 6 : i32
      %add3A_447 = arith.addi %mul3A_177, %add3A_446 : i32
      %add3A_448 = arith.constant 1 : i32
      %add3A_449 = arith.addi %add3A_447, %add3A_448 : i32
      %get3A_450 = arith.index_cast %add3A_449 : i32 to index
      %get3A_451 = arith.constant 32 : index
      %get3A_452 = tpu.vector_load %arg14[%get3A_450, %get3A_451] {strides = array<i32>} : memref<320x128xf32, #tpu.memory_space<vmem>>, vector<1x16xf32>,
      %get3A_453 = vector.shape_cast %get3A_452 : vector<1x16xf32> to vector<16xf32>
      %mul3A_454 = vector.broadcast %squeeze3A_171 : f32 to vector<16xf32>
      %mul3A_455 = arith.mulf %get3A_453, %mul3A_454 : vector<16xf32>
      %add3A_456 = arith.addf %add3A_436, %mul3A_455 : vector<16xf32>
      %add3A_457 = arith.constant 8 : i32
      %add3A_458 = arith.addi %mul3A_177, %add3A_457 : i32
      %get3A_459 = arith.index_cast %add3A_458 : i32 to index
      %get3A_460 = arith.constant 32 : index
      %get3A_461 = tpu.vector_load %arg14[%get3A_459, %get3A_460] {strides = array<i32>} : memref<320x128xf32, #tpu.memory_space<vmem>>, vector<1x16xf32>,
      %get3A_462 = vector.shape_cast %get3A_461 : vector<1x16xf32> to vector<16xf32>
      %mul3A_463 = vector.broadcast %squeeze3A_173 : f32 to vector<16xf32>
      %mul3A_464 = arith.mulf %get3A_462, %mul3A_463 : vector<16xf32>
      %add3A_465 = arith.addf %add3A_445, %mul3A_464 : vector<16xf32>
      %add3A_466 = arith.constant 8 : i32
      %add3A_467 = arith.addi %mul3A_177, %add3A_466 : i32
      %add3A_468 = arith.constant 1 : i32
      %add3A_469 = arith.addi %add3A_467, %add3A_468 : i32
      %get3A_470 = arith.index_cast %add3A_469 : i32 to index
      %get3A_471 = arith.constant 32 : index
      %get3A_472 = tpu.vector_load %arg14[%get3A_470, %get3A_471] {strides = array<i32>} : memref<320x128xf32, #tpu.memory_space<vmem>>, vector<1x16xf32>,
      %get3A_473 = vector.shape_cast %get3A_472 : vector<1x16xf32> to vector<16xf32>
      %mul3A_474 = vector.broadcast %squeeze3A_175 : f32 to vector<16xf32>
      %mul3A_475 = arith.mulf %get3A_473, %mul3A_474 : vector<16xf32>
      %add3A_476 = arith.addf %add3A_456, %mul3A_475 : vector<16xf32>
      %add3A_477 = arith.addf %add3A_465, %add3A_476 : vector<16xf32>
      %swap3A_478 = arith.index_cast %scan3A_151 : i32 to index
      %swap3A_479 = arith.constant 32 : index
      %swap3A_480 = tpu.vector_load %arg16[%swap3A_478, %swap3A_479] {strides = array<i32>} : memref<32x128xf32, #tpu.memory_space<vmem>>, vector<1x16xf32>,
      %swap3A_481 = vector.shape_cast %swap3A_480 : vector<1x16xf32> to vector<16xf32>
      %swap3A_482 = vector.shape_cast %add3A_477 : vector<16xf32> to vector<1x16xf32>
      tpu.vector_store %arg16[%swap3A_478, %swap3A_479], %swap3A_482 {strides = array<i32>} : memref<32x128xf32, #tpu.memory_space<vmem>>, vector<1x16xf32>,
      %add3A_483 = arith.constant 0 : i32
      %add3A_484 = arith.addi %mul3A_177, %add3A_483 : i32
      %get3A_485 = arith.index_cast %add3A_484 : i32 to index
      %get3A_486 = arith.constant 48 : index
      %get3A_487 = tpu.vector_load %arg14[%get3A_485, %get3A_486] {strides = array<i32>} : memref<320x128xf32, #tpu.memory_space<vmem>>, vector<1x16xf32>,
      %get3A_488 = vector.shape_cast %get3A_487 : vector<1x16xf32> to vector<16xf32>
      %mul3A_489 = vector.broadcast %squeeze3A : f32 to vector<16xf32>
      %mul3A_490 = arith.mulf %get3A_488, %mul3A_489 : vector<16xf32>
      %add3A_491 = arith.constant 1 : i32
      %add3A_492 = arith.addi %mul3A_177, %add3A_491 : i32
      %get3A_493 = arith.index_cast %add3A_492 : i32 to index
      %get3A_494 = arith.constant 48 : index
      %get3A_495 = tpu.vector_load %arg14[%get3A_493, %get3A_494] {strides = array<i32>} : memref<320x128xf32, #tpu.memory_space<vmem>>, vector<1x16xf32>,
      %get3A_496 = vector.shape_cast %get3A_495 : vector<1x16xf32> to vector<16xf32>
      %mul3A_497 = vector.broadcast %squeeze3A_159 : f32 to vector<16xf32>
      %mul3A_498 = arith.mulf %get3A_496, %mul3A_497 : vector<16xf32>
      %add3A_499 = arith.constant 2 : i32
      %add3A_500 = arith.addi %mul3A_177, %add3A_499 : i32
      %get3A_501 = arith.index_cast %add3A_500 : i32 to index
      %get3A_502 = arith.constant 48 : index
      %get3A_503 = tpu.vector_load %arg14[%get3A_501, %get3A_502] {strides = array<i32>} : memref<320x128xf32, #tpu.memory_space<vmem>>, vector<1x16xf32>,
      %get3A_504 = vector.shape_cast %get3A_503 : vector<1x16xf32> to vector<16xf32>
      %mul3A_505 = vector.broadcast %squeeze3A_161 : f32 to vector<16xf32>
      %mul3A_506 = arith.mulf %get3A_504, %mul3A_505 : vector<16xf32>
      %add3A_507 = arith.addf %mul3A_490, %mul3A_506 : vector<16xf32>
      %add3A_508 = arith.constant 2 : i32
      %add3A_509 = arith.addi %mul3A_177, %add3A_508 : i32
      %add3A_510 = arith.constant 1 : i32
      %add3A_511 = arith.addi %add3A_509, %add3A_510 : i32
      %get3A_512 = arith.index_cast %add3A_511 : i32 to index
      %get3A_513 = arith.constant 48 : index
      %get3A_514 = tpu.vector_load %arg14[%get3A_512, %get3A_513] {strides = array<i32>} : memref<320x128xf32, #tpu.memory_space<vmem>>, vector<1x16xf32>,
      %get3A_515 = vector.shape_cast %get3A_514 : vector<1x16xf32> to vector<16xf32>
      %mul3A_516 = vector.broadcast %squeeze3A_163 : f32 to vector<16xf32>
      %mul3A_517 = arith.mulf %get3A_515, %mul3A_516 : vector<16xf32>
      %add3A_518 = arith.addf %mul3A_498, %mul3A_517 : vector<16xf32>
      %add3A_519 = arith.constant 4 : i32
      %add3A_520 = arith.addi %mul3A_177, %add3A_519 : i32
      %get3A_521 = arith.index_cast %add3A_520 : i32 to index
      %get3A_522 = arith.constant 48 : index
      %get3A_523 = tpu.vector_load %arg14[%get3A_521, %get3A_522] {strides = array<i32>} : memref<320x128xf32, #tpu.memory_space<vmem>>, vector<1x16xf32>,
      %get3A_524 = vector.shape_cast %get3A_523 : vector<1x16xf32> to vector<16xf32>
      %mul3A_525 = vector.broadcast %squeeze3A_165 : f32 to vector<16xf32>
      %mul3A_526 = arith.mulf %get3A_524, %mul3A_525 : vector<16xf32>
      %add3A_527 = arith.addf %add3A_507, %mul3A_526 : vector<16xf32>
      %add3A_528 = arith.constant 4 : i32
      %add3A_529 = arith.addi %mul3A_177, %add3A_528 : i32
      %add3A_530 = arith.constant 1 : i32
      %add3A_531 = arith.addi %add3A_529, %add3A_530 : i32
      %get3A_532 = arith.index_cast %add3A_531 : i32 to index
      %get3A_533 = arith.constant 48 : index
      %get3A_534 = tpu.vector_load %arg14[%get3A_532, %get3A_533] {strides = array<i32>} : memref<320x128xf32, #tpu.memory_space<vmem>>, vector<1x16xf32>,
      %get3A_535 = vector.shape_cast %get3A_534 : vector<1x16xf32> to vector<16xf32>
      %mul3A_536 = vector.broadcast %squeeze3A_167 : f32 to vector<16xf32>
      %mul3A_537 = arith.mulf %get3A_535, %mul3A_536 : vector<16xf32>
      %add3A_538 = arith.addf %add3A_518, %mul3A_537 : vector<16xf32>
      %add3A_539 = arith.constant 6 : i32
      %add3A_540 = arith.addi %mul3A_177, %add3A_539 : i32
      %get3A_541 = arith.index_cast %add3A_540 : i32 to index
      %get3A_542 = arith.constant 48 : index
      %get3A_543 = tpu.vector_load %arg14[%get3A_541, %get3A_542] {strides = array<i32>} : memref<320x128xf32, #tpu.memory_space<vmem>>, vector<1x16xf32>,
      %get3A_544 = vector.shape_cast %get3A_543 : vector<1x16xf32> to vector<16xf32>
      %mul3A_545 = vector.broadcast %squeeze3A_169 : f32 to vector<16xf32>
      %mul3A_546 = arith.mulf %get3A_544, %mul3A_545 : vector<16xf32>
      %add3A_547 = arith.addf %add3A_527, %mul3A_546 : vector<16xf32>
      %add3A_548 = arith.constant 6 : i32
      %add3A_549 = arith.addi %mul3A_177, %add3A_548 : i32
      %add3A_550 = arith.constant 1 : i32
      %add3A_551 = arith.addi %add3A_549, %add3A_550 : i32
      %get3A_552 = arith.index_cast %add3A_551 : i32 to index
      %get3A_553 = arith.constant 48 : index
      %get3A_554 = tpu.vector_load %arg14[%get3A_552, %get3A_553] {strides = array<i32>} : memref<320x128xf32, #tpu.memory_space<vmem>>, vector<1x16xf32>,
      %get3A_555 = vector.shape_cast %get3A_554 : vector<1x16xf32> to vector<16xf32>
      %mul3A_556 = vector.broadcast %squeeze3A_171 : f32 to vector<16xf32>
      %mul3A_557 = arith.mulf %get3A_555, %mul3A_556 : vector<16xf32>
      %add3A_558 = arith.addf %add3A_538, %mul3A_557 : vector<16xf32>
      %add3A_559 = arith.constant 8 : i32
      %add3A_560 = arith.addi %mul3A_177, %add3A_559 : i32
      %get3A_561 = arith.index_cast %add3A_560 : i32 to index
      %get3A_562 = arith.constant 48 : index
      %get3A_563 = tpu.vector_load %arg14[%get3A_561, %get3A_562] {strides = array<i32>} : memref<320x128xf32, #tpu.memory_space<vmem>>, vector<1x16xf32>,
      %get3A_564 = vector.shape_cast %get3A_563 : vector<1x16xf32> to vector<16xf32>
      %mul3A_565 = vector.broadcast %squeeze3A_173 : f32 to vector<16xf32>
      %mul3A_566 = arith.mulf %get3A_564, %mul3A_565 : vector<16xf32>
      %add3A_567 = arith.addf %add3A_547, %mul3A_566 : vector<16xf32>
      %add3A_568 = arith.constant 8 : i32
      %add3A_569 = arith.addi %mul3A_177, %add3A_568 : i32
      %add3A_570 = arith.constant 1 : i32
      %add3A_571 = arith.addi %add3A_569, %add3A_570 : i32
      %get3A_572 = arith.index_cast %add3A_571 : i32 to index
      %get3A_573 = arith.constant 48 : index
      %get3A_574 = tpu.vector_load %arg14[%get3A_572, %get3A_573] {strides = array<i32>} : memref<320x128xf32, #tpu.memory_space<vmem>>, vector<1x16xf32>,
      %get3A_575 = vector.shape_cast %get3A_574 : vector<1x16xf32> to vector<16xf32>
      %mul3A_576 = vector.broadcast %squeeze3A_175 : f32 to vector<16xf32>
      %mul3A_577 = arith.mulf %get3A_575, %mul3A_576 : vector<16xf32>
      %add3A_578 = arith.addf %add3A_558, %mul3A_577 : vector<16xf32>
      %add3A_579 = arith.addf %add3A_567, %add3A_578 : vector<16xf32>
      %swap3A_580 = arith.index_cast %scan3A_151 : i32 to index
      %swap3A_581 = arith.constant 48 : index
      %swap3A_582 = tpu.vector_load %arg16[%swap3A_580, %swap3A_581] {strides = array<i32>} : memref<32x128xf32, #tpu.memory_space<vmem>>, vector<1x16xf32>,
      %swap3A_583 = vector.shape_cast %swap3A_582 : vector<1x16xf32> to vector<16xf32>
      %swap3A_584 = vector.shape_cast %add3A_579 : vector<16xf32> to vector<1x16xf32>
      tpu.vector_store %arg16[%swap3A_580, %swap3A_581], %swap3A_584 {strides = array<i32>} : memref<32x128xf32, #tpu.memory_space<vmem>>, vector<1x16xf32>,
      %add3A_585 = arith.constant 0 : i32
      %add3A_586 = arith.addi %mul3A_177, %add3A_585 : i32
      %get3A_587 = arith.index_cast %add3A_586 : i32 to index
      %get3A_588 = arith.constant 64 : index
      %get3A_589 = tpu.vector_load %arg14[%get3A_587, %get3A_588] {strides = array<i32>} : memref<320x128xf32, #tpu.memory_space<vmem>>, vector<1x16xf32>,
      %get3A_590 = vector.shape_cast %get3A_589 : vector<1x16xf32> to vector<16xf32>
      %mul3A_591 = vector.broadcast %squeeze3A : f32 to vector<16xf32>
      %mul3A_592 = arith.mulf %get3A_590, %mul3A_591 : vector<16xf32>
      %add3A_593 = arith.constant 1 : i32
      %add3A_594 = arith.addi %mul3A_177, %add3A_593 : i32
      %get3A_595 = arith.index_cast %add3A_594 : i32 to index
      %get3A_596 = arith.constant 64 : index
      %get3A_597 = tpu.vector_load %arg14[%get3A_595, %get3A_596] {strides = array<i32>} : memref<320x128xf32, #tpu.memory_space<vmem>>, vector<1x16xf32>,
      %get3A_598 = vector.shape_cast %get3A_597 : vector<1x16xf32> to vector<16xf32>
      %mul3A_599 = vector.broadcast %squeeze3A_159 : f32 to vector<16xf32>
      %mul3A_600 = arith.mulf %get3A_598, %mul3A_599 : vector<16xf32>
      %add3A_601 = arith.constant 2 : i32
      %add3A_602 = arith.addi %mul3A_177, %add3A_601 : i32
      %get3A_603 = arith.index_cast %add3A_602 : i32 to index
      %get3A_604 = arith.constant 64 : index
      %get3A_605 = tpu.vector_load %arg14[%get3A_603, %get3A_604] {strides = array<i32>} : memref<320x128xf32, #tpu.memory_space<vmem>>, vector<1x16xf32>,
      %get3A_606 = vector.shape_cast %get3A_605 : vector<1x16xf32> to vector<16xf32>
      %mul3A_607 = vector.broadcast %squeeze3A_161 : f32 to vector<16xf32>
      %mul3A_608 = arith.mulf %get3A_606, %mul3A_607 : vector<16xf32>
      %add3A_609 = arith.addf %mul3A_592, %mul3A_608 : vector<16xf32>
      %add3A_610 = arith.constant 2 : i32
      %add3A_611 = arith.addi %mul3A_177, %add3A_610 : i32
      %add3A_612 = arith.constant 1 : i32
      %add3A_613 = arith.addi %add3A_611, %add3A_612 : i32
      %get3A_614 = arith.index_cast %add3A_613 : i32 to index
      %get3A_615 = arith.constant 64 : index
      %get3A_616 = tpu.vector_load %arg14[%get3A_614, %get3A_615] {strides = array<i32>} : memref<320x128xf32, #tpu.memory_space<vmem>>, vector<1x16xf32>,
      %get3A_617 = vector.shape_cast %get3A_616 : vector<1x16xf32> to vector<16xf32>
      %mul3A_618 = vector.broadcast %squeeze3A_163 : f32 to vector<16xf32>
      %mul3A_619 = arith.mulf %get3A_617, %mul3A_618 : vector<16xf32>
      %add3A_620 = arith.addf %mul3A_600, %mul3A_619 : vector<16xf32>
      %add3A_621 = arith.constant 4 : i32
      %add3A_622 = arith.addi %mul3A_177, %add3A_621 : i32
      %get3A_623 = arith.index_cast %add3A_622 : i32 to index
      %get3A_624 = arith.constant 64 : index
      %get3A_625 = tpu.vector_load %arg14[%get3A_623, %get3A_624] {strides = array<i32>} : memref<320x128xf32, #tpu.memory_space<vmem>>, vector<1x16xf32>,
      %get3A_626 = vector.shape_cast %get3A_625 : vector<1x16xf32> to vector<16xf32>
      %mul3A_627 = vector.broadcast %squeeze3A_165 : f32 to vector<16xf32>
      %mul3A_628 = arith.mulf %get3A_626, %mul3A_627 : vector<16xf32>
      %add3A_629 = arith.addf %add3A_609, %mul3A_628 : vector<16xf32>
      %add3A_630 = arith.constant 4 : i32
      %add3A_631 = arith.addi %mul3A_177, %add3A_630 : i32
      %add3A_632 = arith.constant 1 : i32
      %add3A_633 = arith.addi %add3A_631, %add3A_632 : i32
      %get3A_634 = arith.index_cast %add3A_633 : i32 to index
      %get3A_635 = arith.constant 64 : index
      %get3A_636 = tpu.vector_load %arg14[%get3A_634, %get3A_635] {strides = array<i32>} : memref<320x128xf32, #tpu.memory_space<vmem>>, vector<1x16xf32>,
      %get3A_637 = vector.shape_cast %get3A_636 : vector<1x16xf32> to vector<16xf32>
      %mul3A_638 = vector.broadcast %squeeze3A_167 : f32 to vector<16xf32>
      %mul3A_639 = arith.mulf %get3A_637, %mul3A_638 : vector<16xf32>
      %add3A_640 = arith.addf %add3A_620, %mul3A_639 : vector<16xf32>
      %add3A_641 = arith.constant 6 : i32
      %add3A_642 = arith.addi %mul3A_177, %add3A_641 : i32
      %get3A_643 = arith.index_cast %add3A_642 : i32 to index
      %get3A_644 = arith.constant 64 : index
      %get3A_645 = tpu.vector_load %arg14[%get3A_643, %get3A_644] {strides = array<i32>} : memref<320x128xf32, #tpu.memory_space<vmem>>, vector<1x16xf32>,
      %get3A_646 = vector.shape_cast %get3A_645 : vector<1x16xf32> to vector<16xf32>
      %mul3A_647 = vector.broadcast %squeeze3A_169 : f32 to vector<16xf32>
      %mul3A_648 = arith.mulf %get3A_646, %mul3A_647 : vector<16xf32>
      %add3A_649 = arith.addf %add3A_629, %mul3A_648 : vector<16xf32>
      %add3A_650 = arith.constant 6 : i32
      %add3A_651 = arith.addi %mul3A_177, %add3A_650 : i32
      %add3A_652 = arith.constant 1 : i32
      %add3A_653 = arith.addi %add3A_651, %add3A_652 : i32
      %get3A_654 = arith.index_cast %add3A_653 : i32 to index
      %get3A_655 = arith.constant 64 : index
      %get3A_656 = tpu.vector_load %arg14[%get3A_654, %get3A_655] {strides = array<i32>} : memref<320x128xf32, #tpu.memory_space<vmem>>, vector<1x16xf32>,
      %get3A_657 = vector.shape_cast %get3A_656 : vector<1x16xf32> to vector<16xf32>
      %mul3A_658 = vector.broadcast %squeeze3A_171 : f32 to vector<16xf32>
      %mul3A_659 = arith.mulf %get3A_657, %mul3A_658 : vector<16xf32>
      %add3A_660 = arith.addf %add3A_640, %mul3A_659 : vector<16xf32>
      %add3A_661 = arith.constant 8 : i32
      %add3A_662 = arith.addi %mul3A_177, %add3A_661 : i32
      %get3A_663 = arith.index_cast %add3A_662 : i32 to index
      %get3A_664 = arith.constant 64 : index
      %get3A_665 = tpu.vector_load %arg14[%get3A_663, %get3A_664] {strides = array<i32>} : memref<320x128xf32, #tpu.memory_space<vmem>>, vector<1x16xf32>,
      %get3A_666 = vector.shape_cast %get3A_665 : vector<1x16xf32> to vector<16xf32>
      %mul3A_667 = vector.broadcast %squeeze3A_173 : f32 to vector<16xf32>
      %mul3A_668 = arith.mulf %get3A_666, %mul3A_667 : vector<16xf32>
      %add3A_669 = arith.addf %add3A_649, %mul3A_668 : vector<16xf32>
      %add3A_670 = arith.constant 8 : i32
      %add3A_671 = arith.addi %mul3A_177, %add3A_670 : i32
      %add3A_672 = arith.constant 1 : i32
      %add3A_673 = arith.addi %add3A_671, %add3A_672 : i32
      %get3A_674 = arith.index_cast %add3A_673 : i32 to index
      %get3A_675 = arith.constant 64 : index
      %get3A_676 = tpu.vector_load %arg14[%get3A_674, %get3A_675] {strides = array<i32>} : memref<320x128xf32, #tpu.memory_space<vmem>>, vector<1x16xf32>,
      %get3A_677 = vector.shape_cast %get3A_676 : vector<1x16xf32> to vector<16xf32>
      %mul3A_678 = vector.broadcast %squeeze3A_175 : f32 to vector<16xf32>
      %mul3A_679 = arith.mulf %get3A_677, %mul3A_678 : vector<16xf32>
      %add3A_680 = arith.addf %add3A_660, %mul3A_679 : vector<16xf32>
      %add3A_681 = arith.addf %add3A_669, %add3A_680 : vector<16xf32>
      %swap3A_682 = arith.index_cast %scan3A_151 : i32 to index
      %swap3A_683 = arith.constant 64 : index
      %swap3A_684 = tpu.vector_load %arg16[%swap3A_682, %swap3A_683] {strides = array<i32>} : memref<32x128xf32, #tpu.memory_space<vmem>>, vector<1x16xf32>,
      %swap3A_685 = vector.shape_cast %swap3A_684 : vector<1x16xf32> to vector<16xf32>
      %swap3A_686 = vector.shape_cast %add3A_681 : vector<16xf32> to vector<1x16xf32>
      tpu.vector_store %arg16[%swap3A_682, %swap3A_683], %swap3A_686 {strides = array<i32>} : memref<32x128xf32, #tpu.memory_space<vmem>>, vector<1x16xf32>,
      %add3A_687 = arith.constant 0 : i32
      %add3A_688 = arith.addi %mul3A_177, %add3A_687 : i32
      %get3A_689 = arith.index_cast %add3A_688 : i32 to index
      %get3A_690 = arith.constant 80 : index
      %get3A_691 = tpu.vector_load %arg14[%get3A_689, %get3A_690] {strides = array<i32>} : memref<320x128xf32, #tpu.memory_space<vmem>>, vector<1x16xf32>,
      %get3A_692 = vector.shape_cast %get3A_691 : vector<1x16xf32> to vector<16xf32>
      %mul3A_693 = vector.broadcast %squeeze3A : f32 to vector<16xf32>
      %mul3A_694 = arith.mulf %get3A_692, %mul3A_693 : vector<16xf32>
      %add3A_695 = arith.constant 1 : i32
      %add3A_696 = arith.addi %mul3A_177, %add3A_695 : i32
      %get3A_697 = arith.index_cast %add3A_696 : i32 to index
      %get3A_698 = arith.constant 80 : index
      %get3A_699 = tpu.vector_load %arg14[%get3A_697, %get3A_698] {strides = array<i32>} : memref<320x128xf32, #tpu.memory_space<vmem>>, vector<1x16xf32>,
      %get3A_700 = vector.shape_cast %get3A_699 : vector<1x16xf32> to vector<16xf32>
      %mul3A_701 = vector.broadcast %squeeze3A_159 : f32 to vector<16xf32>
      %mul3A_702 = arith.mulf %get3A_700, %mul3A_701 : vector<16xf32>
      %add3A_703 = arith.constant 2 : i32
      %add3A_704 = arith.addi %mul3A_177, %add3A_703 : i32
      %get3A_705 = arith.index_cast %add3A_704 : i32 to index
      %get3A_706 = arith.constant 80 : index
      %get3A_707 = tpu.vector_load %arg14[%get3A_705, %get3A_706] {strides = array<i32>} : memref<320x128xf32, #tpu.memory_space<vmem>>, vector<1x16xf32>,
      %get3A_708 = vector.shape_cast %get3A_707 : vector<1x16xf32> to vector<16xf32>
      %mul3A_709 = vector.broadcast %squeeze3A_161 : f32 to vector<16xf32>
      %mul3A_710 = arith.mulf %get3A_708, %mul3A_709 : vector<16xf32>
      %add3A_711 = arith.addf %mul3A_694, %mul3A_710 : vector<16xf32>
      %add3A_712 = arith.constant 2 : i32
      %add3A_713 = arith.addi %mul3A_177, %add3A_712 : i32
      %add3A_714 = arith.constant 1 : i32
      %add3A_715 = arith.addi %add3A_713, %add3A_714 : i32
      %get3A_716 = arith.index_cast %add3A_715 : i32 to index
      %get3A_717 = arith.constant 80 : index
      %get3A_718 = tpu.vector_load %arg14[%get3A_716, %get3A_717] {strides = array<i32>} : memref<320x128xf32, #tpu.memory_space<vmem>>, vector<1x16xf32>,
      %get3A_719 = vector.shape_cast %get3A_718 : vector<1x16xf32> to vector<16xf32>
      %mul3A_720 = vector.broadcast %squeeze3A_163 : f32 to vector<16xf32>
      %mul3A_721 = arith.mulf %get3A_719, %mul3A_720 : vector<16xf32>
      %add3A_722 = arith.addf %mul3A_702, %mul3A_721 : vector<16xf32>
      %add3A_723 = arith.constant 4 : i32
      %add3A_724 = arith.addi %mul3A_177, %add3A_723 : i32
      %get3A_725 = arith.index_cast %add3A_724 : i32 to index
      %get3A_726 = arith.constant 80 : index
      %get3A_727 = tpu.vector_load %arg14[%get3A_725, %get3A_726] {strides = array<i32>} : memref<320x128xf32, #tpu.memory_space<vmem>>, vector<1x16xf32>,
      %get3A_728 = vector.shape_cast %get3A_727 : vector<1x16xf32> to vector<16xf32>
      %mul3A_729 = vector.broadcast %squeeze3A_165 : f32 to vector<16xf32>
      %mul3A_730 = arith.mulf %get3A_728, %mul3A_729 : vector<16xf32>
      %add3A_731 = arith.addf %add3A_711, %mul3A_730 : vector<16xf32>
      %add3A_732 = arith.constant 4 : i32
      %add3A_733 = arith.addi %mul3A_177, %add3A_732 : i32
      %add3A_734 = arith.constant 1 : i32
      %add3A_735 = arith.addi %add3A_733, %add3A_734 : i32
      %get3A_736 = arith.index_cast %add3A_735 : i32 to index
      %get3A_737 = arith.constant 80 : index
      %get3A_738 = tpu.vector_load %arg14[%get3A_736, %get3A_737] {strides = array<i32>} : memref<320x128xf32, #tpu.memory_space<vmem>>, vector<1x16xf32>,
      %get3A_739 = vector.shape_cast %get3A_738 : vector<1x16xf32> to vector<16xf32>
      %mul3A_740 = vector.broadcast %squeeze3A_167 : f32 to vector<16xf32>
      %mul3A_741 = arith.mulf %get3A_739, %mul3A_740 : vector<16xf32>
      %add3A_742 = arith.addf %add3A_722, %mul3A_741 : vector<16xf32>
      %add3A_743 = arith.constant 6 : i32
      %add3A_744 = arith.addi %mul3A_177, %add3A_743 : i32
      %get3A_745 = arith.index_cast %add3A_744 : i32 to index
      %get3A_746 = arith.constant 80 : index
      %get3A_747 = tpu.vector_load %arg14[%get3A_745, %get3A_746] {strides = array<i32>} : memref<320x128xf32, #tpu.memory_space<vmem>>, vector<1x16xf32>,
      %get3A_748 = vector.shape_cast %get3A_747 : vector<1x16xf32> to vector<16xf32>
      %mul3A_749 = vector.broadcast %squeeze3A_169 : f32 to vector<16xf32>
      %mul3A_750 = arith.mulf %get3A_748, %mul3A_749 : vector<16xf32>
      %add3A_751 = arith.addf %add3A_731, %mul3A_750 : vector<16xf32>
      %add3A_752 = arith.constant 6 : i32
      %add3A_753 = arith.addi %mul3A_177, %add3A_752 : i32
      %add3A_754 = arith.constant 1 : i32
      %add3A_755 = arith.addi %add3A_753, %add3A_754 : i32
      %get3A_756 = arith.index_cast %add3A_755 : i32 to index
      %get3A_757 = arith.constant 80 : index
      %get3A_758 = tpu.vector_load %arg14[%get3A_756, %get3A_757] {strides = array<i32>} : memref<320x128xf32, #tpu.memory_space<vmem>>, vector<1x16xf32>,
      %get3A_759 = vector.shape_cast %get3A_758 : vector<1x16xf32> to vector<16xf32>
      %mul3A_760 = vector.broadcast %squeeze3A_171 : f32 to vector<16xf32>
      %mul3A_761 = arith.mulf %get3A_759, %mul3A_760 : vector<16xf32>
      %add3A_762 = arith.addf %add3A_742, %mul3A_761 : vector<16xf32>
      %add3A_763 = arith.constant 8 : i32
      %add3A_764 = arith.addi %mul3A_177, %add3A_763 : i32
      %get3A_765 = arith.index_cast %add3A_764 : i32 to index
      %get3A_766 = arith.constant 80 : index
      %get3A_767 = tpu.vector_load %arg14[%get3A_765, %get3A_766] {strides = array<i32>} : memref<320x128xf32, #tpu.memory_space<vmem>>, vector<1x16xf32>,
      %get3A_768 = vector.shape_cast %get3A_767 : vector<1x16xf32> to vector<16xf32>
      %mul3A_769 = vector.broadcast %squeeze3A_173 : f32 to vector<16xf32>
      %mul3A_770 = arith.mulf %get3A_768, %mul3A_769 : vector<16xf32>
      %add3A_771 = arith.addf %add3A_751, %mul3A_770 : vector<16xf32>
      %add3A_772 = arith.constant 8 : i32
      %add3A_773 = arith.addi %mul3A_177, %add3A_772 : i32
      %add3A_774 = arith.constant 1 : i32
      %add3A_775 = arith.addi %add3A_773, %add3A_774 : i32
      %get3A_776 = arith.index_cast %add3A_775 : i32 to index
      %get3A_777 = arith.constant 80 : index
      %get3A_778 = tpu.vector_load %arg14[%get3A_776, %get3A_777] {strides = array<i32>} : memref<320x128xf32, #tpu.memory_space<vmem>>, vector<1x16xf32>,
      %get3A_779 = vector.shape_cast %get3A_778 : vector<1x16xf32> to vector<16xf32>
      %mul3A_780 = vector.broadcast %squeeze3A_175 : f32 to vector<16xf32>
      %mul3A_781 = arith.mulf %get3A_779, %mul3A_780 : vector<16xf32>
      %add3A_782 = arith.addf %add3A_762, %mul3A_781 : vector<16xf32>
      %add3A_783 = arith.addf %add3A_771, %add3A_782 : vector<16xf32>
      %swap3A_784 = arith.index_cast %scan3A_151 : i32 to index
      %swap3A_785 = arith.constant 80 : index
      %swap3A_786 = tpu.vector_load %arg16[%swap3A_784, %swap3A_785] {strides = array<i32>} : memref<32x128xf32, #tpu.memory_space<vmem>>, vector<1x16xf32>,
      %swap3A_787 = vector.shape_cast %swap3A_786 : vector<1x16xf32> to vector<16xf32>
      %swap3A_788 = vector.shape_cast %add3A_783 : vector<16xf32> to vector<1x16xf32>
      tpu.vector_store %arg16[%swap3A_784, %swap3A_785], %swap3A_788 {strides = array<i32>} : memref<32x128xf32, #tpu.memory_space<vmem>>, vector<1x16xf32>,
      %add3A_789 = arith.constant 0 : i32
      %add3A_790 = arith.addi %mul3A_177, %add3A_789 : i32
      %get3A_791 = arith.index_cast %add3A_790 : i32 to index
      %get3A_792 = arith.constant 96 : index
      %get3A_793 = tpu.vector_load %arg14[%get3A_791, %get3A_792] {strides = array<i32>} : memref<320x128xf32, #tpu.memory_space<vmem>>, vector<1x16xf32>,
      %get3A_794 = vector.shape_cast %get3A_793 : vector<1x16xf32> to vector<16xf32>
      %mul3A_795 = vector.broadcast %squeeze3A : f32 to vector<16xf32>
      %mul3A_796 = arith.mulf %get3A_794, %mul3A_795 : vector<16xf32>
      %add3A_797 = arith.constant 1 : i32
      %add3A_798 = arith.addi %mul3A_177, %add3A_797 : i32
      %get3A_799 = arith.index_cast %add3A_798 : i32 to index
      %get3A_800 = arith.constant 96 : index
      %get3A_801 = tpu.vector_load %arg14[%get3A_799, %get3A_800] {strides = array<i32>} : memref<320x128xf32, #tpu.memory_space<vmem>>, vector<1x16xf32>,
      %get3A_802 = vector.shape_cast %get3A_801 : vector<1x16xf32> to vector<16xf32>
      %mul3A_803 = vector.broadcast %squeeze3A_159 : f32 to vector<16xf32>
      %mul3A_804 = arith.mulf %get3A_802, %mul3A_803 : vector<16xf32>
      %add3A_805 = arith.constant 2 : i32
      %add3A_806 = arith.addi %mul3A_177, %add3A_805 : i32
      %get3A_807 = arith.index_cast %add3A_806 : i32 to index
      %get3A_808 = arith.constant 96 : index
      %get3A_809 = tpu.vector_load %arg14[%get3A_807, %get3A_808] {strides = array<i32>} : memref<320x128xf32, #tpu.memory_space<vmem>>, vector<1x16xf32>,
      %get3A_810 = vector.shape_cast %get3A_809 : vector<1x16xf32> to vector<16xf32>
      %mul3A_811 = vector.broadcast %squeeze3A_161 : f32 to vector<16xf32>
      %mul3A_812 = arith.mulf %get3A_810, %mul3A_811 : vector<16xf32>
      %add3A_813 = arith.addf %mul3A_796, %mul3A_812 : vector<16xf32>
      %add3A_814 = arith.constant 2 : i32
      %add3A_815 = arith.addi %mul3A_177, %add3A_814 : i32
      %add3A_816 = arith.constant 1 : i32
      %add3A_817 = arith.addi %add3A_815, %add3A_816 : i32
      %get3A_818 = arith.index_cast %add3A_817 : i32 to index
      %get3A_819 = arith.constant 96 : index
      %get3A_820 = tpu.vector_load %arg14[%get3A_818, %get3A_819] {strides = array<i32>} : memref<320x128xf32, #tpu.memory_space<vmem>>, vector<1x16xf32>,
      %get3A_821 = vector.shape_cast %get3A_820 : vector<1x16xf32> to vector<16xf32>
      %mul3A_822 = vector.broadcast %squeeze3A_163 : f32 to vector<16xf32>
      %mul3A_823 = arith.mulf %get3A_821, %mul3A_822 : vector<16xf32>
      %add3A_824 = arith.addf %mul3A_804, %mul3A_823 : vector<16xf32>
      %add3A_825 = arith.constant 4 : i32
      %add3A_826 = arith.addi %mul3A_177, %add3A_825 : i32
      %get3A_827 = arith.index_cast %add3A_826 : i32 to index
      %get3A_828 = arith.constant 96 : index
      %get3A_829 = tpu.vector_load %arg14[%get3A_827, %get3A_828] {strides = array<i32>} : memref<320x128xf32, #tpu.memory_space<vmem>>, vector<1x16xf32>,
      %get3A_830 = vector.shape_cast %get3A_829 : vector<1x16xf32> to vector<16xf32>
      %mul3A_831 = vector.broadcast %squeeze3A_165 : f32 to vector<16xf32>
      %mul3A_832 = arith.mulf %get3A_830, %mul3A_831 : vector<16xf32>
      %add3A_833 = arith.addf %add3A_813, %mul3A_832 : vector<16xf32>
      %add3A_834 = arith.constant 4 : i32
      %add3A_835 = arith.addi %mul3A_177, %add3A_834 : i32
      %add3A_836 = arith.constant 1 : i32
      %add3A_837 = arith.addi %add3A_835, %add3A_836 : i32
      %get3A_838 = arith.index_cast %add3A_837 : i32 to index
      %get3A_839 = arith.constant 96 : index
      %get3A_840 = tpu.vector_load %arg14[%get3A_838, %get3A_839] {strides = array<i32>} : memref<320x128xf32, #tpu.memory_space<vmem>>, vector<1x16xf32>,
      %get3A_841 = vector.shape_cast %get3A_840 : vector<1x16xf32> to vector<16xf32>
      %mul3A_842 = vector.broadcast %squeeze3A_167 : f32 to vector<16xf32>
      %mul3A_843 = arith.mulf %get3A_841, %mul3A_842 : vector<16xf32>
      %add3A_844 = arith.addf %add3A_824, %mul3A_843 : vector<16xf32>
      %add3A_845 = arith.constant 6 : i32
      %add3A_846 = arith.addi %mul3A_177, %add3A_845 : i32
      %get3A_847 = arith.index_cast %add3A_846 : i32 to index
      %get3A_848 = arith.constant 96 : index
      %get3A_849 = tpu.vector_load %arg14[%get3A_847, %get3A_848] {strides = array<i32>} : memref<320x128xf32, #tpu.memory_space<vmem>>, vector<1x16xf32>,
      %get3A_850 = vector.shape_cast %get3A_849 : vector<1x16xf32> to vector<16xf32>
      %mul3A_851 = vector.broadcast %squeeze3A_169 : f32 to vector<16xf32>
      %mul3A_852 = arith.mulf %get3A_850, %mul3A_851 : vector<16xf32>
      %add3A_853 = arith.addf %add3A_833, %mul3A_852 : vector<16xf32>
      %add3A_854 = arith.constant 6 : i32
      %add3A_855 = arith.addi %mul3A_177, %add3A_854 : i32
      %add3A_856 = arith.constant 1 : i32
      %add3A_857 = arith.addi %add3A_855, %add3A_856 : i32
      %get3A_858 = arith.index_cast %add3A_857 : i32 to index
      %get3A_859 = arith.constant 96 : index
      %get3A_860 = tpu.vector_load %arg14[%get3A_858, %get3A_859] {strides = array<i32>} : memref<320x128xf32, #tpu.memory_space<vmem>>, vector<1x16xf32>,
      %get3A_861 = vector.shape_cast %get3A_860 : vector<1x16xf32> to vector<16xf32>
      %mul3A_862 = vector.broadcast %squeeze3A_171 : f32 to vector<16xf32>
      %mul3A_863 = arith.mulf %get3A_861, %mul3A_862 : vector<16xf32>
      %add3A_864 = arith.addf %add3A_844, %mul3A_863 : vector<16xf32>
      %add3A_865 = arith.constant 8 : i32
      %add3A_866 = arith.addi %mul3A_177, %add3A_865 : i32
      %get3A_867 = arith.index_cast %add3A_866 : i32 to index
      %get3A_868 = arith.constant 96 : index
      %get3A_869 = tpu.vector_load %arg14[%get3A_867, %get3A_868] {strides = array<i32>} : memref<320x128xf32, #tpu.memory_space<vmem>>, vector<1x16xf32>,
      %get3A_870 = vector.shape_cast %get3A_869 : vector<1x16xf32> to vector<16xf32>
      %mul3A_871 = vector.broadcast %squeeze3A_173 : f32 to vector<16xf32>
      %mul3A_872 = arith.mulf %get3A_870, %mul3A_871 : vector<16xf32>
      %add3A_873 = arith.addf %add3A_853, %mul3A_872 : vector<16xf32>
      %add3A_874 = arith.constant 8 : i32
      %add3A_875 = arith.addi %mul3A_177, %add3A_874 : i32
      %add3A_876 = arith.constant 1 : i32
      %add3A_877 = arith.addi %add3A_875, %add3A_876 : i32
      %get3A_878 = arith.index_cast %add3A_877 : i32 to index
      %get3A_879 = arith.constant 96 : index
      %get3A_880 = tpu.vector_load %arg14[%get3A_878, %get3A_879] {strides = array<i32>} : memref<320x128xf32, #tpu.memory_space<vmem>>, vector<1x16xf32>,
      %get3A_881 = vector.shape_cast %get3A_880 : vector<1x16xf32> to vector<16xf32>
      %mul3A_882 = vector.broadcast %squeeze3A_175 : f32 to vector<16xf32>
      %mul3A_883 = arith.mulf %get3A_881, %mul3A_882 : vector<16xf32>
      %add3A_884 = arith.addf %add3A_864, %mul3A_883 : vector<16xf32>
      %add3A_885 = arith.addf %add3A_873, %add3A_884 : vector<16xf32>
      %swap3A_886 = arith.index_cast %scan3A_151 : i32 to index
      %swap3A_887 = arith.constant 96 : index
      %swap3A_888 = tpu.vector_load %arg16[%swap3A_886, %swap3A_887] {strides = array<i32>} : memref<32x128xf32, #tpu.memory_space<vmem>>, vector<1x16xf32>,
      %swap3A_889 = vector.shape_cast %swap3A_888 : vector<1x16xf32> to vector<16xf32>
      %swap3A_890 = vector.shape_cast %add3A_885 : vector<16xf32> to vector<1x16xf32>
      tpu.vector_store %arg16[%swap3A_886, %swap3A_887], %swap3A_890 {strides = array<i32>} : memref<32x128xf32, #tpu.memory_space<vmem>>, vector<1x16xf32>,
      %add3A_891 = arith.constant 0 : i32
      %add3A_892 = arith.addi %mul3A_177, %add3A_891 : i32
      %get3A_893 = arith.index_cast %add3A_892 : i32 to index
      %get3A_894 = arith.constant 112 : index
      %get3A_895 = tpu.vector_load %arg14[%get3A_893, %get3A_894] {strides = array<i32>} : memref<320x128xf32, #tpu.memory_space<vmem>>, vector<1x16xf32>,
      %get3A_896 = vector.shape_cast %get3A_895 : vector<1x16xf32> to vector<16xf32>
      %mul3A_897 = vector.broadcast %squeeze3A : f32 to vector<16xf32>
      %mul3A_898 = arith.mulf %get3A_896, %mul3A_897 : vector<16xf32>
      %add3A_899 = arith.constant 1 : i32
      %add3A_900 = arith.addi %mul3A_177, %add3A_899 : i32
      %get3A_901 = arith.index_cast %add3A_900 : i32 to index
      %get3A_902 = arith.constant 112 : index
      %get3A_903 = tpu.vector_load %arg14[%get3A_901, %get3A_902] {strides = array<i32>} : memref<320x128xf32, #tpu.memory_space<vmem>>, vector<1x16xf32>,
      %get3A_904 = vector.shape_cast %get3A_903 : vector<1x16xf32> to vector<16xf32>
      %mul3A_905 = vector.broadcast %squeeze3A_159 : f32 to vector<16xf32>
      %mul3A_906 = arith.mulf %get3A_904, %mul3A_905 : vector<16xf32>
      %add3A_907 = arith.constant 2 : i32
      %add3A_908 = arith.addi %mul3A_177, %add3A_907 : i32
      %get3A_909 = arith.index_cast %add3A_908 : i32 to index
      %get3A_910 = arith.constant 112 : index
      %get3A_911 = tpu.vector_load %arg14[%get3A_909, %get3A_910] {strides = array<i32>} : memref<320x128xf32, #tpu.memory_space<vmem>>, vector<1x16xf32>,
      %get3A_912 = vector.shape_cast %get3A_911 : vector<1x16xf32> to vector<16xf32>
      %mul3A_913 = vector.broadcast %squeeze3A_161 : f32 to vector<16xf32>
      %mul3A_914 = arith.mulf %get3A_912, %mul3A_913 : vector<16xf32>
      %add3A_915 = arith.addf %mul3A_898, %mul3A_914 : vector<16xf32>
      %add3A_916 = arith.constant 2 : i32
      %add3A_917 = arith.addi %mul3A_177, %add3A_916 : i32
      %add3A_918 = arith.constant 1 : i32
      %add3A_919 = arith.addi %add3A_917, %add3A_918 : i32
      %get3A_920 = arith.index_cast %add3A_919 : i32 to index
      %get3A_921 = arith.constant 112 : index
      %get3A_922 = tpu.vector_load %arg14[%get3A_920, %get3A_921] {strides = array<i32>} : memref<320x128xf32, #tpu.memory_space<vmem>>, vector<1x16xf32>,
      %get3A_923 = vector.shape_cast %get3A_922 : vector<1x16xf32> to vector<16xf32>
      %mul3A_924 = vector.broadcast %squeeze3A_163 : f32 to vector<16xf32>
      %mul3A_925 = arith.mulf %get3A_923, %mul3A_924 : vector<16xf32>
      %add3A_926 = arith.addf %mul3A_906, %mul3A_925 : vector<16xf32>
      %add3A_927 = arith.constant 4 : i32
      %add3A_928 = arith.addi %mul3A_177, %add3A_927 : i32
      %get3A_929 = arith.index_cast %add3A_928 : i32 to index
      %get3A_930 = arith.constant 112 : index
      %get3A_931 = tpu.vector_load %arg14[%get3A_929, %get3A_930] {strides = array<i32>} : memref<320x128xf32, #tpu.memory_space<vmem>>, vector<1x16xf32>,
      %get3A_932 = vector.shape_cast %get3A_931 : vector<1x16xf32> to vector<16xf32>
      %mul3A_933 = vector.broadcast %squeeze3A_165 : f32 to vector<16xf32>
      %mul3A_934 = arith.mulf %get3A_932, %mul3A_933 : vector<16xf32>
      %add3A_935 = arith.addf %add3A_915, %mul3A_934 : vector<16xf32>
      %add3A_936 = arith.constant 4 : i32
      %add3A_937 = arith.addi %mul3A_177, %add3A_936 : i32
      %add3A_938 = arith.constant 1 : i32
      %add3A_939 = arith.addi %add3A_937, %add3A_938 : i32
      %get3A_940 = arith.index_cast %add3A_939 : i32 to index
      %get3A_941 = arith.constant 112 : index
      %get3A_942 = tpu.vector_load %arg14[%get3A_940, %get3A_941] {strides = array<i32>} : memref<320x128xf32, #tpu.memory_space<vmem>>, vector<1x16xf32>,
      %get3A_943 = vector.shape_cast %get3A_942 : vector<1x16xf32> to vector<16xf32>
      %mul3A_944 = vector.broadcast %squeeze3A_167 : f32 to vector<16xf32>
      %mul3A_945 = arith.mulf %get3A_943, %mul3A_944 : vector<16xf32>
      %add3A_946 = arith.addf %add3A_926, %mul3A_945 : vector<16xf32>
      %add3A_947 = arith.constant 6 : i32
      %add3A_948 = arith.addi %mul3A_177, %add3A_947 : i32
      %get3A_949 = arith.index_cast %add3A_948 : i32 to index
      %get3A_950 = arith.constant 112 : index
      %get3A_951 = tpu.vector_load %arg14[%get3A_949, %get3A_950] {strides = array<i32>} : memref<320x128xf32, #tpu.memory_space<vmem>>, vector<1x16xf32>,
      %get3A_952 = vector.shape_cast %get3A_951 : vector<1x16xf32> to vector<16xf32>
      %mul3A_953 = vector.broadcast %squeeze3A_169 : f32 to vector<16xf32>
      %mul3A_954 = arith.mulf %get3A_952, %mul3A_953 : vector<16xf32>
      %add3A_955 = arith.addf %add3A_935, %mul3A_954 : vector<16xf32>
      %add3A_956 = arith.constant 6 : i32
      %add3A_957 = arith.addi %mul3A_177, %add3A_956 : i32
      %add3A_958 = arith.constant 1 : i32
      %add3A_959 = arith.addi %add3A_957, %add3A_958 : i32
      %get3A_960 = arith.index_cast %add3A_959 : i32 to index
      %get3A_961 = arith.constant 112 : index
      %get3A_962 = tpu.vector_load %arg14[%get3A_960, %get3A_961] {strides = array<i32>} : memref<320x128xf32, #tpu.memory_space<vmem>>, vector<1x16xf32>,
      %get3A_963 = vector.shape_cast %get3A_962 : vector<1x16xf32> to vector<16xf32>
      %mul3A_964 = vector.broadcast %squeeze3A_171 : f32 to vector<16xf32>
      %mul3A_965 = arith.mulf %get3A_963, %mul3A_964 : vector<16xf32>
      %add3A_966 = arith.addf %add3A_946, %mul3A_965 : vector<16xf32>
      %add3A_967 = arith.constant 8 : i32
      %add3A_968 = arith.addi %mul3A_177, %add3A_967 : i32
      %get3A_969 = arith.index_cast %add3A_968 : i32 to index
      %get3A_970 = arith.constant 112 : index
      %get3A_971 = tpu.vector_load %arg14[%get3A_969, %get3A_970] {strides = array<i32>} : memref<320x128xf32, #tpu.memory_space<vmem>>, vector<1x16xf32>,
      %get3A_972 = vector.shape_cast %get3A_971 : vector<1x16xf32> to vector<16xf32>
      %mul3A_973 = vector.broadcast %squeeze3A_173 : f32 to vector<16xf32>
      %mul3A_974 = arith.mulf %get3A_972, %mul3A_973 : vector<16xf32>
      %add3A_975 = arith.addf %add3A_955, %mul3A_974 : vector<16xf32>
      %add3A_976 = arith.constant 8 : i32
      %add3A_977 = arith.addi %mul3A_177, %add3A_976 : i32
      %add3A_978 = arith.constant 1 : i32
      %add3A_979 = arith.addi %add3A_977, %add3A_978 : i32
      %get3A_980 = arith.index_cast %add3A_979 : i32 to index
      %get3A_981 = arith.constant 112 : index
      %get3A_982 = tpu.vector_load %arg14[%get3A_980, %get3A_981] {strides = array<i32>} : memref<320x128xf32, #tpu.memory_space<vmem>>, vector<1x16xf32>,
      %get3A_983 = vector.shape_cast %get3A_982 : vector<1x16xf32> to vector<16xf32>
      %mul3A_984 = vector.broadcast %squeeze3A_175 : f32 to vector<16xf32>
      %mul3A_985 = arith.mulf %get3A_983, %mul3A_984 : vector<16xf32>
      %add3A_986 = arith.addf %add3A_966, %mul3A_985 : vector<16xf32>
      %add3A_987 = arith.addf %add3A_975, %add3A_986 : vector<16xf32>
      %swap3A_988 = arith.index_cast %scan3A_151 : i32 to index
      %swap3A_989 = arith.constant 112 : index
      %swap3A_990 = tpu.vector_load %arg16[%swap3A_988, %swap3A_989] {strides = array<i32>} : memref<32x128xf32, #tpu.memory_space<vmem>>, vector<1x16xf32>,
      %swap3A_991 = vector.shape_cast %swap3A_990 : vector<1x16xf32> to vector<16xf32>
      %swap3A_992 = vector.shape_cast %add3A_987 : vector<16xf32> to vector<1x16xf32>
      tpu.vector_store %arg16[%swap3A_988, %swap3A_989], %swap3A_992 {strides = array<i32>} : memref<32x128xf32, #tpu.memory_space<vmem>>, vector<1x16xf32>,
    }
    %scan3A_108 = arith.constant 32 : i32
    %dma_start3A_109 = arith.constant 0 : i32
    %dma_start3A_110 = tpu.memref_slice %arg8[%mul3A_2, %dma_start3A_109] : memref<1024x128xf32, #tpu.memory_space<hbm>> -> memref<32x128xf32, #tpu.memory_space<hbm>>
    %dma_start3A_111 = arith.constant 0 : i32
    %dma_start3A_112 = tpu.memref_slice %arg8[%mul3A_2, %dma_start3A_111] : memref<1024x128xf32, #tpu.memory_space<hbm>> -> memref<32x128xf32, #tpu.memory_space<hbm>>
    tpu.enqueue_dma source(%arg16 : memref<32x128xf32, #tpu.memory_space<vmem>>) target(%dma_start3A_112 : memref<32x128xf32, #tpu.memory_space<hbm>>) target_semaphore(%arg21 : memref<!tpu.dma_semaphore, #tpu.memory_space<semaphore_mem>>)
    %dma_wait3A_113 = arith.constant 0 : i32
    %dma_wait3A_114 = arith.constant 0 : i32
    %dma_wait3A_115 = tpu.memref_slice %arg6[%dma_wait3A_113, %dma_wait3A_114] : memref<50000x128xf32, #tpu.memory_space<hbm>> -> memref<320x128xf32, #tpu.memory_space<hbm>>
    %dma_wait3A_116 = arith.constant 0 : i32
    %dma_wait3A_117 = arith.constant 0 : i32
    %dma_wait3A_118 = tpu.memref_slice %arg6[%dma_wait3A_116, %dma_wait3A_117] : memref<50000x128xf32, #tpu.memory_space<hbm>> -> memref<320x128xf32, #tpu.memory_space<hbm>>
    tpu.wait_dma2 semaphore(%arg19 : memref<!tpu.dma_semaphore, #tpu.memory_space<semaphore_mem>>) src(%dma_wait3A_118 : memref<320x128xf32, #tpu.memory_space<hbm>>) dst(%arg13 : memref<320x128xf32, #tpu.memory_space<vmem>>)
    %scan3A_119 = arith.constant 0 : i32
    %scan3A_120 = arith.constant 0 : i32
    %scan3A_121 = arith.constant 32 : i32
    %scan3A_122 = arith.addi %scan3A_120, %scan3A_121 : i32
    %scan3A_123 = arith.constant 1 : i32
    scf.for %scan3A_151 = %scan3A_120 to %scan3A_122 step %scan3A_123  : i32 {
      %mul3A_152 = arith.constant 16 : i32
      %mul3A_153 = arith.muli %scan3A_151, %mul3A_152 : i32
      %add3A_154 = arith.constant 1024 : i32
      %add3A_155 = arith.addi %add3A_154, %mul3A_153 : i32
      %multiple_of3A = tpu.assume_multiple %add3A_155, 16 : i32
      %get3A = arith.index_cast %multiple_of3A : i32 to index
      %get3A_156 = tpu.vector_load %arg12[%get3A] {strides = array<i32>} : memref<1536xf32, #tpu.memory_space<vmem>>, vector<16xf32>,
      %get3A_157 = vector.shape_cast %get3A_156 : vector<16xf32> to vector<16xf32>
      %slice3A = vector.extract_strided_slice %get3A_157 {offsets = [0], sizes = [1], strides = [1]} : vector<16xf32> to vector<1xf32>
      %squeeze3A = vector.extract %slice3A[0] : f32 from vector<1xf32>
      %slice3A_158 = vector.extract_strided_slice %get3A_157 {offsets = [1], sizes = [1], strides = [1]} : vector<16xf32> to vector<1xf32>
      %squeeze3A_159 = vector.extract %slice3A_158[0] : f32 from vector<1xf32>
      %slice3A_160 = vector.extract_strided_slice %get3A_157 {offsets = [2], sizes = [1], strides = [1]} : vector<16xf32> to vector<1xf32>
      %squeeze3A_161 = vector.extract %slice3A_160[0] : f32 from vector<1xf32>
      %slice3A_162 = vector.extract_strided_slice %get3A_157 {offsets = [3], sizes = [1], strides = [1]} : vector<16xf32> to vector<1xf32>
      %squeeze3A_163 = vector.extract %slice3A_162[0] : f32 from vector<1xf32>
      %slice3A_164 = vector.extract_strided_slice %get3A_157 {offsets = [4], sizes = [1], strides = [1]} : vector<16xf32> to vector<1xf32>
      %squeeze3A_165 = vector.extract %slice3A_164[0] : f32 from vector<1xf32>
      %slice3A_166 = vector.extract_strided_slice %get3A_157 {offsets = [5], sizes = [1], strides = [1]} : vector<16xf32> to vector<1xf32>
      %squeeze3A_167 = vector.extract %slice3A_166[0] : f32 from vector<1xf32>
      %slice3A_168 = vector.extract_strided_slice %get3A_157 {offsets = [6], sizes = [1], strides = [1]} : vector<16xf32> to vector<1xf32>
      %squeeze3A_169 = vector.extract %slice3A_168[0] : f32 from vector<1xf32>
      %slice3A_170 = vector.extract_strided_slice %get3A_157 {offsets = [7], sizes = [1], strides = [1]} : vector<16xf32> to vector<1xf32>
      %squeeze3A_171 = vector.extract %slice3A_170[0] : f32 from vector<1xf32>
      %slice3A_172 = vector.extract_strided_slice %get3A_157 {offsets = [8], sizes = [1], strides = [1]} : vector<16xf32> to vector<1xf32>
      %squeeze3A_173 = vector.extract %slice3A_172[0] : f32 from vector<1xf32>
      %slice3A_174 = vector.extract_strided_slice %get3A_157 {offsets = [9], sizes = [1], strides = [1]} : vector<16xf32> to vector<1xf32>
      %squeeze3A_175 = vector.extract %slice3A_174[0] : f32 from vector<1xf32>
      %mul3A_176 = arith.constant 10 : i32
      %mul3A_177 = arith.muli %scan3A_151, %mul3A_176 : i32
      %add3A_178 = arith.constant 0 : i32
      %add3A_179 = arith.addi %mul3A_177, %add3A_178 : i32
      %get3A_180 = arith.index_cast %add3A_179 : i32 to index
      %get3A_181 = arith.constant 0 : index
      %get3A_182 = tpu.vector_load %arg13[%get3A_180, %get3A_181] {strides = array<i32>} : memref<320x128xf32, #tpu.memory_space<vmem>>, vector<1x16xf32>,
      %get3A_183 = vector.shape_cast %get3A_182 : vector<1x16xf32> to vector<16xf32>
      %mul3A_184 = vector.broadcast %squeeze3A : f32 to vector<16xf32>
      %mul3A_185 = arith.mulf %get3A_183, %mul3A_184 : vector<16xf32>
      %add3A_186 = arith.constant 1 : i32
      %add3A_187 = arith.addi %mul3A_177, %add3A_186 : i32
      %get3A_188 = arith.index_cast %add3A_187 : i32 to index
      %get3A_189 = arith.constant 0 : index
      %get3A_190 = tpu.vector_load %arg13[%get3A_188, %get3A_189] {strides = array<i32>} : memref<320x128xf32, #tpu.memory_space<vmem>>, vector<1x16xf32>,
      %get3A_191 = vector.shape_cast %get3A_190 : vector<1x16xf32> to vector<16xf32>
      %mul3A_192 = vector.broadcast %squeeze3A_159 : f32 to vector<16xf32>
      %mul3A_193 = arith.mulf %get3A_191, %mul3A_192 : vector<16xf32>
      %add3A_194 = arith.constant 2 : i32
      %add3A_195 = arith.addi %mul3A_177, %add3A_194 : i32
      %get3A_196 = arith.index_cast %add3A_195 : i32 to index
      %get3A_197 = arith.constant 0 : index
      %get3A_198 = tpu.vector_load %arg13[%get3A_196, %get3A_197] {strides = array<i32>} : memref<320x128xf32, #tpu.memory_space<vmem>>, vector<1x16xf32>,
      %get3A_199 = vector.shape_cast %get3A_198 : vector<1x16xf32> to vector<16xf32>
      %mul3A_200 = vector.broadcast %squeeze3A_161 : f32 to vector<16xf32>
      %mul3A_201 = arith.mulf %get3A_199, %mul3A_200 : vector<16xf32>
      %add3A_202 = arith.addf %mul3A_185, %mul3A_201 : vector<16xf32>
      %add3A_203 = arith.constant 2 : i32
      %add3A_204 = arith.addi %mul3A_177, %add3A_203 : i32
      %add3A_205 = arith.constant 1 : i32
      %add3A_206 = arith.addi %add3A_204, %add3A_205 : i32
      %get3A_207 = arith.index_cast %add3A_206 : i32 to index
      %get3A_208 = arith.constant 0 : index
      %get3A_209 = tpu.vector_load %arg13[%get3A_207, %get3A_208] {strides = array<i32>} : memref<320x128xf32, #tpu.memory_space<vmem>>, vector<1x16xf32>,
      %get3A_210 = vector.shape_cast %get3A_209 : vector<1x16xf32> to vector<16xf32>
      %mul3A_211 = vector.broadcast %squeeze3A_163 : f32 to vector<16xf32>
      %mul3A_212 = arith.mulf %get3A_210, %mul3A_211 : vector<16xf32>
      %add3A_213 = arith.addf %mul3A_193, %mul3A_212 : vector<16xf32>
      %add3A_214 = arith.constant 4 : i32
      %add3A_215 = arith.addi %mul3A_177, %add3A_214 : i32
      %get3A_216 = arith.index_cast %add3A_215 : i32 to index
      %get3A_217 = arith.constant 0 : index
      %get3A_218 = tpu.vector_load %arg13[%get3A_216, %get3A_217] {strides = array<i32>} : memref<320x128xf32, #tpu.memory_space<vmem>>, vector<1x16xf32>,
      %get3A_219 = vector.shape_cast %get3A_218 : vector<1x16xf32> to vector<16xf32>
      %mul3A_220 = vector.broadcast %squeeze3A_165 : f32 to vector<16xf32>
      %mul3A_221 = arith.mulf %get3A_219, %mul3A_220 : vector<16xf32>
      %add3A_222 = arith.addf %add3A_202, %mul3A_221 : vector<16xf32>
      %add3A_223 = arith.constant 4 : i32
      %add3A_224 = arith.addi %mul3A_177, %add3A_223 : i32
      %add3A_225 = arith.constant 1 : i32
      %add3A_226 = arith.addi %add3A_224, %add3A_225 : i32
      %get3A_227 = arith.index_cast %add3A_226 : i32 to index
      %get3A_228 = arith.constant 0 : index
      %get3A_229 = tpu.vector_load %arg13[%get3A_227, %get3A_228] {strides = array<i32>} : memref<320x128xf32, #tpu.memory_space<vmem>>, vector<1x16xf32>,
      %get3A_230 = vector.shape_cast %get3A_229 : vector<1x16xf32> to vector<16xf32>
      %mul3A_231 = vector.broadcast %squeeze3A_167 : f32 to vector<16xf32>
      %mul3A_232 = arith.mulf %get3A_230, %mul3A_231 : vector<16xf32>
      %add3A_233 = arith.addf %add3A_213, %mul3A_232 : vector<16xf32>
      %add3A_234 = arith.constant 6 : i32
      %add3A_235 = arith.addi %mul3A_177, %add3A_234 : i32
      %get3A_236 = arith.index_cast %add3A_235 : i32 to index
      %get3A_237 = arith.constant 0 : index
      %get3A_238 = tpu.vector_load %arg13[%get3A_236, %get3A_237] {strides = array<i32>} : memref<320x128xf32, #tpu.memory_space<vmem>>, vector<1x16xf32>,
      %get3A_239 = vector.shape_cast %get3A_238 : vector<1x16xf32> to vector<16xf32>
      %mul3A_240 = vector.broadcast %squeeze3A_169 : f32 to vector<16xf32>
      %mul3A_241 = arith.mulf %get3A_239, %mul3A_240 : vector<16xf32>
      %add3A_242 = arith.addf %add3A_222, %mul3A_241 : vector<16xf32>
      %add3A_243 = arith.constant 6 : i32
      %add3A_244 = arith.addi %mul3A_177, %add3A_243 : i32
      %add3A_245 = arith.constant 1 : i32
      %add3A_246 = arith.addi %add3A_244, %add3A_245 : i32
      %get3A_247 = arith.index_cast %add3A_246 : i32 to index
      %get3A_248 = arith.constant 0 : index
      %get3A_249 = tpu.vector_load %arg13[%get3A_247, %get3A_248] {strides = array<i32>} : memref<320x128xf32, #tpu.memory_space<vmem>>, vector<1x16xf32>,
      %get3A_250 = vector.shape_cast %get3A_249 : vector<1x16xf32> to vector<16xf32>
      %mul3A_251 = vector.broadcast %squeeze3A_171 : f32 to vector<16xf32>
      %mul3A_252 = arith.mulf %get3A_250, %mul3A_251 : vector<16xf32>
      %add3A_253 = arith.addf %add3A_233, %mul3A_252 : vector<16xf32>
      %add3A_254 = arith.constant 8 : i32
      %add3A_255 = arith.addi %mul3A_177, %add3A_254 : i32
      %get3A_256 = arith.index_cast %add3A_255 : i32 to index
      %get3A_257 = arith.constant 0 : index
      %get3A_258 = tpu.vector_load %arg13[%get3A_256, %get3A_257] {strides = array<i32>} : memref<320x128xf32, #tpu.memory_space<vmem>>, vector<1x16xf32>,
      %get3A_259 = vector.shape_cast %get3A_258 : vector<1x16xf32> to vector<16xf32>
      %mul3A_260 = vector.broadcast %squeeze3A_173 : f32 to vector<16xf32>
      %mul3A_261 = arith.mulf %get3A_259, %mul3A_260 : vector<16xf32>
      %add3A_262 = arith.addf %add3A_242, %mul3A_261 : vector<16xf32>
      %add3A_263 = arith.constant 8 : i32
      %add3A_264 = arith.addi %mul3A_177, %add3A_263 : i32
      %add3A_265 = arith.constant 1 : i32
      %add3A_266 = arith.addi %add3A_264, %add3A_265 : i32
      %get3A_267 = arith.index_cast %add3A_266 : i32 to index
      %get3A_268 = arith.constant 0 : index
      %get3A_269 = tpu.vector_load %arg13[%get3A_267, %get3A_268] {strides = array<i32>} : memref<320x128xf32, #tpu.memory_space<vmem>>, vector<1x16xf32>,
      %get3A_270 = vector.shape_cast %get3A_269 : vector<1x16xf32> to vector<16xf32>
      %mul3A_271 = vector.broadcast %squeeze3A_175 : f32 to vector<16xf32>
      %mul3A_272 = arith.mulf %get3A_270, %mul3A_271 : vector<16xf32>
      %add3A_273 = arith.addf %add3A_253, %mul3A_272 : vector<16xf32>
      %add3A_274 = arith.addf %add3A_262, %add3A_273 : vector<16xf32>
      %swap3A = arith.index_cast %scan3A_151 : i32 to index
      %swap3A_275 = arith.constant 0 : index
      %swap3A_276 = tpu.vector_load %arg17[%swap3A, %swap3A_275] {strides = array<i32>} : memref<32x128xf32, #tpu.memory_space<vmem>>, vector<1x16xf32>,
      %swap3A_277 = vector.shape_cast %swap3A_276 : vector<1x16xf32> to vector<16xf32>
      %swap3A_278 = vector.shape_cast %add3A_274 : vector<16xf32> to vector<1x16xf32>
      tpu.vector_store %arg17[%swap3A, %swap3A_275], %swap3A_278 {strides = array<i32>} : memref<32x128xf32, #tpu.memory_space<vmem>>, vector<1x16xf32>,
      %add3A_279 = arith.constant 0 : i32
      %add3A_280 = arith.addi %mul3A_177, %add3A_279 : i32
      %get3A_281 = arith.index_cast %add3A_280 : i32 to index
      %get3A_282 = arith.constant 16 : index
      %get3A_283 = tpu.vector_load %arg13[%get3A_281, %get3A_282] {strides = array<i32>} : memref<320x128xf32, #tpu.memory_space<vmem>>, vector<1x16xf32>,
      %get3A_284 = vector.shape_cast %get3A_283 : vector<1x16xf32> to vector<16xf32>
      %mul3A_285 = vector.broadcast %squeeze3A : f32 to vector<16xf32>
      %mul3A_286 = arith.mulf %get3A_284, %mul3A_285 : vector<16xf32>
      %add3A_287 = arith.constant 1 : i32
      %add3A_288 = arith.addi %mul3A_177, %add3A_287 : i32
      %get3A_289 = arith.index_cast %add3A_288 : i32 to index
      %get3A_290 = arith.constant 16 : index
      %get3A_291 = tpu.vector_load %arg13[%get3A_289, %get3A_290] {strides = array<i32>} : memref<320x128xf32, #tpu.memory_space<vmem>>, vector<1x16xf32>,
      %get3A_292 = vector.shape_cast %get3A_291 : vector<1x16xf32> to vector<16xf32>
      %mul3A_293 = vector.broadcast %squeeze3A_159 : f32 to vector<16xf32>
      %mul3A_294 = arith.mulf %get3A_292, %mul3A_293 : vector<16xf32>
      %add3A_295 = arith.constant 2 : i32
      %add3A_296 = arith.addi %mul3A_177, %add3A_295 : i32
      %get3A_297 = arith.index_cast %add3A_296 : i32 to index
      %get3A_298 = arith.constant 16 : index
      %get3A_299 = tpu.vector_load %arg13[%get3A_297, %get3A_298] {strides = array<i32>} : memref<320x128xf32, #tpu.memory_space<vmem>>, vector<1x16xf32>,
      %get3A_300 = vector.shape_cast %get3A_299 : vector<1x16xf32> to vector<16xf32>
      %mul3A_301 = vector.broadcast %squeeze3A_161 : f32 to vector<16xf32>
      %mul3A_302 = arith.mulf %get3A_300, %mul3A_301 : vector<16xf32>
      %add3A_303 = arith.addf %mul3A_286, %mul3A_302 : vector<16xf32>
      %add3A_304 = arith.constant 2 : i32
      %add3A_305 = arith.addi %mul3A_177, %add3A_304 : i32
      %add3A_306 = arith.constant 1 : i32
      %add3A_307 = arith.addi %add3A_305, %add3A_306 : i32
      %get3A_308 = arith.index_cast %add3A_307 : i32 to index
      %get3A_309 = arith.constant 16 : index
      %get3A_310 = tpu.vector_load %arg13[%get3A_308, %get3A_309] {strides = array<i32>} : memref<320x128xf32, #tpu.memory_space<vmem>>, vector<1x16xf32>,
      %get3A_311 = vector.shape_cast %get3A_310 : vector<1x16xf32> to vector<16xf32>
      %mul3A_312 = vector.broadcast %squeeze3A_163 : f32 to vector<16xf32>
      %mul3A_313 = arith.mulf %get3A_311, %mul3A_312 : vector<16xf32>
      %add3A_314 = arith.addf %mul3A_294, %mul3A_313 : vector<16xf32>
      %add3A_315 = arith.constant 4 : i32
      %add3A_316 = arith.addi %mul3A_177, %add3A_315 : i32
      %get3A_317 = arith.index_cast %add3A_316 : i32 to index
      %get3A_318 = arith.constant 16 : index
      %get3A_319 = tpu.vector_load %arg13[%get3A_317, %get3A_318] {strides = array<i32>} : memref<320x128xf32, #tpu.memory_space<vmem>>, vector<1x16xf32>,
      %get3A_320 = vector.shape_cast %get3A_319 : vector<1x16xf32> to vector<16xf32>
      %mul3A_321 = vector.broadcast %squeeze3A_165 : f32 to vector<16xf32>
      %mul3A_322 = arith.mulf %get3A_320, %mul3A_321 : vector<16xf32>
      %add3A_323 = arith.addf %add3A_303, %mul3A_322 : vector<16xf32>
      %add3A_324 = arith.constant 4 : i32
      %add3A_325 = arith.addi %mul3A_177, %add3A_324 : i32
      %add3A_326 = arith.constant 1 : i32
      %add3A_327 = arith.addi %add3A_325, %add3A_326 : i32
      %get3A_328 = arith.index_cast %add3A_327 : i32 to index
      %get3A_329 = arith.constant 16 : index
      %get3A_330 = tpu.vector_load %arg13[%get3A_328, %get3A_329] {strides = array<i32>} : memref<320x128xf32, #tpu.memory_space<vmem>>, vector<1x16xf32>,
      %get3A_331 = vector.shape_cast %get3A_330 : vector<1x16xf32> to vector<16xf32>
      %mul3A_332 = vector.broadcast %squeeze3A_167 : f32 to vector<16xf32>
      %mul3A_333 = arith.mulf %get3A_331, %mul3A_332 : vector<16xf32>
      %add3A_334 = arith.addf %add3A_314, %mul3A_333 : vector<16xf32>
      %add3A_335 = arith.constant 6 : i32
      %add3A_336 = arith.addi %mul3A_177, %add3A_335 : i32
      %get3A_337 = arith.index_cast %add3A_336 : i32 to index
      %get3A_338 = arith.constant 16 : index
      %get3A_339 = tpu.vector_load %arg13[%get3A_337, %get3A_338] {strides = array<i32>} : memref<320x128xf32, #tpu.memory_space<vmem>>, vector<1x16xf32>,
      %get3A_340 = vector.shape_cast %get3A_339 : vector<1x16xf32> to vector<16xf32>
      %mul3A_341 = vector.broadcast %squeeze3A_169 : f32 to vector<16xf32>
      %mul3A_342 = arith.mulf %get3A_340, %mul3A_341 : vector<16xf32>
      %add3A_343 = arith.addf %add3A_323, %mul3A_342 : vector<16xf32>
      %add3A_344 = arith.constant 6 : i32
      %add3A_345 = arith.addi %mul3A_177, %add3A_344 : i32
      %add3A_346 = arith.constant 1 : i32
      %add3A_347 = arith.addi %add3A_345, %add3A_346 : i32
      %get3A_348 = arith.index_cast %add3A_347 : i32 to index
      %get3A_349 = arith.constant 16 : index
      %get3A_350 = tpu.vector_load %arg13[%get3A_348, %get3A_349] {strides = array<i32>} : memref<320x128xf32, #tpu.memory_space<vmem>>, vector<1x16xf32>,
      %get3A_351 = vector.shape_cast %get3A_350 : vector<1x16xf32> to vector<16xf32>
      %mul3A_352 = vector.broadcast %squeeze3A_171 : f32 to vector<16xf32>
      %mul3A_353 = arith.mulf %get3A_351, %mul3A_352 : vector<16xf32>
      %add3A_354 = arith.addf %add3A_334, %mul3A_353 : vector<16xf32>
      %add3A_355 = arith.constant 8 : i32
      %add3A_356 = arith.addi %mul3A_177, %add3A_355 : i32
      %get3A_357 = arith.index_cast %add3A_356 : i32 to index
      %get3A_358 = arith.constant 16 : index
      %get3A_359 = tpu.vector_load %arg13[%get3A_357, %get3A_358] {strides = array<i32>} : memref<320x128xf32, #tpu.memory_space<vmem>>, vector<1x16xf32>,
      %get3A_360 = vector.shape_cast %get3A_359 : vector<1x16xf32> to vector<16xf32>
      %mul3A_361 = vector.broadcast %squeeze3A_173 : f32 to vector<16xf32>
      %mul3A_362 = arith.mulf %get3A_360, %mul3A_361 : vector<16xf32>
      %add3A_363 = arith.addf %add3A_343, %mul3A_362 : vector<16xf32>
      %add3A_364 = arith.constant 8 : i32
      %add3A_365 = arith.addi %mul3A_177, %add3A_364 : i32
      %add3A_366 = arith.constant 1 : i32
      %add3A_367 = arith.addi %add3A_365, %add3A_366 : i32
      %get3A_368 = arith.index_cast %add3A_367 : i32 to index
      %get3A_369 = arith.constant 16 : index
      %get3A_370 = tpu.vector_load %arg13[%get3A_368, %get3A_369] {strides = array<i32>} : memref<320x128xf32, #tpu.memory_space<vmem>>, vector<1x16xf32>,
      %get3A_371 = vector.shape_cast %get3A_370 : vector<1x16xf32> to vector<16xf32>
      %mul3A_372 = vector.broadcast %squeeze3A_175 : f32 to vector<16xf32>
      %mul3A_373 = arith.mulf %get3A_371, %mul3A_372 : vector<16xf32>
      %add3A_374 = arith.addf %add3A_354, %mul3A_373 : vector<16xf32>
      %add3A_375 = arith.addf %add3A_363, %add3A_374 : vector<16xf32>
      %swap3A_376 = arith.index_cast %scan3A_151 : i32 to index
      %swap3A_377 = arith.constant 16 : index
      %swap3A_378 = tpu.vector_load %arg17[%swap3A_376, %swap3A_377] {strides = array<i32>} : memref<32x128xf32, #tpu.memory_space<vmem>>, vector<1x16xf32>,
      %swap3A_379 = vector.shape_cast %swap3A_378 : vector<1x16xf32> to vector<16xf32>
      %swap3A_380 = vector.shape_cast %add3A_375 : vector<16xf32> to vector<1x16xf32>
      tpu.vector_store %arg17[%swap3A_376, %swap3A_377], %swap3A_380 {strides = array<i32>} : memref<32x128xf32, #tpu.memory_space<vmem>>, vector<1x16xf32>,
      %add3A_381 = arith.constant 0 : i32
      %add3A_382 = arith.addi %mul3A_177, %add3A_381 : i32
      %get3A_383 = arith.index_cast %add3A_382 : i32 to index
      %get3A_384 = arith.constant 32 : index
      %get3A_385 = tpu.vector_load %arg13[%get3A_383, %get3A_384] {strides = array<i32>} : memref<320x128xf32, #tpu.memory_space<vmem>>, vector<1x16xf32>,
      %get3A_386 = vector.shape_cast %get3A_385 : vector<1x16xf32> to vector<16xf32>
      %mul3A_387 = vector.broadcast %squeeze3A : f32 to vector<16xf32>
      %mul3A_388 = arith.mulf %get3A_386, %mul3A_387 : vector<16xf32>
      %add3A_389 = arith.constant 1 : i32
      %add3A_390 = arith.addi %mul3A_177, %add3A_389 : i32
      %get3A_391 = arith.index_cast %add3A_390 : i32 to index
      %get3A_392 = arith.constant 32 : index
      %get3A_393 = tpu.vector_load %arg13[%get3A_391, %get3A_392] {strides = array<i32>} : memref<320x128xf32, #tpu.memory_space<vmem>>, vector<1x16xf32>,
      %get3A_394 = vector.shape_cast %get3A_393 : vector<1x16xf32> to vector<16xf32>
      %mul3A_395 = vector.broadcast %squeeze3A_159 : f32 to vector<16xf32>
      %mul3A_396 = arith.mulf %get3A_394, %mul3A_395 : vector<16xf32>
      %add3A_397 = arith.constant 2 : i32
      %add3A_398 = arith.addi %mul3A_177, %add3A_397 : i32
      %get3A_399 = arith.index_cast %add3A_398 : i32 to index
      %get3A_400 = arith.constant 32 : index
      %get3A_401 = tpu.vector_load %arg13[%get3A_399, %get3A_400] {strides = array<i32>} : memref<320x128xf32, #tpu.memory_space<vmem>>, vector<1x16xf32>,
      %get3A_402 = vector.shape_cast %get3A_401 : vector<1x16xf32> to vector<16xf32>
      %mul3A_403 = vector.broadcast %squeeze3A_161 : f32 to vector<16xf32>
      %mul3A_404 = arith.mulf %get3A_402, %mul3A_403 : vector<16xf32>
      %add3A_405 = arith.addf %mul3A_388, %mul3A_404 : vector<16xf32>
      %add3A_406 = arith.constant 2 : i32
      %add3A_407 = arith.addi %mul3A_177, %add3A_406 : i32
      %add3A_408 = arith.constant 1 : i32
      %add3A_409 = arith.addi %add3A_407, %add3A_408 : i32
      %get3A_410 = arith.index_cast %add3A_409 : i32 to index
      %get3A_411 = arith.constant 32 : index
      %get3A_412 = tpu.vector_load %arg13[%get3A_410, %get3A_411] {strides = array<i32>} : memref<320x128xf32, #tpu.memory_space<vmem>>, vector<1x16xf32>,
      %get3A_413 = vector.shape_cast %get3A_412 : vector<1x16xf32> to vector<16xf32>
      %mul3A_414 = vector.broadcast %squeeze3A_163 : f32 to vector<16xf32>
      %mul3A_415 = arith.mulf %get3A_413, %mul3A_414 : vector<16xf32>
      %add3A_416 = arith.addf %mul3A_396, %mul3A_415 : vector<16xf32>
      %add3A_417 = arith.constant 4 : i32
      %add3A_418 = arith.addi %mul3A_177, %add3A_417 : i32
      %get3A_419 = arith.index_cast %add3A_418 : i32 to index
      %get3A_420 = arith.constant 32 : index
      %get3A_421 = tpu.vector_load %arg13[%get3A_419, %get3A_420] {strides = array<i32>} : memref<320x128xf32, #tpu.memory_space<vmem>>, vector<1x16xf32>,
      %get3A_422 = vector.shape_cast %get3A_421 : vector<1x16xf32> to vector<16xf32>
      %mul3A_423 = vector.broadcast %squeeze3A_165 : f32 to vector<16xf32>
      %mul3A_424 = arith.mulf %get3A_422, %mul3A_423 : vector<16xf32>
      %add3A_425 = arith.addf %add3A_405, %mul3A_424 : vector<16xf32>
      %add3A_426 = arith.constant 4 : i32
      %add3A_427 = arith.addi %mul3A_177, %add3A_426 : i32
      %add3A_428 = arith.constant 1 : i32
      %add3A_429 = arith.addi %add3A_427, %add3A_428 : i32
      %get3A_430 = arith.index_cast %add3A_429 : i32 to index
      %get3A_431 = arith.constant 32 : index
      %get3A_432 = tpu.vector_load %arg13[%get3A_430, %get3A_431] {strides = array<i32>} : memref<320x128xf32, #tpu.memory_space<vmem>>, vector<1x16xf32>,
      %get3A_433 = vector.shape_cast %get3A_432 : vector<1x16xf32> to vector<16xf32>
      %mul3A_434 = vector.broadcast %squeeze3A_167 : f32 to vector<16xf32>
      %mul3A_435 = arith.mulf %get3A_433, %mul3A_434 : vector<16xf32>
      %add3A_436 = arith.addf %add3A_416, %mul3A_435 : vector<16xf32>
      %add3A_437 = arith.constant 6 : i32
      %add3A_438 = arith.addi %mul3A_177, %add3A_437 : i32
      %get3A_439 = arith.index_cast %add3A_438 : i32 to index
      %get3A_440 = arith.constant 32 : index
      %get3A_441 = tpu.vector_load %arg13[%get3A_439, %get3A_440] {strides = array<i32>} : memref<320x128xf32, #tpu.memory_space<vmem>>, vector<1x16xf32>,
      %get3A_442 = vector.shape_cast %get3A_441 : vector<1x16xf32> to vector<16xf32>
      %mul3A_443 = vector.broadcast %squeeze3A_169 : f32 to vector<16xf32>
      %mul3A_444 = arith.mulf %get3A_442, %mul3A_443 : vector<16xf32>
      %add3A_445 = arith.addf %add3A_425, %mul3A_444 : vector<16xf32>
      %add3A_446 = arith.constant 6 : i32
      %add3A_447 = arith.addi %mul3A_177, %add3A_446 : i32
      %add3A_448 = arith.constant 1 : i32
      %add3A_449 = arith.addi %add3A_447, %add3A_448 : i32
      %get3A_450 = arith.index_cast %add3A_449 : i32 to index
      %get3A_451 = arith.constant 32 : index
      %get3A_452 = tpu.vector_load %arg13[%get3A_450, %get3A_451] {strides = array<i32>} : memref<320x128xf32, #tpu.memory_space<vmem>>, vector<1x16xf32>,
      %get3A_453 = vector.shape_cast %get3A_452 : vector<1x16xf32> to vector<16xf32>
      %mul3A_454 = vector.broadcast %squeeze3A_171 : f32 to vector<16xf32>
      %mul3A_455 = arith.mulf %get3A_453, %mul3A_454 : vector<16xf32>
      %add3A_456 = arith.addf %add3A_436, %mul3A_455 : vector<16xf32>
      %add3A_457 = arith.constant 8 : i32
      %add3A_458 = arith.addi %mul3A_177, %add3A_457 : i32
      %get3A_459 = arith.index_cast %add3A_458 : i32 to index
      %get3A_460 = arith.constant 32 : index
      %get3A_461 = tpu.vector_load %arg13[%get3A_459, %get3A_460] {strides = array<i32>} : memref<320x128xf32, #tpu.memory_space<vmem>>, vector<1x16xf32>,
      %get3A_462 = vector.shape_cast %get3A_461 : vector<1x16xf32> to vector<16xf32>
      %mul3A_463 = vector.broadcast %squeeze3A_173 : f32 to vector<16xf32>
      %mul3A_464 = arith.mulf %get3A_462, %mul3A_463 : vector<16xf32>
      %add3A_465 = arith.addf %add3A_445, %mul3A_464 : vector<16xf32>
      %add3A_466 = arith.constant 8 : i32
      %add3A_467 = arith.addi %mul3A_177, %add3A_466 : i32
      %add3A_468 = arith.constant 1 : i32
      %add3A_469 = arith.addi %add3A_467, %add3A_468 : i32
      %get3A_470 = arith.index_cast %add3A_469 : i32 to index
      %get3A_471 = arith.constant 32 : index
      %get3A_472 = tpu.vector_load %arg13[%get3A_470, %get3A_471] {strides = array<i32>} : memref<320x128xf32, #tpu.memory_space<vmem>>, vector<1x16xf32>,
      %get3A_473 = vector.shape_cast %get3A_472 : vector<1x16xf32> to vector<16xf32>
      %mul3A_474 = vector.broadcast %squeeze3A_175 : f32 to vector<16xf32>
      %mul3A_475 = arith.mulf %get3A_473, %mul3A_474 : vector<16xf32>
      %add3A_476 = arith.addf %add3A_456, %mul3A_475 : vector<16xf32>
      %add3A_477 = arith.addf %add3A_465, %add3A_476 : vector<16xf32>
      %swap3A_478 = arith.index_cast %scan3A_151 : i32 to index
      %swap3A_479 = arith.constant 32 : index
      %swap3A_480 = tpu.vector_load %arg17[%swap3A_478, %swap3A_479] {strides = array<i32>} : memref<32x128xf32, #tpu.memory_space<vmem>>, vector<1x16xf32>,
      %swap3A_481 = vector.shape_cast %swap3A_480 : vector<1x16xf32> to vector<16xf32>
      %swap3A_482 = vector.shape_cast %add3A_477 : vector<16xf32> to vector<1x16xf32>
      tpu.vector_store %arg17[%swap3A_478, %swap3A_479], %swap3A_482 {strides = array<i32>} : memref<32x128xf32, #tpu.memory_space<vmem>>, vector<1x16xf32>,
      %add3A_483 = arith.constant 0 : i32
      %add3A_484 = arith.addi %mul3A_177, %add3A_483 : i32
      %get3A_485 = arith.index_cast %add3A_484 : i32 to index
      %get3A_486 = arith.constant 48 : index
      %get3A_487 = tpu.vector_load %arg13[%get3A_485, %get3A_486] {strides = array<i32>} : memref<320x128xf32, #tpu.memory_space<vmem>>, vector<1x16xf32>,
      %get3A_488 = vector.shape_cast %get3A_487 : vector<1x16xf32> to vector<16xf32>
      %mul3A_489 = vector.broadcast %squeeze3A : f32 to vector<16xf32>
      %mul3A_490 = arith.mulf %get3A_488, %mul3A_489 : vector<16xf32>
      %add3A_491 = arith.constant 1 : i32
      %add3A_492 = arith.addi %mul3A_177, %add3A_491 : i32
      %get3A_493 = arith.index_cast %add3A_492 : i32 to index
      %get3A_494 = arith.constant 48 : index
      %get3A_495 = tpu.vector_load %arg13[%get3A_493, %get3A_494] {strides = array<i32>} : memref<320x128xf32, #tpu.memory_space<vmem>>, vector<1x16xf32>,
      %get3A_496 = vector.shape_cast %get3A_495 : vector<1x16xf32> to vector<16xf32>
      %mul3A_497 = vector.broadcast %squeeze3A_159 : f32 to vector<16xf32>
      %mul3A_498 = arith.mulf %get3A_496, %mul3A_497 : vector<16xf32>
      %add3A_499 = arith.constant 2 : i32
      %add3A_500 = arith.addi %mul3A_177, %add3A_499 : i32
      %get3A_501 = arith.index_cast %add3A_500 : i32 to index
      %get3A_502 = arith.constant 48 : index
      %get3A_503 = tpu.vector_load %arg13[%get3A_501, %get3A_502] {strides = array<i32>} : memref<320x128xf32, #tpu.memory_space<vmem>>, vector<1x16xf32>,
      %get3A_504 = vector.shape_cast %get3A_503 : vector<1x16xf32> to vector<16xf32>
      %mul3A_505 = vector.broadcast %squeeze3A_161 : f32 to vector<16xf32>
      %mul3A_506 = arith.mulf %get3A_504, %mul3A_505 : vector<16xf32>
      %add3A_507 = arith.addf %mul3A_490, %mul3A_506 : vector<16xf32>
      %add3A_508 = arith.constant 2 : i32
      %add3A_509 = arith.addi %mul3A_177, %add3A_508 : i32
      %add3A_510 = arith.constant 1 : i32
      %add3A_511 = arith.addi %add3A_509, %add3A_510 : i32
      %get3A_512 = arith.index_cast %add3A_511 : i32 to index
      %get3A_513 = arith.constant 48 : index
      %get3A_514 = tpu.vector_load %arg13[%get3A_512, %get3A_513] {strides = array<i32>} : memref<320x128xf32, #tpu.memory_space<vmem>>, vector<1x16xf32>,
      %get3A_515 = vector.shape_cast %get3A_514 : vector<1x16xf32> to vector<16xf32>
      %mul3A_516 = vector.broadcast %squeeze3A_163 : f32 to vector<16xf32>
      %mul3A_517 = arith.mulf %get3A_515, %mul3A_516 : vector<16xf32>
      %add3A_518 = arith.addf %mul3A_498, %mul3A_517 : vector<16xf32>
      %add3A_519 = arith.constant 4 : i32
      %add3A_520 = arith.addi %mul3A_177, %add3A_519 : i32
      %get3A_521 = arith.index_cast %add3A_520 : i32 to index
      %get3A_522 = arith.constant 48 : index
      %get3A_523 = tpu.vector_load %arg13[%get3A_521, %get3A_522] {strides = array<i32>} : memref<320x128xf32, #tpu.memory_space<vmem>>, vector<1x16xf32>,
      %get3A_524 = vector.shape_cast %get3A_523 : vector<1x16xf32> to vector<16xf32>
      %mul3A_525 = vector.broadcast %squeeze3A_165 : f32 to vector<16xf32>
      %mul3A_526 = arith.mulf %get3A_524, %mul3A_525 : vector<16xf32>
      %add3A_527 = arith.addf %add3A_507, %mul3A_526 : vector<16xf32>
      %add3A_528 = arith.constant 4 : i32
      %add3A_529 = arith.addi %mul3A_177, %add3A_528 : i32
      %add3A_530 = arith.constant 1 : i32
      %add3A_531 = arith.addi %add3A_529, %add3A_530 : i32
      %get3A_532 = arith.index_cast %add3A_531 : i32 to index
      %get3A_533 = arith.constant 48 : index
      %get3A_534 = tpu.vector_load %arg13[%get3A_532, %get3A_533] {strides = array<i32>} : memref<320x128xf32, #tpu.memory_space<vmem>>, vector<1x16xf32>,
      %get3A_535 = vector.shape_cast %get3A_534 : vector<1x16xf32> to vector<16xf32>
      %mul3A_536 = vector.broadcast %squeeze3A_167 : f32 to vector<16xf32>
      %mul3A_537 = arith.mulf %get3A_535, %mul3A_536 : vector<16xf32>
      %add3A_538 = arith.addf %add3A_518, %mul3A_537 : vector<16xf32>
      %add3A_539 = arith.constant 6 : i32
      %add3A_540 = arith.addi %mul3A_177, %add3A_539 : i32
      %get3A_541 = arith.index_cast %add3A_540 : i32 to index
      %get3A_542 = arith.constant 48 : index
      %get3A_543 = tpu.vector_load %arg13[%get3A_541, %get3A_542] {strides = array<i32>} : memref<320x128xf32, #tpu.memory_space<vmem>>, vector<1x16xf32>,
      %get3A_544 = vector.shape_cast %get3A_543 : vector<1x16xf32> to vector<16xf32>
      %mul3A_545 = vector.broadcast %squeeze3A_169 : f32 to vector<16xf32>
      %mul3A_546 = arith.mulf %get3A_544, %mul3A_545 : vector<16xf32>
      %add3A_547 = arith.addf %add3A_527, %mul3A_546 : vector<16xf32>
      %add3A_548 = arith.constant 6 : i32
      %add3A_549 = arith.addi %mul3A_177, %add3A_548 : i32
      %add3A_550 = arith.constant 1 : i32
      %add3A_551 = arith.addi %add3A_549, %add3A_550 : i32
      %get3A_552 = arith.index_cast %add3A_551 : i32 to index
      %get3A_553 = arith.constant 48 : index
      %get3A_554 = tpu.vector_load %arg13[%get3A_552, %get3A_553] {strides = array<i32>} : memref<320x128xf32, #tpu.memory_space<vmem>>, vector<1x16xf32>,
      %get3A_555 = vector.shape_cast %get3A_554 : vector<1x16xf32> to vector<16xf32>
      %mul3A_556 = vector.broadcast %squeeze3A_171 : f32 to vector<16xf32>
      %mul3A_557 = arith.mulf %get3A_555, %mul3A_556 : vector<16xf32>
      %add3A_558 = arith.addf %add3A_538, %mul3A_557 : vector<16xf32>
      %add3A_559 = arith.constant 8 : i32
      %add3A_560 = arith.addi %mul3A_177, %add3A_559 : i32
      %get3A_561 = arith.index_cast %add3A_560 : i32 to index
      %get3A_562 = arith.constant 48 : index
      %get3A_563 = tpu.vector_load %arg13[%get3A_561, %get3A_562] {strides = array<i32>} : memref<320x128xf32, #tpu.memory_space<vmem>>, vector<1x16xf32>,
      %get3A_564 = vector.shape_cast %get3A_563 : vector<1x16xf32> to vector<16xf32>
      %mul3A_565 = vector.broadcast %squeeze3A_173 : f32 to vector<16xf32>
      %mul3A_566 = arith.mulf %get3A_564, %mul3A_565 : vector<16xf32>
      %add3A_567 = arith.addf %add3A_547, %mul3A_566 : vector<16xf32>
      %add3A_568 = arith.constant 8 : i32
      %add3A_569 = arith.addi %mul3A_177, %add3A_568 : i32
      %add3A_570 = arith.constant 1 : i32
      %add3A_571 = arith.addi %add3A_569, %add3A_570 : i32
      %get3A_572 = arith.index_cast %add3A_571 : i32 to index
      %get3A_573 = arith.constant 48 : index
      %get3A_574 = tpu.vector_load %arg13[%get3A_572, %get3A_573] {strides = array<i32>} : memref<320x128xf32, #tpu.memory_space<vmem>>, vector<1x16xf32>,
      %get3A_575 = vector.shape_cast %get3A_574 : vector<1x16xf32> to vector<16xf32>
      %mul3A_576 = vector.broadcast %squeeze3A_175 : f32 to vector<16xf32>
      %mul3A_577 = arith.mulf %get3A_575, %mul3A_576 : vector<16xf32>
      %add3A_578 = arith.addf %add3A_558, %mul3A_577 : vector<16xf32>
      %add3A_579 = arith.addf %add3A_567, %add3A_578 : vector<16xf32>
      %swap3A_580 = arith.index_cast %scan3A_151 : i32 to index
      %swap3A_581 = arith.constant 48 : index
      %swap3A_582 = tpu.vector_load %arg17[%swap3A_580, %swap3A_581] {strides = array<i32>} : memref<32x128xf32, #tpu.memory_space<vmem>>, vector<1x16xf32>,
      %swap3A_583 = vector.shape_cast %swap3A_582 : vector<1x16xf32> to vector<16xf32>
      %swap3A_584 = vector.shape_cast %add3A_579 : vector<16xf32> to vector<1x16xf32>
      tpu.vector_store %arg17[%swap3A_580, %swap3A_581], %swap3A_584 {strides = array<i32>} : memref<32x128xf32, #tpu.memory_space<vmem>>, vector<1x16xf32>,
      %add3A_585 = arith.constant 0 : i32
      %add3A_586 = arith.addi %mul3A_177, %add3A_585 : i32
      %get3A_587 = arith.index_cast %add3A_586 : i32 to index
      %get3A_588 = arith.constant 64 : index
      %get3A_589 = tpu.vector_load %arg13[%get3A_587, %get3A_588] {strides = array<i32>} : memref<320x128xf32, #tpu.memory_space<vmem>>, vector<1x16xf32>,
      %get3A_590 = vector.shape_cast %get3A_589 : vector<1x16xf32> to vector<16xf32>
      %mul3A_591 = vector.broadcast %squeeze3A : f32 to vector<16xf32>
      %mul3A_592 = arith.mulf %get3A_590, %mul3A_591 : vector<16xf32>
      %add3A_593 = arith.constant 1 : i32
      %add3A_594 = arith.addi %mul3A_177, %add3A_593 : i32
      %get3A_595 = arith.index_cast %add3A_594 : i32 to index
      %get3A_596 = arith.constant 64 : index
      %get3A_597 = tpu.vector_load %arg13[%get3A_595, %get3A_596] {strides = array<i32>} : memref<320x128xf32, #tpu.memory_space<vmem>>, vector<1x16xf32>,
      %get3A_598 = vector.shape_cast %get3A_597 : vector<1x16xf32> to vector<16xf32>
      %mul3A_599 = vector.broadcast %squeeze3A_159 : f32 to vector<16xf32>
      %mul3A_600 = arith.mulf %get3A_598, %mul3A_599 : vector<16xf32>
      %add3A_601 = arith.constant 2 : i32
      %add3A_602 = arith.addi %mul3A_177, %add3A_601 : i32
      %get3A_603 = arith.index_cast %add3A_602 : i32 to index
      %get3A_604 = arith.constant 64 : index
      %get3A_605 = tpu.vector_load %arg13[%get3A_603, %get3A_604] {strides = array<i32>} : memref<320x128xf32, #tpu.memory_space<vmem>>, vector<1x16xf32>,
      %get3A_606 = vector.shape_cast %get3A_605 : vector<1x16xf32> to vector<16xf32>
      %mul3A_607 = vector.broadcast %squeeze3A_161 : f32 to vector<16xf32>
      %mul3A_608 = arith.mulf %get3A_606, %mul3A_607 : vector<16xf32>
      %add3A_609 = arith.addf %mul3A_592, %mul3A_608 : vector<16xf32>
      %add3A_610 = arith.constant 2 : i32
      %add3A_611 = arith.addi %mul3A_177, %add3A_610 : i32
      %add3A_612 = arith.constant 1 : i32
      %add3A_613 = arith.addi %add3A_611, %add3A_612 : i32
      %get3A_614 = arith.index_cast %add3A_613 : i32 to index
      %get3A_615 = arith.constant 64 : index
      %get3A_616 = tpu.vector_load %arg13[%get3A_614, %get3A_615] {strides = array<i32>} : memref<320x128xf32, #tpu.memory_space<vmem>>, vector<1x16xf32>,
      %get3A_617 = vector.shape_cast %get3A_616 : vector<1x16xf32> to vector<16xf32>
      %mul3A_618 = vector.broadcast %squeeze3A_163 : f32 to vector<16xf32>
      %mul3A_619 = arith.mulf %get3A_617, %mul3A_618 : vector<16xf32>
      %add3A_620 = arith.addf %mul3A_600, %mul3A_619 : vector<16xf32>
      %add3A_621 = arith.constant 4 : i32
      %add3A_622 = arith.addi %mul3A_177, %add3A_621 : i32
      %get3A_623 = arith.index_cast %add3A_622 : i32 to index
      %get3A_624 = arith.constant 64 : index
      %get3A_625 = tpu.vector_load %arg13[%get3A_623, %get3A_624] {strides = array<i32>} : memref<320x128xf32, #tpu.memory_space<vmem>>, vector<1x16xf32>,
      %get3A_626 = vector.shape_cast %get3A_625 : vector<1x16xf32> to vector<16xf32>
      %mul3A_627 = vector.broadcast %squeeze3A_165 : f32 to vector<16xf32>
      %mul3A_628 = arith.mulf %get3A_626, %mul3A_627 : vector<16xf32>
      %add3A_629 = arith.addf %add3A_609, %mul3A_628 : vector<16xf32>
      %add3A_630 = arith.constant 4 : i32
      %add3A_631 = arith.addi %mul3A_177, %add3A_630 : i32
      %add3A_632 = arith.constant 1 : i32
      %add3A_633 = arith.addi %add3A_631, %add3A_632 : i32
      %get3A_634 = arith.index_cast %add3A_633 : i32 to index
      %get3A_635 = arith.constant 64 : index
      %get3A_636 = tpu.vector_load %arg13[%get3A_634, %get3A_635] {strides = array<i32>} : memref<320x128xf32, #tpu.memory_space<vmem>>, vector<1x16xf32>,
      %get3A_637 = vector.shape_cast %get3A_636 : vector<1x16xf32> to vector<16xf32>
      %mul3A_638 = vector.broadcast %squeeze3A_167 : f32 to vector<16xf32>
      %mul3A_639 = arith.mulf %get3A_637, %mul3A_638 : vector<16xf32>
      %add3A_640 = arith.addf %add3A_620, %mul3A_639 : vector<16xf32>
      %add3A_641 = arith.constant 6 : i32
      %add3A_642 = arith.addi %mul3A_177, %add3A_641 : i32
      %get3A_643 = arith.index_cast %add3A_642 : i32 to index
      %get3A_644 = arith.constant 64 : index
      %get3A_645 = tpu.vector_load %arg13[%get3A_643, %get3A_644] {strides = array<i32>} : memref<320x128xf32, #tpu.memory_space<vmem>>, vector<1x16xf32>,
      %get3A_646 = vector.shape_cast %get3A_645 : vector<1x16xf32> to vector<16xf32>
      %mul3A_647 = vector.broadcast %squeeze3A_169 : f32 to vector<16xf32>
      %mul3A_648 = arith.mulf %get3A_646, %mul3A_647 : vector<16xf32>
      %add3A_649 = arith.addf %add3A_629, %mul3A_648 : vector<16xf32>
      %add3A_650 = arith.constant 6 : i32
      %add3A_651 = arith.addi %mul3A_177, %add3A_650 : i32
      %add3A_652 = arith.constant 1 : i32
      %add3A_653 = arith.addi %add3A_651, %add3A_652 : i32
      %get3A_654 = arith.index_cast %add3A_653 : i32 to index
      %get3A_655 = arith.constant 64 : index
      %get3A_656 = tpu.vector_load %arg13[%get3A_654, %get3A_655] {strides = array<i32>} : memref<320x128xf32, #tpu.memory_space<vmem>>, vector<1x16xf32>,
      %get3A_657 = vector.shape_cast %get3A_656 : vector<1x16xf32> to vector<16xf32>
      %mul3A_658 = vector.broadcast %squeeze3A_171 : f32 to vector<16xf32>
      %mul3A_659 = arith.mulf %get3A_657, %mul3A_658 : vector<16xf32>
      %add3A_660 = arith.addf %add3A_640, %mul3A_659 : vector<16xf32>
      %add3A_661 = arith.constant 8 : i32
      %add3A_662 = arith.addi %mul3A_177, %add3A_661 : i32
      %get3A_663 = arith.index_cast %add3A_662 : i32 to index
      %get3A_664 = arith.constant 64 : index
      %get3A_665 = tpu.vector_load %arg13[%get3A_663, %get3A_664] {strides = array<i32>} : memref<320x128xf32, #tpu.memory_space<vmem>>, vector<1x16xf32>,
      %get3A_666 = vector.shape_cast %get3A_665 : vector<1x16xf32> to vector<16xf32>
      %mul3A_667 = vector.broadcast %squeeze3A_173 : f32 to vector<16xf32>
      %mul3A_668 = arith.mulf %get3A_666, %mul3A_667 : vector<16xf32>
      %add3A_669 = arith.addf %add3A_649, %mul3A_668 : vector<16xf32>
      %add3A_670 = arith.constant 8 : i32
      %add3A_671 = arith.addi %mul3A_177, %add3A_670 : i32
      %add3A_672 = arith.constant 1 : i32
      %add3A_673 = arith.addi %add3A_671, %add3A_672 : i32
      %get3A_674 = arith.index_cast %add3A_673 : i32 to index
      %get3A_675 = arith.constant 64 : index
      %get3A_676 = tpu.vector_load %arg13[%get3A_674, %get3A_675] {strides = array<i32>} : memref<320x128xf32, #tpu.memory_space<vmem>>, vector<1x16xf32>,
      %get3A_677 = vector.shape_cast %get3A_676 : vector<1x16xf32> to vector<16xf32>
      %mul3A_678 = vector.broadcast %squeeze3A_175 : f32 to vector<16xf32>
      %mul3A_679 = arith.mulf %get3A_677, %mul3A_678 : vector<16xf32>
      %add3A_680 = arith.addf %add3A_660, %mul3A_679 : vector<16xf32>
      %add3A_681 = arith.addf %add3A_669, %add3A_680 : vector<16xf32>
      %swap3A_682 = arith.index_cast %scan3A_151 : i32 to index
      %swap3A_683 = arith.constant 64 : index
      %swap3A_684 = tpu.vector_load %arg17[%swap3A_682, %swap3A_683] {strides = array<i32>} : memref<32x128xf32, #tpu.memory_space<vmem>>, vector<1x16xf32>,
      %swap3A_685 = vector.shape_cast %swap3A_684 : vector<1x16xf32> to vector<16xf32>
      %swap3A_686 = vector.shape_cast %add3A_681 : vector<16xf32> to vector<1x16xf32>
      tpu.vector_store %arg17[%swap3A_682, %swap3A_683], %swap3A_686 {strides = array<i32>} : memref<32x128xf32, #tpu.memory_space<vmem>>, vector<1x16xf32>,
      %add3A_687 = arith.constant 0 : i32
      %add3A_688 = arith.addi %mul3A_177, %add3A_687 : i32
      %get3A_689 = arith.index_cast %add3A_688 : i32 to index
      %get3A_690 = arith.constant 80 : index
      %get3A_691 = tpu.vector_load %arg13[%get3A_689, %get3A_690] {strides = array<i32>} : memref<320x128xf32, #tpu.memory_space<vmem>>, vector<1x16xf32>,
      %get3A_692 = vector.shape_cast %get3A_691 : vector<1x16xf32> to vector<16xf32>
      %mul3A_693 = vector.broadcast %squeeze3A : f32 to vector<16xf32>
      %mul3A_694 = arith.mulf %get3A_692, %mul3A_693 : vector<16xf32>
      %add3A_695 = arith.constant 1 : i32
      %add3A_696 = arith.addi %mul3A_177, %add3A_695 : i32
      %get3A_697 = arith.index_cast %add3A_696 : i32 to index
      %get3A_698 = arith.constant 80 : index
      %get3A_699 = tpu.vector_load %arg13[%get3A_697, %get3A_698] {strides = array<i32>} : memref<320x128xf32, #tpu.memory_space<vmem>>, vector<1x16xf32>,
      %get3A_700 = vector.shape_cast %get3A_699 : vector<1x16xf32> to vector<16xf32>
      %mul3A_701 = vector.broadcast %squeeze3A_159 : f32 to vector<16xf32>
      %mul3A_702 = arith.mulf %get3A_700, %mul3A_701 : vector<16xf32>
      %add3A_703 = arith.constant 2 : i32
      %add3A_704 = arith.addi %mul3A_177, %add3A_703 : i32
      %get3A_705 = arith.index_cast %add3A_704 : i32 to index
      %get3A_706 = arith.constant 80 : index
      %get3A_707 = tpu.vector_load %arg13[%get3A_705, %get3A_706] {strides = array<i32>} : memref<320x128xf32, #tpu.memory_space<vmem>>, vector<1x16xf32>,
      %get3A_708 = vector.shape_cast %get3A_707 : vector<1x16xf32> to vector<16xf32>
      %mul3A_709 = vector.broadcast %squeeze3A_161 : f32 to vector<16xf32>
      %mul3A_710 = arith.mulf %get3A_708, %mul3A_709 : vector<16xf32>
      %add3A_711 = arith.addf %mul3A_694, %mul3A_710 : vector<16xf32>
      %add3A_712 = arith.constant 2 : i32
      %add3A_713 = arith.addi %mul3A_177, %add3A_712 : i32
      %add3A_714 = arith.constant 1 : i32
      %add3A_715 = arith.addi %add3A_713, %add3A_714 : i32
      %get3A_716 = arith.index_cast %add3A_715 : i32 to index
      %get3A_717 = arith.constant 80 : index
      %get3A_718 = tpu.vector_load %arg13[%get3A_716, %get3A_717] {strides = array<i32>} : memref<320x128xf32, #tpu.memory_space<vmem>>, vector<1x16xf32>,
      %get3A_719 = vector.shape_cast %get3A_718 : vector<1x16xf32> to vector<16xf32>
      %mul3A_720 = vector.broadcast %squeeze3A_163 : f32 to vector<16xf32>
      %mul3A_721 = arith.mulf %get3A_719, %mul3A_720 : vector<16xf32>
      %add3A_722 = arith.addf %mul3A_702, %mul3A_721 : vector<16xf32>
      %add3A_723 = arith.constant 4 : i32
      %add3A_724 = arith.addi %mul3A_177, %add3A_723 : i32
      %get3A_725 = arith.index_cast %add3A_724 : i32 to index
      %get3A_726 = arith.constant 80 : index
      %get3A_727 = tpu.vector_load %arg13[%get3A_725, %get3A_726] {strides = array<i32>} : memref<320x128xf32, #tpu.memory_space<vmem>>, vector<1x16xf32>,
      %get3A_728 = vector.shape_cast %get3A_727 : vector<1x16xf32> to vector<16xf32>
      %mul3A_729 = vector.broadcast %squeeze3A_165 : f32 to vector<16xf32>
      %mul3A_730 = arith.mulf %get3A_728, %mul3A_729 : vector<16xf32>
      %add3A_731 = arith.addf %add3A_711, %mul3A_730 : vector<16xf32>
      %add3A_732 = arith.constant 4 : i32
      %add3A_733 = arith.addi %mul3A_177, %add3A_732 : i32
      %add3A_734 = arith.constant 1 : i32
      %add3A_735 = arith.addi %add3A_733, %add3A_734 : i32
      %get3A_736 = arith.index_cast %add3A_735 : i32 to index
      %get3A_737 = arith.constant 80 : index
      %get3A_738 = tpu.vector_load %arg13[%get3A_736, %get3A_737] {strides = array<i32>} : memref<320x128xf32, #tpu.memory_space<vmem>>, vector<1x16xf32>,
      %get3A_739 = vector.shape_cast %get3A_738 : vector<1x16xf32> to vector<16xf32>
      %mul3A_740 = vector.broadcast %squeeze3A_167 : f32 to vector<16xf32>
      %mul3A_741 = arith.mulf %get3A_739, %mul3A_740 : vector<16xf32>
      %add3A_742 = arith.addf %add3A_722, %mul3A_741 : vector<16xf32>
      %add3A_743 = arith.constant 6 : i32
      %add3A_744 = arith.addi %mul3A_177, %add3A_743 : i32
      %get3A_745 = arith.index_cast %add3A_744 : i32 to index
      %get3A_746 = arith.constant 80 : index
      %get3A_747 = tpu.vector_load %arg13[%get3A_745, %get3A_746] {strides = array<i32>} : memref<320x128xf32, #tpu.memory_space<vmem>>, vector<1x16xf32>,
      %get3A_748 = vector.shape_cast %get3A_747 : vector<1x16xf32> to vector<16xf32>
      %mul3A_749 = vector.broadcast %squeeze3A_169 : f32 to vector<16xf32>
      %mul3A_750 = arith.mulf %get3A_748, %mul3A_749 : vector<16xf32>
      %add3A_751 = arith.addf %add3A_731, %mul3A_750 : vector<16xf32>
      %add3A_752 = arith.constant 6 : i32
      %add3A_753 = arith.addi %mul3A_177, %add3A_752 : i32
      %add3A_754 = arith.constant 1 : i32
      %add3A_755 = arith.addi %add3A_753, %add3A_754 : i32
      %get3A_756 = arith.index_cast %add3A_755 : i32 to index
      %get3A_757 = arith.constant 80 : index
      %get3A_758 = tpu.vector_load %arg13[%get3A_756, %get3A_757] {strides = array<i32>} : memref<320x128xf32, #tpu.memory_space<vmem>>, vector<1x16xf32>,
      %get3A_759 = vector.shape_cast %get3A_758 : vector<1x16xf32> to vector<16xf32>
      %mul3A_760 = vector.broadcast %squeeze3A_171 : f32 to vector<16xf32>
      %mul3A_761 = arith.mulf %get3A_759, %mul3A_760 : vector<16xf32>
      %add3A_762 = arith.addf %add3A_742, %mul3A_761 : vector<16xf32>
      %add3A_763 = arith.constant 8 : i32
      %add3A_764 = arith.addi %mul3A_177, %add3A_763 : i32
      %get3A_765 = arith.index_cast %add3A_764 : i32 to index
      %get3A_766 = arith.constant 80 : index
      %get3A_767 = tpu.vector_load %arg13[%get3A_765, %get3A_766] {strides = array<i32>} : memref<320x128xf32, #tpu.memory_space<vmem>>, vector<1x16xf32>,
      %get3A_768 = vector.shape_cast %get3A_767 : vector<1x16xf32> to vector<16xf32>
      %mul3A_769 = vector.broadcast %squeeze3A_173 : f32 to vector<16xf32>
      %mul3A_770 = arith.mulf %get3A_768, %mul3A_769 : vector<16xf32>
      %add3A_771 = arith.addf %add3A_751, %mul3A_770 : vector<16xf32>
      %add3A_772 = arith.constant 8 : i32
      %add3A_773 = arith.addi %mul3A_177, %add3A_772 : i32
      %add3A_774 = arith.constant 1 : i32
      %add3A_775 = arith.addi %add3A_773, %add3A_774 : i32
      %get3A_776 = arith.index_cast %add3A_775 : i32 to index
      %get3A_777 = arith.constant 80 : index
      %get3A_778 = tpu.vector_load %arg13[%get3A_776, %get3A_777] {strides = array<i32>} : memref<320x128xf32, #tpu.memory_space<vmem>>, vector<1x16xf32>,
      %get3A_779 = vector.shape_cast %get3A_778 : vector<1x16xf32> to vector<16xf32>
      %mul3A_780 = vector.broadcast %squeeze3A_175 : f32 to vector<16xf32>
      %mul3A_781 = arith.mulf %get3A_779, %mul3A_780 : vector<16xf32>
      %add3A_782 = arith.addf %add3A_762, %mul3A_781 : vector<16xf32>
      %add3A_783 = arith.addf %add3A_771, %add3A_782 : vector<16xf32>
      %swap3A_784 = arith.index_cast %scan3A_151 : i32 to index
      %swap3A_785 = arith.constant 80 : index
      %swap3A_786 = tpu.vector_load %arg17[%swap3A_784, %swap3A_785] {strides = array<i32>} : memref<32x128xf32, #tpu.memory_space<vmem>>, vector<1x16xf32>,
      %swap3A_787 = vector.shape_cast %swap3A_786 : vector<1x16xf32> to vector<16xf32>
      %swap3A_788 = vector.shape_cast %add3A_783 : vector<16xf32> to vector<1x16xf32>
      tpu.vector_store %arg17[%swap3A_784, %swap3A_785], %swap3A_788 {strides = array<i32>} : memref<32x128xf32, #tpu.memory_space<vmem>>, vector<1x16xf32>,
      %add3A_789 = arith.constant 0 : i32
      %add3A_790 = arith.addi %mul3A_177, %add3A_789 : i32
      %get3A_791 = arith.index_cast %add3A_790 : i32 to index
      %get3A_792 = arith.constant 96 : index
      %get3A_793 = tpu.vector_load %arg13[%get3A_791, %get3A_792] {strides = array<i32>} : memref<320x128xf32, #tpu.memory_space<vmem>>, vector<1x16xf32>,
      %get3A_794 = vector.shape_cast %get3A_793 : vector<1x16xf32> to vector<16xf32>
      %mul3A_795 = vector.broadcast %squeeze3A : f32 to vector<16xf32>
      %mul3A_796 = arith.mulf %get3A_794, %mul3A_795 : vector<16xf32>
      %add3A_797 = arith.constant 1 : i32
      %add3A_798 = arith.addi %mul3A_177, %add3A_797 : i32
      %get3A_799 = arith.index_cast %add3A_798 : i32 to index
      %get3A_800 = arith.constant 96 : index
      %get3A_801 = tpu.vector_load %arg13[%get3A_799, %get3A_800] {strides = array<i32>} : memref<320x128xf32, #tpu.memory_space<vmem>>, vector<1x16xf32>,
      %get3A_802 = vector.shape_cast %get3A_801 : vector<1x16xf32> to vector<16xf32>
      %mul3A_803 = vector.broadcast %squeeze3A_159 : f32 to vector<16xf32>
      %mul3A_804 = arith.mulf %get3A_802, %mul3A_803 : vector<16xf32>
      %add3A_805 = arith.constant 2 : i32
      %add3A_806 = arith.addi %mul3A_177, %add3A_805 : i32
      %get3A_807 = arith.index_cast %add3A_806 : i32 to index
      %get3A_808 = arith.constant 96 : index
      %get3A_809 = tpu.vector_load %arg13[%get3A_807, %get3A_808] {strides = array<i32>} : memref<320x128xf32, #tpu.memory_space<vmem>>, vector<1x16xf32>,
      %get3A_810 = vector.shape_cast %get3A_809 : vector<1x16xf32> to vector<16xf32>
      %mul3A_811 = vector.broadcast %squeeze3A_161 : f32 to vector<16xf32>
      %mul3A_812 = arith.mulf %get3A_810, %mul3A_811 : vector<16xf32>
      %add3A_813 = arith.addf %mul3A_796, %mul3A_812 : vector<16xf32>
      %add3A_814 = arith.constant 2 : i32
      %add3A_815 = arith.addi %mul3A_177, %add3A_814 : i32
      %add3A_816 = arith.constant 1 : i32
      %add3A_817 = arith.addi %add3A_815, %add3A_816 : i32
      %get3A_818 = arith.index_cast %add3A_817 : i32 to index
      %get3A_819 = arith.constant 96 : index
      %get3A_820 = tpu.vector_load %arg13[%get3A_818, %get3A_819] {strides = array<i32>} : memref<320x128xf32, #tpu.memory_space<vmem>>, vector<1x16xf32>,
      %get3A_821 = vector.shape_cast %get3A_820 : vector<1x16xf32> to vector<16xf32>
      %mul3A_822 = vector.broadcast %squeeze3A_163 : f32 to vector<16xf32>
      %mul3A_823 = arith.mulf %get3A_821, %mul3A_822 : vector<16xf32>
      %add3A_824 = arith.addf %mul3A_804, %mul3A_823 : vector<16xf32>
      %add3A_825 = arith.constant 4 : i32
      %add3A_826 = arith.addi %mul3A_177, %add3A_825 : i32
      %get3A_827 = arith.index_cast %add3A_826 : i32 to index
      %get3A_828 = arith.constant 96 : index
      %get3A_829 = tpu.vector_load %arg13[%get3A_827, %get3A_828] {strides = array<i32>} : memref<320x128xf32, #tpu.memory_space<vmem>>, vector<1x16xf32>,
      %get3A_830 = vector.shape_cast %get3A_829 : vector<1x16xf32> to vector<16xf32>
      %mul3A_831 = vector.broadcast %squeeze3A_165 : f32 to vector<16xf32>
      %mul3A_832 = arith.mulf %get3A_830, %mul3A_831 : vector<16xf32>
      %add3A_833 = arith.addf %add3A_813, %mul3A_832 : vector<16xf32>
      %add3A_834 = arith.constant 4 : i32
      %add3A_835 = arith.addi %mul3A_177, %add3A_834 : i32
      %add3A_836 = arith.constant 1 : i32
      %add3A_837 = arith.addi %add3A_835, %add3A_836 : i32
      %get3A_838 = arith.index_cast %add3A_837 : i32 to index
      %get3A_839 = arith.constant 96 : index
      %get3A_840 = tpu.vector_load %arg13[%get3A_838, %get3A_839] {strides = array<i32>} : memref<320x128xf32, #tpu.memory_space<vmem>>, vector<1x16xf32>,
      %get3A_841 = vector.shape_cast %get3A_840 : vector<1x16xf32> to vector<16xf32>
      %mul3A_842 = vector.broadcast %squeeze3A_167 : f32 to vector<16xf32>
      %mul3A_843 = arith.mulf %get3A_841, %mul3A_842 : vector<16xf32>
      %add3A_844 = arith.addf %add3A_824, %mul3A_843 : vector<16xf32>
      %add3A_845 = arith.constant 6 : i32
      %add3A_846 = arith.addi %mul3A_177, %add3A_845 : i32
      %get3A_847 = arith.index_cast %add3A_846 : i32 to index
      %get3A_848 = arith.constant 96 : index
      %get3A_849 = tpu.vector_load %arg13[%get3A_847, %get3A_848] {strides = array<i32>} : memref<320x128xf32, #tpu.memory_space<vmem>>, vector<1x16xf32>,
      %get3A_850 = vector.shape_cast %get3A_849 : vector<1x16xf32> to vector<16xf32>
      %mul3A_851 = vector.broadcast %squeeze3A_169 : f32 to vector<16xf32>
      %mul3A_852 = arith.mulf %get3A_850, %mul3A_851 : vector<16xf32>
      %add3A_853 = arith.addf %add3A_833, %mul3A_852 : vector<16xf32>
      %add3A_854 = arith.constant 6 : i32
      %add3A_855 = arith.addi %mul3A_177, %add3A_854 : i32
      %add3A_856 = arith.constant 1 : i32
      %add3A_857 = arith.addi %add3A_855, %add3A_856 : i32
      %get3A_858 = arith.index_cast %add3A_857 : i32 to index
      %get3A_859 = arith.constant 96 : index
      %get3A_860 = tpu.vector_load %arg13[%get3A_858, %get3A_859] {strides = array<i32>} : memref<320x128xf32, #tpu.memory_space<vmem>>, vector<1x16xf32>,
      %get3A_861 = vector.shape_cast %get3A_860 : vector<1x16xf32> to vector<16xf32>
      %mul3A_862 = vector.broadcast %squeeze3A_171 : f32 to vector<16xf32>
      %mul3A_863 = arith.mulf %get3A_861, %mul3A_862 : vector<16xf32>
      %add3A_864 = arith.addf %add3A_844, %mul3A_863 : vector<16xf32>
      %add3A_865 = arith.constant 8 : i32
      %add3A_866 = arith.addi %mul3A_177, %add3A_865 : i32
      %get3A_867 = arith.index_cast %add3A_866 : i32 to index
      %get3A_868 = arith.constant 96 : index
      %get3A_869 = tpu.vector_load %arg13[%get3A_867, %get3A_868] {strides = array<i32>} : memref<320x128xf32, #tpu.memory_space<vmem>>, vector<1x16xf32>,
      %get3A_870 = vector.shape_cast %get3A_869 : vector<1x16xf32> to vector<16xf32>
      %mul3A_871 = vector.broadcast %squeeze3A_173 : f32 to vector<16xf32>
      %mul3A_872 = arith.mulf %get3A_870, %mul3A_871 : vector<16xf32>
      %add3A_873 = arith.addf %add3A_853, %mul3A_872 : vector<16xf32>
      %add3A_874 = arith.constant 8 : i32
      %add3A_875 = arith.addi %mul3A_177, %add3A_874 : i32
      %add3A_876 = arith.constant 1 : i32
      %add3A_877 = arith.addi %add3A_875, %add3A_876 : i32
      %get3A_878 = arith.index_cast %add3A_877 : i32 to index
      %get3A_879 = arith.constant 96 : index
      %get3A_880 = tpu.vector_load %arg13[%get3A_878, %get3A_879] {strides = array<i32>} : memref<320x128xf32, #tpu.memory_space<vmem>>, vector<1x16xf32>,
      %get3A_881 = vector.shape_cast %get3A_880 : vector<1x16xf32> to vector<16xf32>
      %mul3A_882 = vector.broadcast %squeeze3A_175 : f32 to vector<16xf32>
      %mul3A_883 = arith.mulf %get3A_881, %mul3A_882 : vector<16xf32>
      %add3A_884 = arith.addf %add3A_864, %mul3A_883 : vector<16xf32>
      %add3A_885 = arith.addf %add3A_873, %add3A_884 : vector<16xf32>
      %swap3A_886 = arith.index_cast %scan3A_151 : i32 to index
      %swap3A_887 = arith.constant 96 : index
      %swap3A_888 = tpu.vector_load %arg17[%swap3A_886, %swap3A_887] {strides = array<i32>} : memref<32x128xf32, #tpu.memory_space<vmem>>, vector<1x16xf32>,
      %swap3A_889 = vector.shape_cast %swap3A_888 : vector<1x16xf32> to vector<16xf32>
      %swap3A_890 = vector.shape_cast %add3A_885 : vector<16xf32> to vector<1x16xf32>
      tpu.vector_store %arg17[%swap3A_886, %swap3A_887], %swap3A_890 {strides = array<i32>} : memref<32x128xf32, #tpu.memory_space<vmem>>, vector<1x16xf32>,
      %add3A_891 = arith.constant 0 : i32
      %add3A_892 = arith.addi %mul3A_177, %add3A_891 : i32
      %get3A_893 = arith.index_cast %add3A_892 : i32 to index
      %get3A_894 = arith.constant 112 : index
      %get3A_895 = tpu.vector_load %arg13[%get3A_893, %get3A_894] {strides = array<i32>} : memref<320x128xf32, #tpu.memory_space<vmem>>, vector<1x16xf32>,
      %get3A_896 = vector.shape_cast %get3A_895 : vector<1x16xf32> to vector<16xf32>
      %mul3A_897 = vector.broadcast %squeeze3A : f32 to vector<16xf32>
      %mul3A_898 = arith.mulf %get3A_896, %mul3A_897 : vector<16xf32>
      %add3A_899 = arith.constant 1 : i32
      %add3A_900 = arith.addi %mul3A_177, %add3A_899 : i32
      %get3A_901 = arith.index_cast %add3A_900 : i32 to index
      %get3A_902 = arith.constant 112 : index
      %get3A_903 = tpu.vector_load %arg13[%get3A_901, %get3A_902] {strides = array<i32>} : memref<320x128xf32, #tpu.memory_space<vmem>>, vector<1x16xf32>,
      %get3A_904 = vector.shape_cast %get3A_903 : vector<1x16xf32> to vector<16xf32>
      %mul3A_905 = vector.broadcast %squeeze3A_159 : f32 to vector<16xf32>
      %mul3A_906 = arith.mulf %get3A_904, %mul3A_905 : vector<16xf32>
      %add3A_907 = arith.constant 2 : i32
      %add3A_908 = arith.addi %mul3A_177, %add3A_907 : i32
      %get3A_909 = arith.index_cast %add3A_908 : i32 to index
      %get3A_910 = arith.constant 112 : index
      %get3A_911 = tpu.vector_load %arg13[%get3A_909, %get3A_910] {strides = array<i32>} : memref<320x128xf32, #tpu.memory_space<vmem>>, vector<1x16xf32>,
      %get3A_912 = vector.shape_cast %get3A_911 : vector<1x16xf32> to vector<16xf32>
      %mul3A_913 = vector.broadcast %squeeze3A_161 : f32 to vector<16xf32>
      %mul3A_914 = arith.mulf %get3A_912, %mul3A_913 : vector<16xf32>
      %add3A_915 = arith.addf %mul3A_898, %mul3A_914 : vector<16xf32>
      %add3A_916 = arith.constant 2 : i32
      %add3A_917 = arith.addi %mul3A_177, %add3A_916 : i32
      %add3A_918 = arith.constant 1 : i32
      %add3A_919 = arith.addi %add3A_917, %add3A_918 : i32
      %get3A_920 = arith.index_cast %add3A_919 : i32 to index
      %get3A_921 = arith.constant 112 : index
      %get3A_922 = tpu.vector_load %arg13[%get3A_920, %get3A_921] {strides = array<i32>} : memref<320x128xf32, #tpu.memory_space<vmem>>, vector<1x16xf32>,
      %get3A_923 = vector.shape_cast %get3A_922 : vector<1x16xf32> to vector<16xf32>
      %mul3A_924 = vector.broadcast %squeeze3A_163 : f32 to vector<16xf32>
      %mul3A_925 = arith.mulf %get3A_923, %mul3A_924 : vector<16xf32>
      %add3A_926 = arith.addf %mul3A_906, %mul3A_925 : vector<16xf32>
      %add3A_927 = arith.constant 4 : i32
      %add3A_928 = arith.addi %mul3A_177, %add3A_927 : i32
      %get3A_929 = arith.index_cast %add3A_928 : i32 to index
      %get3A_930 = arith.constant 112 : index
      %get3A_931 = tpu.vector_load %arg13[%get3A_929, %get3A_930] {strides = array<i32>} : memref<320x128xf32, #tpu.memory_space<vmem>>, vector<1x16xf32>,
      %get3A_932 = vector.shape_cast %get3A_931 : vector<1x16xf32> to vector<16xf32>
      %mul3A_933 = vector.broadcast %squeeze3A_165 : f32 to vector<16xf32>
      %mul3A_934 = arith.mulf %get3A_932, %mul3A_933 : vector<16xf32>
      %add3A_935 = arith.addf %add3A_915, %mul3A_934 : vector<16xf32>
      %add3A_936 = arith.constant 4 : i32
      %add3A_937 = arith.addi %mul3A_177, %add3A_936 : i32
      %add3A_938 = arith.constant 1 : i32
      %add3A_939 = arith.addi %add3A_937, %add3A_938 : i32
      %get3A_940 = arith.index_cast %add3A_939 : i32 to index
      %get3A_941 = arith.constant 112 : index
      %get3A_942 = tpu.vector_load %arg13[%get3A_940, %get3A_941] {strides = array<i32>} : memref<320x128xf32, #tpu.memory_space<vmem>>, vector<1x16xf32>,
      %get3A_943 = vector.shape_cast %get3A_942 : vector<1x16xf32> to vector<16xf32>
      %mul3A_944 = vector.broadcast %squeeze3A_167 : f32 to vector<16xf32>
      %mul3A_945 = arith.mulf %get3A_943, %mul3A_944 : vector<16xf32>
      %add3A_946 = arith.addf %add3A_926, %mul3A_945 : vector<16xf32>
      %add3A_947 = arith.constant 6 : i32
      %add3A_948 = arith.addi %mul3A_177, %add3A_947 : i32
      %get3A_949 = arith.index_cast %add3A_948 : i32 to index
      %get3A_950 = arith.constant 112 : index
      %get3A_951 = tpu.vector_load %arg13[%get3A_949, %get3A_950] {strides = array<i32>} : memref<320x128xf32, #tpu.memory_space<vmem>>, vector<1x16xf32>,
      %get3A_952 = vector.shape_cast %get3A_951 : vector<1x16xf32> to vector<16xf32>
      %mul3A_953 = vector.broadcast %squeeze3A_169 : f32 to vector<16xf32>
      %mul3A_954 = arith.mulf %get3A_952, %mul3A_953 : vector<16xf32>
      %add3A_955 = arith.addf %add3A_935, %mul3A_954 : vector<16xf32>
      %add3A_956 = arith.constant 6 : i32
      %add3A_957 = arith.addi %mul3A_177, %add3A_956 : i32
      %add3A_958 = arith.constant 1 : i32
      %add3A_959 = arith.addi %add3A_957, %add3A_958 : i32
      %get3A_960 = arith.index_cast %add3A_959 : i32 to index
      %get3A_961 = arith.constant 112 : index
      %get3A_962 = tpu.vector_load %arg13[%get3A_960, %get3A_961] {strides = array<i32>} : memref<320x128xf32, #tpu.memory_space<vmem>>, vector<1x16xf32>,
      %get3A_963 = vector.shape_cast %get3A_962 : vector<1x16xf32> to vector<16xf32>
      %mul3A_964 = vector.broadcast %squeeze3A_171 : f32 to vector<16xf32>
      %mul3A_965 = arith.mulf %get3A_963, %mul3A_964 : vector<16xf32>
      %add3A_966 = arith.addf %add3A_946, %mul3A_965 : vector<16xf32>
      %add3A_967 = arith.constant 8 : i32
      %add3A_968 = arith.addi %mul3A_177, %add3A_967 : i32
      %get3A_969 = arith.index_cast %add3A_968 : i32 to index
      %get3A_970 = arith.constant 112 : index
      %get3A_971 = tpu.vector_load %arg13[%get3A_969, %get3A_970] {strides = array<i32>} : memref<320x128xf32, #tpu.memory_space<vmem>>, vector<1x16xf32>,
      %get3A_972 = vector.shape_cast %get3A_971 : vector<1x16xf32> to vector<16xf32>
      %mul3A_973 = vector.broadcast %squeeze3A_173 : f32 to vector<16xf32>
      %mul3A_974 = arith.mulf %get3A_972, %mul3A_973 : vector<16xf32>
      %add3A_975 = arith.addf %add3A_955, %mul3A_974 : vector<16xf32>
      %add3A_976 = arith.constant 8 : i32
      %add3A_977 = arith.addi %mul3A_177, %add3A_976 : i32
      %add3A_978 = arith.constant 1 : i32
      %add3A_979 = arith.addi %add3A_977, %add3A_978 : i32
      %get3A_980 = arith.index_cast %add3A_979 : i32 to index
      %get3A_981 = arith.constant 112 : index
      %get3A_982 = tpu.vector_load %arg13[%get3A_980, %get3A_981] {strides = array<i32>} : memref<320x128xf32, #tpu.memory_space<vmem>>, vector<1x16xf32>,
      %get3A_983 = vector.shape_cast %get3A_982 : vector<1x16xf32> to vector<16xf32>
      %mul3A_984 = vector.broadcast %squeeze3A_175 : f32 to vector<16xf32>
      %mul3A_985 = arith.mulf %get3A_983, %mul3A_984 : vector<16xf32>
      %add3A_986 = arith.addf %add3A_966, %mul3A_985 : vector<16xf32>
      %add3A_987 = arith.addf %add3A_975, %add3A_986 : vector<16xf32>
      %swap3A_988 = arith.index_cast %scan3A_151 : i32 to index
      %swap3A_989 = arith.constant 112 : index
      %swap3A_990 = tpu.vector_load %arg17[%swap3A_988, %swap3A_989] {strides = array<i32>} : memref<32x128xf32, #tpu.memory_space<vmem>>, vector<1x16xf32>,
      %swap3A_991 = vector.shape_cast %swap3A_990 : vector<1x16xf32> to vector<16xf32>
      %swap3A_992 = vector.shape_cast %add3A_987 : vector<16xf32> to vector<1x16xf32>
      tpu.vector_store %arg17[%swap3A_988, %swap3A_989], %swap3A_992 {strides = array<i32>} : memref<32x128xf32, #tpu.memory_space<vmem>>, vector<1x16xf32>,
    }
    %scan3A_124 = arith.constant 32 : i32
    %dma_start3A_125 = arith.constant 0 : i32
    %dma_start3A_126 = tpu.memref_slice %arg9[%mul3A_2, %dma_start3A_125] : memref<1024x128xf32, #tpu.memory_space<hbm>> -> memref<32x128xf32, #tpu.memory_space<hbm>>
    %dma_start3A_127 = arith.constant 0 : i32
    %dma_start3A_128 = tpu.memref_slice %arg9[%mul3A_2, %dma_start3A_127] : memref<1024x128xf32, #tpu.memory_space<hbm>> -> memref<32x128xf32, #tpu.memory_space<hbm>>
    tpu.enqueue_dma source(%arg17 : memref<32x128xf32, #tpu.memory_space<vmem>>) target(%dma_start3A_128 : memref<32x128xf32, #tpu.memory_space<hbm>>) target_semaphore(%arg21 : memref<!tpu.dma_semaphore, #tpu.memory_space<semaphore_mem>>)
    %dma_wait3A_129 = arith.constant 0 : i32
    %dma_wait3A_130 = arith.constant 0 : i32
    %dma_wait3A_131 = tpu.memref_slice %arg5[%dma_wait3A_129, %dma_wait3A_130] : memref<20000x128xf32, #tpu.memory_space<hbm>> -> memref<32x128xf32, #tpu.memory_space<hbm>>
    %dma_wait3A_132 = arith.constant 0 : i32
    %dma_wait3A_133 = arith.constant 0 : i32
    %dma_wait3A_134 = tpu.memref_slice %arg5[%dma_wait3A_132, %dma_wait3A_133] : memref<20000x128xf32, #tpu.memory_space<hbm>> -> memref<32x128xf32, #tpu.memory_space<hbm>>
    tpu.wait_dma2 semaphore(%arg22 : memref<!tpu.dma_semaphore, #tpu.memory_space<semaphore_mem>>) src(%dma_wait3A_134 : memref<32x128xf32, #tpu.memory_space<hbm>>) dst(%arg18 : memref<32x128xf32, #tpu.memory_space<vmem>>)
    %dma_start3A_135 = arith.constant 0 : i32
    %dma_start3A_136 = tpu.memref_slice %arg10[%mul3A_2, %dma_start3A_135] : memref<1024x128xf32, #tpu.memory_space<hbm>> -> memref<32x128xf32, #tpu.memory_space<hbm>>
    %dma_start3A_137 = arith.constant 0 : i32
    %dma_start3A_138 = tpu.memref_slice %arg10[%mul3A_2, %dma_start3A_137] : memref<1024x128xf32, #tpu.memory_space<hbm>> -> memref<32x128xf32, #tpu.memory_space<hbm>>
    tpu.enqueue_dma source(%arg18 : memref<32x128xf32, #tpu.memory_space<vmem>>) target(%dma_start3A_138 : memref<32x128xf32, #tpu.memory_space<hbm>>) target_semaphore(%arg21 : memref<!tpu.dma_semaphore, #tpu.memory_space<semaphore_mem>>)
    %dma_wait3A_139 = arith.constant 0 : i32
    %dma_wait3A_140 = arith.constant 0 : i32
    %dma_wait3A_141 = tpu.memref_slice %arg13[%dma_wait3A_139, %dma_wait3A_140] : memref<320x128xf32, #tpu.memory_space<vmem>> -> memref<128x128xf32, #tpu.memory_space<vmem>>
    %dma_wait3A_142 = arith.constant 0 : i32
    %dma_wait3A_143 = arith.constant 0 : i32
    %dma_wait3A_144 = tpu.memref_slice %arg7[%dma_wait3A_142, %dma_wait3A_143] : memref<1024x128xf32, #tpu.memory_space<hbm>> -> memref<128x128xf32, #tpu.memory_space<hbm>>
    %dma_wait3A_145 = arith.constant 0 : i32
    %dma_wait3A_146 = arith.constant 0 : i32
    %dma_wait3A_147 = tpu.memref_slice %arg13[%dma_wait3A_145, %dma_wait3A_146] : memref<320x128xf32, #tpu.memory_space<vmem>> -> memref<128x128xf32, #tpu.memory_space<vmem>>
    %dma_wait3A_148 = arith.constant 0 : i32
    %dma_wait3A_149 = arith.constant 0 : i32
    %dma_wait3A_150 = tpu.memref_slice %arg7[%dma_wait3A_148, %dma_wait3A_149] : memref<1024x128xf32, #tpu.memory_space<hbm>> -> memref<128x128xf32, #tpu.memory_space<hbm>>
    tpu.wait_dma2 semaphore(%arg21 : memref<!tpu.dma_semaphore, #tpu.memory_space<semaphore_mem>>) src(%dma_wait3A_150 : memref<128x128xf32, #tpu.memory_space<hbm>>) dst(%dma_wait3A_147 : memref<128x128xf32, #tpu.memory_space<vmem>>)
    return
  }
}

module attributes {stable_mosaic.version = 14 : i64} {
  func.func @body(%arg0: i32, %arg1: memref<400x2048xf32, #tpu.memory_space<vmem>>, %arg2: memref<2048x128xf32, #tpu.memory_space<vmem>>, %arg3: memref<400x128xf32, #tpu.memory_space<vmem>>) attributes {dimension_semantics = [#tpu.dimension_semantics<arbitrary>], iteration_bounds = array<i64: 50>, scalar_prefetch = 0 : i64, scratch_operands = 0 : i64, tpu.core_type = #tpu.core_type<tc>, window_params = [{transform_indices = @transform_0, window_bounds = array<i64: 400, 2048>}, {pipeline_mode = #tpu.pipeline_mode<synchronous>, transform_indices = @transform_1, window_bounds = array<i64: 2048, 128>}, {transform_indices = @transform_2, window_bounds = array<i64: 400, 128>}]} {
    %get3A = arith.constant 0 : index
    %get3A_0 = arith.constant 0 : index
    %get3A_1 = vector.load %arg1[%get3A, %get3A_0] : memref<400x2048xf32, #tpu.memory_space<vmem>>, vector<400x2048xf32>
    %get3A_2 = arith.constant 0 : index
    %get3A_3 = arith.constant 0 : index
    %get3A_4 = vector.load %arg2[%get3A_2, %get3A_3] : memref<2048x128xf32, #tpu.memory_space<vmem>>, vector<2048x128xf32>
    %dot_general3A = arith.constant dense<0.000000e+00> : vector<400x128xf32>
    %dot_general3A_5 = tpu.matmul %get3A_1, %get3A_4, %dot_general3A {dimension_numbers = #tpu.dot_dimension_numbers<[1], [0], [0], [1], [0, 0, 1, 1], [], []>, transpose_lhs_hint = false} : vector<400x2048xf32>, vector<2048x128xf32>, vector<400x128xf32> -> vector<400x128xf32>
    %swap3A = arith.constant 0 : index
    %swap3A_6 = arith.constant 0 : index
    %swap3A_7 = vector.load %arg3[%swap3A, %swap3A_6] : memref<400x128xf32, #tpu.memory_space<vmem>>, vector<400x128xf32>
    tpu.vector_store %arg3[%swap3A, %swap3A_6], %dot_general3A_5 {strides = array<i32>} : memref<400x128xf32, #tpu.memory_space<vmem>>, vector<400x128xf32>,
    return
  }
  func.func @transform_0(%arg0: i32) -> (i32, i32) {
    %c0_i32 = arith.constant 0 : i32
    %c0_i32_0 = arith.constant 0 : i32
    return %arg0, %c0_i32 : i32, i32
  }
  func.func @transform_1(%arg0: i32) -> (i32, i32) {
    %c0_i32 = arith.constant 0 : i32
    %c0_i32_0 = arith.constant 0 : i32
    %c0_i32_1 = arith.constant 0 : i32
    return %c0_i32, %c0_i32_0 : i32, i32
  }
  func.func @transform_2(%arg0: i32) -> (i32, i32) {
    %c0_i32 = arith.constant 0 : i32
    %c0_i32_0 = arith.constant 0 : i32
    return %arg0, %c0_i32 : i32, i32
  }
}

module attributes {stable_mosaic.version = 14 : i64} {
  func.func @body(%arg0: i32, %arg1: memref<400x256xf32, #tpu.memory_space<vmem>>, %arg2: memref<256x128xf32, #tpu.memory_space<vmem>>, %arg3: memref<400x128xf32, #tpu.memory_space<vmem>>) attributes {dimension_semantics = [#tpu.dimension_semantics<arbitrary>], iteration_bounds = array<i64: 5>, scalar_prefetch = 0 : i64, scratch_operands = 0 : i64, tpu.core_type = #tpu.core_type<tc>, window_params = [{transform_indices = @transform_0, window_bounds = array<i64: 400, 256>}, {pipeline_mode = #tpu.pipeline_mode<synchronous>, transform_indices = @transform_1, window_bounds = array<i64: 256, 128>}, {transform_indices = @transform_2, window_bounds = array<i64: 400, 128>}]} {
    %get3A = arith.constant 0 : index
    %get3A_0 = arith.constant 0 : index
    %get3A_1 = vector.load %arg1[%get3A, %get3A_0] : memref<400x256xf32, #tpu.memory_space<vmem>>, vector<400x256xf32>
    %get3A_2 = arith.constant 0 : index
    %get3A_3 = arith.constant 0 : index
    %get3A_4 = vector.load %arg2[%get3A_2, %get3A_3] : memref<256x128xf32, #tpu.memory_space<vmem>>, vector<256x128xf32>
    %dot_general3A = arith.constant dense<0.000000e+00> : vector<400x128xf32>
    %dot_general3A_5 = tpu.matmul %get3A_1, %get3A_4, %dot_general3A {dimension_numbers = #tpu.dot_dimension_numbers<[1], [0], [0], [1], [0, 0, 1, 1], [], []>, transpose_lhs_hint = false} : vector<400x256xf32>, vector<256x128xf32>, vector<400x128xf32> -> vector<400x128xf32>
    %swap3A = arith.constant 0 : index
    %swap3A_6 = arith.constant 0 : index
    %swap3A_7 = vector.load %arg3[%swap3A, %swap3A_6] : memref<400x128xf32, #tpu.memory_space<vmem>>, vector<400x128xf32>
    tpu.vector_store %arg3[%swap3A, %swap3A_6], %dot_general3A_5 {strides = array<i32>} : memref<400x128xf32, #tpu.memory_space<vmem>>, vector<400x128xf32>,
    return
  }
  func.func @transform_0(%arg0: i32) -> (i32, i32) {
    %c0_i32 = arith.constant 0 : i32
    %c0_i32_0 = arith.constant 0 : i32
    return %arg0, %c0_i32 : i32, i32
  }
  func.func @transform_1(%arg0: i32) -> (i32, i32) {
    %c0_i32 = arith.constant 0 : i32
    %c0_i32_0 = arith.constant 0 : i32
    %c0_i32_1 = arith.constant 0 : i32
    return %c0_i32, %c0_i32_0 : i32, i32
  }
  func.func @transform_2(%arg0: i32) -> (i32, i32) {
    %c0_i32 = arith.constant 0 : i32
    %c0_i32_0 = arith.constant 0 : i32
    return %arg0, %c0_i32 : i32, i32
  }
}

module attributes {stable_mosaic.version = 14 : i64} {
  func.func @body(%arg0: memref<1024x128xf32, #tpu.memory_space<vmem>>, %arg1: memref<1024x128xf32, #tpu.memory_space<vmem>>, %arg2: memref<1024x128xf32, #tpu.memory_space<vmem>>, %arg3: memref<1024x128xf32, #tpu.memory_space<vmem>>, %arg4: memref<1024x1xf32, #tpu.memory_space<vmem>>, %arg5: memref<1024x1xf32, #tpu.memory_space<vmem>>, %arg6: memref<1024x1xf32, #tpu.memory_space<vmem>>, %arg7: memref<1x128xf32, #tpu.memory_space<vmem>>, %arg8: memref<1x128xf32, #tpu.memory_space<vmem>>, %arg9: memref<128x128xf32, #tpu.memory_space<vmem>>, %arg10: memref<1x128xf32, #tpu.memory_space<vmem>>, %arg11: memref<512x128xf32, #tpu.memory_space<vmem>>, %arg12: memref<1x128xf32, #tpu.memory_space<vmem>>, %arg13: memref<512x128xf32, #tpu.memory_space<vmem>>, %arg14: memref<1x128xf32, #tpu.memory_space<vmem>>, %arg15: memref<1024x128xf32, #tpu.memory_space<vmem>>) attributes {dimension_semantics = [], scalar_prefetch = 0 : i64, scratch_operands = 0 : i64, tpu.core_type = #tpu.core_type<tc>} {
    %get3A = arith.constant 0 : index
    %get3A_0 = arith.constant 0 : index
    %get3A_1 = vector.load %arg0[%get3A, %get3A_0] : memref<1024x128xf32, #tpu.memory_space<vmem>>, vector<1024x128xf32>
    %get3A_2 = arith.constant 0 : index
    %get3A_3 = arith.constant 0 : index
    %get3A_4 = vector.load %arg8[%get3A_2, %get3A_3] : memref<1x128xf32, #tpu.memory_space<vmem>>, vector<1x128xf32>
    %add3A = vector.broadcast %get3A_4 : vector<1x128xf32> to vector<1024x128xf32>
    %add3A_5 = arith.addf %get3A_1, %add3A : vector<1024x128xf32>
    %get3A_6 = arith.constant 0 : index
    %get3A_7 = arith.constant 0 : index
    %get3A_8 = vector.load %arg1[%get3A_6, %get3A_7] : memref<1024x128xf32, #tpu.memory_space<vmem>>, vector<1024x128xf32>
    %get3A_9 = arith.constant 0 : index
    %get3A_10 = arith.constant 0 : index
    %get3A_11 = vector.load %arg4[%get3A_9, %get3A_10] : memref<1024x1xf32, #tpu.memory_space<vmem>>, vector<1024x1xf32>
    %get3A_12 = arith.constant 0 : index
    %get3A_13 = arith.constant 0 : index
    %get3A_14 = vector.load %arg7[%get3A_12, %get3A_13] : memref<1x128xf32, #tpu.memory_space<vmem>>, vector<1x128xf32>
    %mul3A = vector.broadcast %get3A_11 : vector<1024x1xf32> to vector<1024x128xf32>
    %mul3A_15 = vector.broadcast %get3A_14 : vector<1x128xf32> to vector<1024x128xf32>
    %mul3A_16 = arith.mulf %mul3A, %mul3A_15 : vector<1024x128xf32>
    %add3A_17 = arith.addf %get3A_8, %mul3A_16 : vector<1024x128xf32>
    %mul3A_18 = arith.constant 1.000000e-01 : f32
    %mul3A_19 = vector.broadcast %mul3A_18 : f32 to vector<1024x128xf32>
    %mul3A_20 = arith.mulf %add3A_17, %mul3A_19 : vector<1024x128xf32>
    %get3A_21 = arith.constant 0 : index
    %get3A_22 = arith.constant 0 : index
    %get3A_23 = vector.load %arg2[%get3A_21, %get3A_22] : memref<1024x128xf32, #tpu.memory_space<vmem>>, vector<1024x128xf32>
    %get3A_24 = arith.constant 0 : index
    %get3A_25 = arith.constant 0 : index
    %get3A_26 = vector.load %arg5[%get3A_24, %get3A_25] : memref<1024x1xf32, #tpu.memory_space<vmem>>, vector<1024x1xf32>
    %get3A_27 = arith.constant 0 : index
    %get3A_28 = arith.constant 0 : index
    %get3A_29 = vector.load %arg8[%get3A_27, %get3A_28] : memref<1x128xf32, #tpu.memory_space<vmem>>, vector<1x128xf32>
    %mul3A_30 = vector.broadcast %get3A_26 : vector<1024x1xf32> to vector<1024x128xf32>
    %mul3A_31 = vector.broadcast %get3A_29 : vector<1x128xf32> to vector<1024x128xf32>
    %mul3A_32 = arith.mulf %mul3A_30, %mul3A_31 : vector<1024x128xf32>
    %add3A_33 = arith.addf %get3A_23, %mul3A_32 : vector<1024x128xf32>
    %mul3A_34 = arith.constant 1.000000e-01 : f32
    %mul3A_35 = vector.broadcast %mul3A_34 : f32 to vector<1024x128xf32>
    %mul3A_36 = arith.mulf %add3A_33, %mul3A_35 : vector<1024x128xf32>
    %get3A_37 = arith.constant 0 : index
    %get3A_38 = arith.constant 0 : index
    %get3A_39 = vector.load %arg3[%get3A_37, %get3A_38] : memref<1024x128xf32, #tpu.memory_space<vmem>>, vector<1024x128xf32>
    %get3A_40 = arith.constant 0 : index
    %get3A_41 = arith.constant 0 : index
    %get3A_42 = vector.load %arg9[%get3A_40, %get3A_41] : memref<128x128xf32, #tpu.memory_space<vmem>>, vector<128x128xf32>
    %dot_general3A = arith.constant dense<0.000000e+00> : vector<1024x128xf32>
    %dot_general3A_43 = tpu.matmul %get3A_39, %get3A_42, %dot_general3A {dimension_numbers = #tpu.dot_dimension_numbers<[1], [0], [0], [1], [0, 0, 1, 1], [], []>, transpose_lhs_hint = false} : vector<1024x128xf32>, vector<128x128xf32>, vector<1024x128xf32> -> vector<1024x128xf32>
    %get3A_44 = arith.constant 0 : index
    %get3A_45 = arith.constant 0 : index
    %get3A_46 = vector.load %arg6[%get3A_44, %get3A_45] : memref<1024x1xf32, #tpu.memory_space<vmem>>, vector<1024x1xf32>
    %get3A_47 = arith.constant 0 : index
    %get3A_48 = arith.constant 0 : index
    %get3A_49 = vector.load %arg10[%get3A_47, %get3A_48] : memref<1x128xf32, #tpu.memory_space<vmem>>, vector<1x128xf32>
    %mul3A_50 = vector.broadcast %get3A_46 : vector<1024x1xf32> to vector<1024x128xf32>
    %mul3A_51 = vector.broadcast %get3A_49 : vector<1x128xf32> to vector<1024x128xf32>
    %mul3A_52 = arith.mulf %mul3A_50, %mul3A_51 : vector<1024x128xf32>
    %add3A_53 = arith.addf %dot_general3A_43, %mul3A_52 : vector<1024x128xf32>
    %mul3A_54 = arith.constant 1.000000e-01 : f32
    %mul3A_55 = vector.broadcast %mul3A_54 : f32 to vector<1024x128xf32>
    %mul3A_56 = arith.mulf %add3A_53, %mul3A_55 : vector<1024x128xf32>
    %get3A_57 = arith.constant 0 : index
    %get3A_58 = arith.constant 0 : index
    %get3A_59 = vector.load %arg11[%get3A_57, %get3A_58] : memref<512x128xf32, #tpu.memory_space<vmem>>, vector<512x128xf32>
    %slice3A = vector.extract_strided_slice %get3A_59 {offsets = [0, 0], sizes = [128, 128], strides = [1, 1]} : vector<512x128xf32> to vector<128x128xf32>
    %dot_general3A_60 = arith.constant dense<0.000000e+00> : vector<1024x128xf32>
    %dot_general3A_61 = tpu.matmul %add3A_5, %slice3A, %dot_general3A_60 {dimension_numbers = #tpu.dot_dimension_numbers<[1], [0], [0], [1], [0, 0, 1, 1], [], []>, transpose_lhs_hint = false} : vector<1024x128xf32>, vector<128x128xf32>, vector<1024x128xf32> -> vector<1024x128xf32>
    %slice3A_62 = vector.extract_strided_slice %get3A_59 {offsets = [128, 0], sizes = [128, 128], strides = [1, 1]} : vector<512x128xf32> to vector<128x128xf32>
    %dot_general3A_63 = arith.constant dense<0.000000e+00> : vector<1024x128xf32>
    %dot_general3A_64 = tpu.matmul %mul3A_20, %slice3A_62, %dot_general3A_63 {dimension_numbers = #tpu.dot_dimension_numbers<[1], [0], [0], [1], [0, 0, 1, 1], [], []>, transpose_lhs_hint = false} : vector<1024x128xf32>, vector<128x128xf32>, vector<1024x128xf32> -> vector<1024x128xf32>
    %add3A_65 = arith.addf %dot_general3A_61, %dot_general3A_64 : vector<1024x128xf32>
    %slice3A_66 = vector.extract_strided_slice %get3A_59 {offsets = [256, 0], sizes = [128, 128], strides = [1, 1]} : vector<512x128xf32> to vector<128x128xf32>
    %dot_general3A_67 = arith.constant dense<0.000000e+00> : vector<1024x128xf32>
    %dot_general3A_68 = tpu.matmul %mul3A_36, %slice3A_66, %dot_general3A_67 {dimension_numbers = #tpu.dot_dimension_numbers<[1], [0], [0], [1], [0, 0, 1, 1], [], []>, transpose_lhs_hint = false} : vector<1024x128xf32>, vector<128x128xf32>, vector<1024x128xf32> -> vector<1024x128xf32>
    %add3A_69 = arith.addf %add3A_65, %dot_general3A_68 : vector<1024x128xf32>
    %slice3A_70 = vector.extract_strided_slice %get3A_59 {offsets = [384, 0], sizes = [128, 128], strides = [1, 1]} : vector<512x128xf32> to vector<128x128xf32>
    %dot_general3A_71 = arith.constant dense<0.000000e+00> : vector<1024x128xf32>
    %dot_general3A_72 = tpu.matmul %mul3A_56, %slice3A_70, %dot_general3A_71 {dimension_numbers = #tpu.dot_dimension_numbers<[1], [0], [0], [1], [0, 0, 1, 1], [], []>, transpose_lhs_hint = false} : vector<1024x128xf32>, vector<128x128xf32>, vector<1024x128xf32> -> vector<1024x128xf32>
    %add3A_73 = arith.addf %add3A_69, %dot_general3A_72 : vector<1024x128xf32>
    %get3A_74 = arith.constant 0 : index
    %get3A_75 = arith.constant 0 : index
    %get3A_76 = vector.load %arg12[%get3A_74, %get3A_75] : memref<1x128xf32, #tpu.memory_space<vmem>>, vector<1x128xf32>
    %add3A_77 = vector.broadcast %get3A_76 : vector<1x128xf32> to vector<1024x128xf32>
    %add3A_78 = arith.addf %add3A_73, %add3A_77 : vector<1024x128xf32>
    %max3A = arith.constant 0.000000e+00 : f32
    %max3A_79 = vector.broadcast %max3A : f32 to vector<1024x128xf32>
    %max3A_80 = arith.maximumf %add3A_78, %max3A_79 : vector<1024x128xf32>
    %get3A_81 = arith.constant 0 : index
    %get3A_82 = arith.constant 0 : index
    %get3A_83 = vector.load %arg13[%get3A_81, %get3A_82] : memref<512x128xf32, #tpu.memory_space<vmem>>, vector<512x128xf32>
    %slice3A_84 = vector.extract_strided_slice %get3A_83 {offsets = [0, 0], sizes = [128, 128], strides = [1, 1]} : vector<512x128xf32> to vector<128x128xf32>
    %dot_general3A_85 = arith.constant dense<0.000000e+00> : vector<1024x128xf32>
    %dot_general3A_86 = tpu.matmul %max3A_80, %slice3A_84, %dot_general3A_85 {dimension_numbers = #tpu.dot_dimension_numbers<[1], [0], [0], [1], [0, 0, 1, 1], [], []>, transpose_lhs_hint = false} : vector<1024x128xf32>, vector<128x128xf32>, vector<1024x128xf32> -> vector<1024x128xf32>
    %slice3A_87 = vector.extract_strided_slice %get3A_83 {offsets = [128, 0], sizes = [128, 128], strides = [1, 1]} : vector<512x128xf32> to vector<128x128xf32>
    %dot_general3A_88 = arith.constant dense<0.000000e+00> : vector<1024x128xf32>
    %dot_general3A_89 = tpu.matmul %mul3A_20, %slice3A_87, %dot_general3A_88 {dimension_numbers = #tpu.dot_dimension_numbers<[1], [0], [0], [1], [0, 0, 1, 1], [], []>, transpose_lhs_hint = false} : vector<1024x128xf32>, vector<128x128xf32>, vector<1024x128xf32> -> vector<1024x128xf32>
    %add3A_90 = arith.addf %dot_general3A_86, %dot_general3A_89 : vector<1024x128xf32>
    %slice3A_91 = vector.extract_strided_slice %get3A_83 {offsets = [256, 0], sizes = [128, 128], strides = [1, 1]} : vector<512x128xf32> to vector<128x128xf32>
    %dot_general3A_92 = arith.constant dense<0.000000e+00> : vector<1024x128xf32>
    %dot_general3A_93 = tpu.matmul %mul3A_36, %slice3A_91, %dot_general3A_92 {dimension_numbers = #tpu.dot_dimension_numbers<[1], [0], [0], [1], [0, 0, 1, 1], [], []>, transpose_lhs_hint = false} : vector<1024x128xf32>, vector<128x128xf32>, vector<1024x128xf32> -> vector<1024x128xf32>
    %add3A_94 = arith.addf %add3A_90, %dot_general3A_93 : vector<1024x128xf32>
    %slice3A_95 = vector.extract_strided_slice %get3A_83 {offsets = [384, 0], sizes = [128, 128], strides = [1, 1]} : vector<512x128xf32> to vector<128x128xf32>
    %dot_general3A_96 = arith.constant dense<0.000000e+00> : vector<1024x128xf32>
    %dot_general3A_97 = tpu.matmul %mul3A_56, %slice3A_95, %dot_general3A_96 {dimension_numbers = #tpu.dot_dimension_numbers<[1], [0], [0], [1], [0, 0, 1, 1], [], []>, transpose_lhs_hint = false} : vector<1024x128xf32>, vector<128x128xf32>, vector<1024x128xf32> -> vector<1024x128xf32>
    %add3A_98 = arith.addf %add3A_94, %dot_general3A_97 : vector<1024x128xf32>
    %get3A_99 = arith.constant 0 : index
    %get3A_100 = arith.constant 0 : index
    %get3A_101 = vector.load %arg14[%get3A_99, %get3A_100] : memref<1x128xf32, #tpu.memory_space<vmem>>, vector<1x128xf32>
    %add3A_102 = vector.broadcast %get3A_101 : vector<1x128xf32> to vector<1024x128xf32>
    %add3A_103 = arith.addf %add3A_98, %add3A_102 : vector<1024x128xf32>
    %max3A_104 = arith.constant 0.000000e+00 : f32
    %max3A_105 = vector.broadcast %max3A_104 : f32 to vector<1024x128xf32>
    %max3A_106 = arith.maximumf %add3A_103, %max3A_105 : vector<1024x128xf32>
    %swap3A = arith.constant 0 : index
    %swap3A_107 = arith.constant 0 : index
    %swap3A_108 = vector.load %arg15[%swap3A, %swap3A_107] : memref<1024x128xf32, #tpu.memory_space<vmem>>, vector<1024x128xf32>
    tpu.vector_store %arg15[%swap3A, %swap3A_107], %max3A_106 {strides = array<i32>} : memref<1024x128xf32, #tpu.memory_space<vmem>>, vector<1024x128xf32>,
    return
  }
}

</mosaic_0001>

<sc_bundles>
// kernel: kernel.6.cloned.1.call-start
scs
__scs_entry_jumppad:
0x0: {  	(pc) =	sbr.rel $0x88, $3  }
0x1: {  	(tag) =	ssettag $0x0;
	lr =	simm.s32 $0x1  }
0x2: {  	[smem:$0x3F90] =	sst lr;
	_ =	strace $0xD0000000  }
0x3: {  	_ = 	snop  }
0x4: {  	_ = 	snop  }
0x5: {  	_ = 	snop  }
0x6: {  	_ = 	snop  }
0x7: {  	_ = 	snop  }
__scs_overlays_trampoline_lowered:
0x8: {  	[smem:$0x3F9F] =	sst s0  }
0x9: {  	[smem:$0x3FA0] =	sst s1  }
0xa: {  	[smem:$0x3FA1] =	sst s2  }
0xb: {  	[smem:$0x3FA2] =	sst s3  }
0xc: {  	[smem:$0x3FA3] =	sst s4  }
0xd: {  	[smem:$0x3FA4] =	sst s5  }
0xe: {  	[smem:$0x3FA5] =	sst s6  }
0xf: {  	[smem:$0x3FA6] =	sst s7  }
0x10: {  	[smem:$0x3FA7] =	sst s8  }
0x11: {  	[smem:$0x3FA8] =	sst s9;
	s0 =	simm.s32 @!p0 $0x0  }
0x12: {  	s1 =	sld [smem:$0x3F8E];
	s0 =	simm.s32 @p0 $0x1  }
0x13: {  	[smem:$0x3FA9] =	sst s0;
	s0 =	simm.s32 @!p1 $0x0  }
0x14: {  	s2 =	sld [smem:$0x3F8D];
	s0 =	simm.s32 @p1 $0x1  }
0x15: {  	[smem:$0x3FAA] =	sst s0;
	s0 =	simm.s32 @!p2 $0x0  }
0x16: {  	s3 =	sld [smem:$0x3FDB];
	s0 =	simm.s32 @p2 $0x1  }
0x17: {  	s4 =	simm.s32 $0x1BF5;
	[smem:$0x3FAC] =	sst s0  }
0x18: {  	s0 =	sld [smem:$0x3F8F];
	_ =	swait.ge [sflag:s4], $0x0  }
0x19: {  	s7 =	sld [smem:$0x3F90]  }
0x1a: {  	s8 =	sadd.s32 $0xFFFFE003, lr  }
0x1b: {  	s9 =	sadd.s32 $0xFFFFFEF7, lr;
	s5 =	simm.s32 $0xFFFFFFFF;
	p2 =	slt.u32 s8, $0xFFFFF086  }
0x1c: {  	p1 =	slt.u32 s9, $0xF7A;
	s5 =	simm.s32 @!p2 $0x0  }
0x1d: {  	s5 =	simm.s32 @p1 $0x1;
	p0 =	seq.s32 s7, s2  }
0x1e: {  	s7 =	smul.u32 @!p0 $0xF7A, s2;
	p2 =	seq.s32 @!p0 s5, $0x0  }
0x1f: {  	s9 =	smul.u32 $0xF7A, s1;
	s8 =	simm.s32 @!p0 $0x1BF5;
	p2 =	por !p2, p0  }
0x20: {  	[sflag:s8] =	ssyncset.s32 @!p0 $0xFFFFF086;
	s6 =	sadd.s32 @!p0 s3, s7;
	s7 =	simm.s32 @!p0 $0x108  }
0x21: {  	s3 =	sadd.s32 s3, s9;
	s6 =	sadd.s32 @!p0 $0x88, s6;
	s7 =	simm.s32 @p2 $0x1082  }
0x22: {  	[simem:s7], [sflag:s8] =	dma.local @!p0 [hbm:s6], $0xF7A  }
0x23: {  	s9 =	sor.u32 $0xD0000000, s2;
	s6 =	simm.s32 $0x108;
	_ =	swait.ge @!p0 [sflag:s8], $0x0  }
0x24: {  	s3 =	sadd.s32 $0x88, s3;
	s6 =	simm.s32 @!p1 $0x1082;
	[sflag:s4] =	ssyncset.s32 $0xFFFFF086  }
0x25: {  	[simem:s6], [sflag:s4] =	dma.local [hbm:s3], $0xF7A  }
0x26: {  	[smem:$0x3F90] =	sst s1;
	(tag) =	ssettag s2;
	_ =	strace s9  }
0x27: {  	s1 =	sld [smem:$0x3FA0]  }
0x28: {  	s2 =	sld [smem:$0x3FA1]  }
0x29: {  	s4 =	sld [smem:$0x3FA3]  }
0x2a: {  	p0 =	seq.s32 s5, $0x0;
	s5 =	sld [smem:$0x3FA4]  }
0x2b: {  	s6 =	sld [smem:$0x3FA5]  }
0x2c: {  	s7 =	sld [smem:$0x3FA6]  }
0x2d: {  	s3 =	simm.s32 $0x108;
	s8 =	sld [smem:$0x3FA7]  }
0x2e: {  	s3 =	simm.s32 @!p0 $0x1082;
	s9 =	sld [smem:$0x3FA8]  }
0x2f: {  	lr =	sadd.s32 s0, s3;
	s0 =	sld [smem:$0x3F9F]  }
0x30: {  	s3 =	sld [smem:$0x3FA2]  }
0x31: {  	[smem:$0x3FAB] =	sst s10  }
0x32: {  	s10 =	sld [smem:$0x3FA9];
	_ =	sdelay $0x3  }
0x33: {  	p0 =	seq.s32 s10, $0x1;
	s10 =	sld [smem:$0x3FAB];
	_ =	sdelay $0x3  }
0x34: {  	[smem:$0x3FAB] =	sst s10  }
0x35: {  	s10 =	sld [smem:$0x3FAA];
	_ =	sdelay $0x3  }
0x36: {  	p1 =	seq.s32 s10, $0x1;
	s10 =	sld [smem:$0x3FAB];
	_ =	sdelay $0x3  }
0x37: {  	[smem:$0x3FAB] =	sst s10  }
0x38: {  	s10 =	sld [smem:$0x3FAC]  }
0x39: {  	_ = 	snop;
	(pc) =	sbr.ind lr, $3  }
0x3a: {  	_ = 	snop  }
0x3b: {  	_ = 	snop  }
0x3c: {  	p2 =	seq.s32 s10, $0x1;
	s10 =	sld [smem:$0x3FAB]  }
0x3d: {  	_ =	shalt  }
0x3e: {  	_ =	shalt  }
0x3f: {  	_ =	shalt  }
0x40: {  	_ =	shalt  }
0x41: {  	_ =	shalt  }
0x42: {  	_ =	shalt  }
0x43: {  	_ =	shalt  }
0x44: {  	_ =	shalt  }
0x45: {  	_ =	shalt  }
0x46: {  	_ =	shalt  }
0x47: {  	_ =	shalt  }
0x48: {  	_ =	shalt  }
0x49: {  	_ =	shalt  }
0x4a: {  	_ =	shalt  }
0x4b: {  	_ =	shalt  }
0x4c: {  	_ =	shalt  }
0x4d: {  	_ =	shalt  }
0x4e: {  	_ =	shalt  }
0x4f: {  	_ =	shalt  }
0x50: {  	_ =	shalt  }
0x51: {  	_ =	shalt  }
0x52: {  	_ =	shalt  }
0x53: {  	_ =	shalt  }
0x54: {  	_ =	shalt  }
0x55: {  	_ =	shalt  }
0x56: {  	_ =	shalt  }
0x57: {  	_ =	shalt  }
0x58: {  	_ =	shalt  }
0x59: {  	_ =	shalt  }
0x5a: {  	_ =	shalt  }
0x5b: {  	_ =	shalt  }
0x5c: {  	_ =	shalt  }
0x5d: {  	_ =	shalt  }
0x5e: {  	_ =	shalt  }
0x5f: {  	_ =	shalt  }
0x60: {  	_ =	shalt  }
0x61: {  	_ =	shalt  }
0x62: {  	_ =	shalt  }
0x63: {  	_ =	shalt  }
0x64: {  	_ =	shalt  }
0x65: {  	_ =	shalt  }
0x66: {  	_ =	shalt  }
0x67: {  	_ =	shalt  }
0x68: {  	_ =	shalt  }
0x69: {  	_ =	shalt  }
0x6a: {  	_ =	shalt  }
0x6b: {  	_ =	shalt  }
0x6c: {  	_ =	shalt  }
0x6d: {  	_ =	shalt  }
0x6e: {  	_ =	shalt  }
0x6f: {  	_ =	shalt  }
0x70: {  	_ =	shalt  }
0x71: {  	_ =	shalt  }
0x72: {  	_ =	shalt  }
0x73: {  	_ =	shalt  }
0x74: {  	_ =	shalt  }
0x75: {  	_ =	shalt  }
0x76: {  	_ =	shalt  }
0x77: {  	_ =	shalt  }
0x78: {  	_ =	shalt  }
0x79: {  	_ =	shalt  }
0x7a: {  	_ =	shalt  }
0x7b: {  	_ =	shalt  }
0x7c: {  	_ =	shalt  }
0x7d: {  	_ =	shalt  }
0x7e: {  	_ =	shalt  }
0x7f: {  	_ =	shalt  }
0x80: {  	_ =	shalt  }
0x81: {  	_ =	shalt  }
0x82: {  	_ =	shalt  }
0x83: {  	_ =	shalt  }
0x84: {  	_ =	shalt  }
0x85: {  	_ =	shalt  }
0x86: {  	_ =	shalt  }
0x87: {  	_ =	shalt  }
.Lfunc_end0:
.L_simem_size_0:
called_computation_lowered:
.L_overlay_start_0:
0x88: {  	s2 =	sld [smem:$0x3FD9]  }
0x89: {  	s3 =	sld [smem:$0x3FFE];
	_ =	sdelay $0x1  }
0x8a: {  	s1 =	srdreg.scid  }
0x8b: {  	s0 =	sand.u32 $0x1, s1  }
0x8c: {  	s17 =	sshll.u32 s0, $0xA;
	s2 =	sadd.s32 s3, s2  }
0x8d: {  	s2 =	sadd.s32 s2, s17  }
0x8e: {  	[smem:$0x3FB7] =	sst s2  }
0x8f: {  	_ = 	snop  }
0x90: {  	s2 =	sld [smem:$0x3FC3]  }
0x91: {  	s18 =	sld [smem:$0x3FD0];
	(tm) =	ssettm $0x1  }
0x92: {  	s4 =	sld [smem:$0x3FFB];
	_ =	sdelay $0x3  }
0x93: {  	_ =	strace s4  }
0x94: {  	s4 =	sld [smem:$0x3FFC];
	_ =	sdelay $0x3  }
0x95: {  	_ =	strace s4  }
0x96: {  	s4 =	sld [smem:$0x3FFD];
	_ =	sdelay $0x3  }
0x97: {  	_ =	strace s4  }
0x98: {  	_ =	strace $0x8FFFFFFF  }
0x99: {  	s19 =	sld [smem:$0x3FDB];
	_ =	sdelay $0x1  }
0x9a: {  	s5 =	simm.s32 $_scs_section_size  }
0x9b: {  	s6 =	simm.s32 $_size__tile_overlayer_lowered;
	s7 =	simm.s32 $_tile_overlayer_lowered  }
0x9c: {  	s22 =	simm.s32 $0x1BFF;
	s21 =	sshll.u32 s7, $0x1;
	s4 =	sadd.s32 s5, s19  }
0x9d: {  	s8 =	simm.s32 $0x0;
	s20 =	sshll.u32 s6, $0x1;
	s6 =	sadd.s32 s21, s4  }
0x9e: {  	[timem:s8], [sflag:s22] =	dma.local [hbm:s6], s20  }
0x9f: {  	_ =	swait.ge [sflag:s22], s20  }
0xa0: {  	s5 =	ssub.s32 $0x0, s20;
	[sflag:s22] =	ssyncset.done $0x0  }
0xa1: {  	[sflag:s22] =	ssyncadd.s32 s5;
	_ =	sdelay $0x1  }
0xa2: {  	s23 =	simm.s32 $0x1B8B  }
0xa3: {  	_ =	swait.ge [sflag:s23], $0x1  }
0xa4: {  	[sflag:s23] =	ssyncset.done $0x0  }
0xa5: {  	s25 =	simm.s32 $0x1B8E;
	s24 =	sld [smem:$0x3FFE];
	[sflag:s23] =	ssyncadd.s32 $0xFFFFFFFF  }
0xa6: {  	s26 =	simm.s32 $execute0_lowered;
	[smem:$0x3FD2] =	sst s25  }
0xa7: {  	s6 =	sshll.u32 s26, $0x1;
	_ =	strace $0x80000046;
	[dreg:$0x1] =	wrdreg $0xFFFFFFFF  }
0xa8: {  	s28 =	simm.s32 $_size_execute0_lowered;
	s4 =	sadd.s32 s4, s6;
	[dreg:$0x0] =	wrdreg $0x0  }
0xa9: {  	s6 =	sshll.u32 s28, $0x1;
	[dreg:$0x2] =	wrdreg s4  }
0xaa: {  	[dreg:$0x3] =	wrdreg s6  }
0xab: {  	[dreg:$0x4] =	wrdreg $0xC0  }
0xac: {  	_ =	task [dreg:s8], $0x5FFFF  }
0xad: {  	[dreg:$0x1] =	wrdreg $0xFFFFFFFF  }
0xae: {  	[dreg:$0x0] =	wrdreg $0x60  }
0xaf: {  	[dreg:$0x2] =	wrdreg s24  }
0xb0: {  	[dreg:$0x3] =	wrdreg s2  }
0xb1: {  	[dreg:$0x4] =	wrdreg s18  }
0xb2: {  	[dreg:$0x5] =	wrdreg $0x9  }
0xb3: {  	_ =	task.clear_ibuf [dreg:s8], $0x6FFFF;
	_ =	strace $0x90000046  }
0xb4: {  	s29 =	simm.s32 $0x9;
	_ =	strace $0x80000048  }
0xb5: {  	_ =	swait.ge [sflag:s29], $0x1  }
0xb6: {  	[sflag:s29] =	ssyncadd.s32 $0xFFFFFFFF  }
0xb7: {  	_ =	strace $0x90000048  }
0xb8: {  	_ =	sfence  }
0xb9: {  	s30 =	sld [smem:$0x0];
	_ =	sdelay $0x2  }
0xba: {  	s31 =	sshll.u32 s1, $0xD;
	s1 =	sshrl.u32 s1, $0x2  }
0xbb: {  	s3 =	sand.u32 $0x4000, s31;
	s1 =	sadd.s32 s1, s30  }
0xbc: {  	s0 =	sor.u32 s3, s0;
	s1 =	sshll.u32 s1, $0x11  }
0xbd: {  	s0 =	sor.u32 s1, s0  }
0xbe: {  	s0 =	sadd.s32 $0x8F2B, s0  }
0xbf: {  	[sflag:s0] =	ssyncadd.remote.s32 $0x1  }
0xc0: {  	_ =	sfence.sel $0xFFFF  }
0xc1: {  	[dreg:$0x0] =	wrdreg $0xFFFFFFFF;
	(pc) =	sbr.abs _section_cstart, $3  }
0xc2: {  	[dreg:$0x1] =	wrdreg $0xFFFFFFFF  }
0xc3: {  	_ =	task.clear_ibuf [dreg:s8], $0x2FFFF;
	_ =	strace $0x9FFFFFFF  }
0xc4: {  	(tm) =	ssettm $0x7FFFFFFF  }
0xc5: {  	_ =	shalt  }
tec
execute0_lowered:
.L_overlay_start_1:
0x0: {  	(tag) =	ssettag $0x1  }
0x1: {  	s0 =	srdreg.scid  }
0x2: {  	s2 =	stileid.u32;
	s1 =	rddreg [dreg:$0x0]  }
0x3: {  	s8 =	rddreg [dreg:$0x2];
	s13 =	simm.s32 $0x5;
	s15 =	simm.s32 $0x80  }
0x4: {  	s16 =	simm.s32 $0xA00;
	s17 =	simm.s32 $0x4A00;
	s18 =	simm.s32 $0x40  }
0x5: {  	s20 =	simm.s32 $0x8A00;
	s30 =	simm.s32 $0x17A00;
	s31 =	simm.s32 $0x1  }
0x6: {  	s14 =	simm.s32 $0x380;
	s19 =	simm.s32 $0x14A00;
	s21 =	simm.s32 $0x2  }
0x7: {  	s22 =	simm.s32 $0x15A00;
	s23 =	simm.s32 $0x16A00;
	s24 =	simm.s32 $0x4  }
0x8: {  	s25 =	simm.s32 $0x3;
	s0 =	sand.u32 $0x1, s0;
	s3 =	sshll.u32 s2, $0x1  }
0x9: {  	s26 =	simm.s32 $0x0;
	s2 =	rddreg [dreg:$0x1];
	s5 =	sor.u32 s0, s3  }
0xa: {  	s3 =	simm.s32 $0x0;
	s0 =	ssub.s32 $0x2, s0;
	s4 =	smul.u32 $0x7C, s5  }
0xb: {  	s6 =	smul.u32 $0xC0, s5;
	[smem:$0x7FF] =	sst s3;
	s10 =	sshll.u32 s5, $0x9  }
0xc: {  	s5 =	sadd.s32 $0x4800, s1;
	s29 =	sshrl.u32 s0, $0x1;
	_ =	strace $0x80000047  }
0xd: {  	s0 =	ssub.s32 s0, s29;
	s8 =	sadd.s32 s8, s10;
	s7 =	sadd.s32 s4, s1  }
0xe: {  	s9 =	sadd.s32 s6, s1;
	s4 =	sadd.s32 $0x52A00, s1;
	s1 =	sadd.s32 s10, s1  }
0xf: {  	s12 =	smax.u32 s0, $0x1;
	s6 =	sadd.s32 $0x2000, s7;
	s7 =	sadd.s32 $0x3000, s9  }
0x10: {  	s9 =	sadd.s32 $0x5A800, s1;
	s10 =	sadd.s32 $0x5E800, s1;
	s11 =	sadd.s32 $0x62800, s1  }
.LBB2_1:
0x11: {  	[tilespmem:s3], [sflag:$0x5] =	stream.linear.gather [hbm4b:s6+s3], $0x3E0, $0x38;
	[tilespmem:$0x18A00] =	vst v63  }
0x12: {  	_ =	swait.ge [sflag:s13], $0x3E0  }
0x13: {  	[sflag:s13] =	ssyncset.done $0x0  }
0x14: {  	s0 =	simm.s32 $0x400;
	[sflag:s13] =	ssyncadd.s32 $0xFFFFFC20  }
0x15: {  	[tilespmem:s0], [sflag:$0x5] =	stream.linear.gather [hbm4b:s7+s3], $0x600, $0x38;
	[tilespmem:$0x18A00] =	vst v63  }
0x16: {  	_ =	swait.ge [sflag:s13], $0x600  }
0x17: {  	[sflag:s13] =	ssyncset.done $0x0  }
0x18: {  	[sflag:s13] =	ssyncadd.s32 $0xFFFFFA00  }
0x19: {  	[tilespmem:s16], [sflag:$0x1] =	stream.indirect.gather [hbm4b:s4+s15], $0x80, s3, s15, $0xb8;
	[tilespmem:$0x18A00] =	vst v63  }
0x1a: {  	_ = 	snop  }
0x1b: {  	[tilespmem:s17], [sflag:$0x1] =	stream.indirect.gather [hbm4b:s4+s15], $0x80, s15, s15, $0xb8;
	[tilespmem:$0x18A00] =	vst v63  }
0x1c: {  	s1 =	simm.s32 $0x100  }
0x1d: {  	[tilespmem:s20], [sflag:$0x1] =	stream.indirect.gather [hbm4b:s4+s18], $0x80, s1, s18, $0xb8;
	[tilespmem:$0x18A00] =	vst v63  }
0x1e: {  	s0 =	simm.s32 $0x140;
	s1 =	simm.s32 $0xAA00  }
0x1f: {  	[tilespmem:s1], [sflag:$0x2] =	stream.indirect.gather [hbm4b:s5+s15], $0x80, s0, s15, $0xb8;
	[tilespmem:$0x18A00] =	vst v63  }
0x20: {  	s0 =	simm.s32 $0x1C0;
	s1 =	simm.s32 $0xEA00  }
0x21: {  	[tilespmem:s1], [sflag:$0x2] =	stream.indirect.gather [hbm4b:s5+s15], $0x80, s0, s15, $0xb8;
	[tilespmem:$0x18A00] =	vst v63  }
0x22: {  	s0 =	simm.s32 $0x240;
	s1 =	simm.s32 $0x12A00  }
0x23: {  	[tilespmem:s1], [sflag:$0x2] =	stream.indirect.gather [hbm4b:s5+s18], $0x80, s0, s18, $0xb8;
	[tilespmem:$0x18A00] =	vst v63  }
0x24: {  	s0 =	simm.s32 $0x20;
	s1 =	simm.s32 $0x3C0  }
0x25: {  	[tilespmem:s30], [sflag:$0x4] =	stream.indirect.gather [hbm4b:s5+s0], $0x80, s1, s0, $0xb8;
	[tilespmem:$0x18A00] =	vst v63  }
0x26: {  	_ =	swait.ge [sflag:s31], $0xA000  }
0x27: {  	s28 =	simm.s32 $0x14A40;
	[sflag:s31] =	ssyncset.done $0x0  }
0x28: {  	s29 =	simm.s32 $0xC80;
	s1 =	simm.s32 $0x0;
	[sflag:s31] =	ssyncadd.s32 $0xFFFF6000  }
.LBB2_2:
0x29: {  	s0 =	sshra.s32 s1, $0x2  }
0x2a: {  	v9 =	vld [tilespmem:s0+$0x400]  }
0x2b: {  	v1 =	vld [tilespmem:s29+$0xFFFFFD80]  }
0x2c: {  	v5 =	vld [tilespmem:s29+$0xFFFFFE80]  }
0x2d: {  	v6 =	vld [tilespmem:s29+$0xFFFFFF00]  }
0x2e: {  	v3 =	vld [tilespmem:s29+$0xFFFFFE00]  }
0x2f: {  	v7 =	vld [tilespmem:s29+$0xFFFFFF80];
	v0 =	vbroadcast v9, $0x0  }
0x30: {  	v10 =	vld [tilespmem:s29+$0x0];
	v4 =	vbroadcast v9, $0x2;
	v2 =	vbroadcast v9, $0x3  }
0x31: {  	v11 =	vld [tilespmem:s29+$0x80];
	v8 =	vmul.f32 v0, v1;
	v1 =	vbroadcast v9, $0x1  }
0x32: {  	v13 =	vld [tilespmem:s29+$0x100];
	v14 =	vmul.f32 v5, v4;
	v15 =	vmul.f32 v6, v2  }
0x33: {  	v12 =	vmul.f32 v3, v1;
	v3 =	vbroadcast v9, $0x4  }
0x34: {  	v17 =	vld [tilespmem:s29+$0x180];
	v5 =	vbroadcast v9, $0x5;
	v6 =	vbroadcast v9, $0x7  }
0x35: {  	v50 =	vld [tilespmem:s29+$0x200];
	v8 =	vadd.f32 v14, v8;
	v16 =	vmul.f32 v7, v3;
	v7 =	vbroadcast v9, $0x6  }
0x36: {  	v10 =	vmul.f32 v10, v5;
	v12 =	vadd.f32 v15, v12  }
0x37: {  	v13 =	vmul.f32 v13, v6;
	v51 =	vadd.f32 v16, v8;
	v11 =	vmul.f32 v11, v7  }
0x38: {  	v10 =	vadd.f32 v10, v12;
	v8 =	vbroadcast v9, $0x8;
	v9 =	vbroadcast v9, $0x9  }
0x39: {  	v11 =	vadd.f32 v11, v51  }
0x3a: {  	v10 =	vadd.f32 v13, v10;
	v52 =	vmul.f32 v17, v8;
	v53 =	vmul.f32 v50, v9;
	_ =	sdelay $0x1  }
0x3b: {  	v11 =	vadd.f32 v52, v11;
	v10 =	vadd.f32 v53, v10;
	_ =	sdelay $0x1  }
0x3c: {  	v10 =	vadd.f32 v10, v11;
	_ =	sdelay $0x1  }
0x3d: {  	[tilespmem:s28+$0xFFFFFFC0] =	vst v10  }
0x3e: {  	v10 =	vld [tilespmem:s29+$0xFFFFFD90]  }
0x3f: {  	v54 =	vld [tilespmem:s29+$0xFFFFFE10]  }
0x40: {  	v55 =	vld [tilespmem:s29+$0xFFFFFE90]  }
0x41: {  	v56 =	vld [tilespmem:s29+$0xFFFFFF10]  }
0x42: {  	v57 =	vld [tilespmem:s29+$0xFFFFFF90]  }
0x43: {  	v58 =	vld [tilespmem:s29+$0x10]  }
0x44: {  	v59 =	vld [tilespmem:s29+$0x90]  }
0x45: {  	v60 =	vld [tilespmem:s29+$0x110];
	v10 =	vmul.f32 v10, v0;
	v12 =	vmul.f32 v55, v4  }
0x46: {  	v18 =	vld [tilespmem:s29+$0x190];
	v11 =	vmul.f32 v54, v1;
	v13 =	vmul.f32 v56, v2  }
0x47: {  	v62 =	vld [tilespmem:s29+$0x210];
	v61 =	vmul.f32 v57, v3  }
0x48: {  	v63 =	vmul.f32 v58, v5;
	v10 =	vadd.f32 v12, v10;
	v11 =	vadd.f32 v13, v11  }
0x49: {  	v19 =	vmul.f32 v59, v7  }
0x4a: {  	v20 =	vmul.f32 v60, v6;
	v10 =	vadd.f32 v61, v10;
	v11 =	vadd.f32 v63, v11  }
0x4b: {  	v21 =	vmul.f32 v18, v8  }
0x4c: {  	v22 =	vmul.f32 v62, v9;
	v10 =	vadd.f32 v19, v10;
	v11 =	vadd.f32 v20, v11;
	_ =	sdelay $0x1  }
0x4d: {  	v10 =	vadd.f32 v21, v10;
	v11 =	vadd.f32 v22, v11;
	_ =	sdelay $0x1  }
0x4e: {  	v10 =	vadd.f32 v11, v10;
	_ =	sdelay $0x1  }
0x4f: {  	[tilespmem:s28+$0xFFFFFFD0] =	vst v10  }
0x50: {  	v10 =	vld [tilespmem:s29+$0xFFFFFDA0]  }
0x51: {  	v23 =	vld [tilespmem:s29+$0xFFFFFE20]  }
0x52: {  	v24 =	vld [tilespmem:s29+$0xFFFFFEA0]  }
0x53: {  	v25 =	vld [tilespmem:s29+$0xFFFFFF20]  }
0x54: {  	v26 =	vld [tilespmem:s29+$0xFFFFFFA0]  }
0x55: {  	v27 =	vld [tilespmem:s29+$0x20]  }
0x56: {  	v28 =	vld [tilespmem:s29+$0xA0]  }
0x57: {  	v29 =	vld [tilespmem:s29+$0x120];
	v10 =	vmul.f32 v10, v0;
	v12 =	vmul.f32 v24, v4  }
0x58: {  	v30 =	vld [tilespmem:s29+$0x1A0];
	v11 =	vmul.f32 v23, v1;
	v13 =	vmul.f32 v25, v2  }
0x59: {  	v32 =	vld [tilespmem:s29+$0x220];
	v31 =	vmul.f32 v26, v3  }
0x5a: {  	v33 =	vmul.f32 v27, v5;
	v10 =	vadd.f32 v12, v10;
	v11 =	vadd.f32 v13, v11  }
0x5b: {  	v34 =	vmul.f32 v28, v7  }
0x5c: {  	v35 =	vmul.f32 v29, v6;
	v10 =	vadd.f32 v31, v10;
	v11 =	vadd.f32 v33, v11  }
0x5d: {  	v36 =	vmul.f32 v30, v8  }
0x5e: {  	v37 =	vmul.f32 v32, v9;
	v10 =	vadd.f32 v34, v10;
	v11 =	vadd.f32 v35, v11;
	_ =	sdelay $0x1  }
0x5f: {  	v10 =	vadd.f32 v36, v10;
	v11 =	vadd.f32 v37, v11;
	_ =	sdelay $0x1  }
0x60: {  	v10 =	vadd.f32 v11, v10;
	_ =	sdelay $0x1  }
0x61: {  	[tilespmem:s28+$0xFFFFFFE0] =	vst v10  }
0x62: {  	v10 =	vld [tilespmem:s29+$0xFFFFFDB0]  }
0x63: {  	v38 =	vld [tilespmem:s29+$0xFFFFFE30]  }
0x64: {  	v39 =	vld [tilespmem:s29+$0xFFFFFEB0]  }
0x65: {  	v40 =	vld [tilespmem:s29+$0xFFFFFF30]  }
0x66: {  	v41 =	vld [tilespmem:s29+$0xFFFFFFB0]  }
0x67: {  	v42 =	vld [tilespmem:s29+$0x30]  }
0x68: {  	v43 =	vld [tilespmem:s29+$0xB0]  }
0x69: {  	v44 =	vld [tilespmem:s29+$0x130];
	v10 =	vmul.f32 v10, v0;
	v12 =	vmul.f32 v39, v4  }
0x6a: {  	v45 =	vld [tilespmem:s29+$0x1B0];
	v11 =	vmul.f32 v38, v1;
	v13 =	vmul.f32 v40, v2  }
0x6b: {  	v47 =	vld [tilespmem:s29+$0x230];
	v46 =	vmul.f32 v41, v3  }
0x6c: {  	v48 =	vmul.f32 v42, v5;
	v10 =	vadd.f32 v12, v10;
	v11 =	vadd.f32 v13, v11  }
0x6d: {  	v49 =	vmul.f32 v43, v7  }
0x6e: {  	v50 =	vmul.f32 v44, v6;
	v10 =	vadd.f32 v46, v10;
	v11 =	vadd.f32 v48, v11  }
0x6f: {  	v51 =	vmul.f32 v45, v8  }
0x70: {  	v52 =	vmul.f32 v47, v9;
	v10 =	vadd.f32 v49, v10;
	v11 =	vadd.f32 v50, v11;
	_ =	sdelay $0x1  }
0x71: {  	v10 =	vadd.f32 v51, v10;
	v11 =	vadd.f32 v52, v11;
	_ =	sdelay $0x1  }
0x72: {  	v10 =	vadd.f32 v11, v10;
	_ =	sdelay $0x1  }
0x73: {  	[tilespmem:s28+$0xFFFFFFF0] =	vst v10  }
0x74: {  	v10 =	vld [tilespmem:s29+$0xFFFFFDC0]  }
0x75: {  	v53 =	vld [tilespmem:s29+$0xFFFFFE40]  }
0x76: {  	v54 =	vld [tilespmem:s29+$0xFFFFFEC0]  }
0x77: {  	v55 =	vld [tilespmem:s29+$0xFFFFFF40]  }
0x78: {  	v56 =	vld [tilespmem:s29+$0xFFFFFFC0]  }
0x79: {  	v57 =	vld [tilespmem:s29+$0x40]  }
0x7a: {  	v58 =	vld [tilespmem:s29+$0xC0]  }
0x7b: {  	v59 =	vld [tilespmem:s29+$0x140];
	v10 =	vmul.f32 v10, v0;
	v12 =	vmul.f32 v54, v4  }
0x7c: {  	v60 =	vld [tilespmem:s29+$0x1C0];
	v11 =	vmul.f32 v53, v1;
	v13 =	vmul.f32 v55, v2  }
0x7d: {  	v62 =	vld [tilespmem:s29+$0x240];
	v61 =	vmul.f32 v56, v3  }
0x7e: {  	v63 =	vmul.f32 v57, v5;
	v10 =	vadd.f32 v12, v10;
	v11 =	vadd.f32 v13, v11  }
0x7f: {  	v16 =	vmul.f32 v58, v7  }
0x80: {  	v17 =	vmul.f32 v59, v6;
	v10 =	vadd.f32 v61, v10;
	v11 =	vadd.f32 v63, v11  }
0x81: {  	v18 =	vmul.f32 v60, v8  }
0x82: {  	v19 =	vmul.f32 v62, v9;
	v10 =	vadd.f32 v16, v10;
	v11 =	vadd.f32 v17, v11;
	_ =	sdelay $0x1  }
0x83: {  	v10 =	vadd.f32 v18, v10;
	v11 =	vadd.f32 v19, v11;
	_ =	sdelay $0x1  }
0x84: {  	v10 =	vadd.f32 v11, v10;
	_ =	sdelay $0x1  }
0x85: {  	[tilespmem:s28+$0x0] =	vst v10  }
0x86: {  	v10 =	vld [tilespmem:s29+$0xFFFFFDD0]  }
0x87: {  	v20 =	vld [tilespmem:s29+$0xFFFFFE50]  }
0x88: {  	v21 =	vld [tilespmem:s29+$0xFFFFFED0]  }
0x89: {  	v22 =	vld [tilespmem:s29+$0xFFFFFF50]  }
0x8a: {  	v23 =	vld [tilespmem:s29+$0xFFFFFFD0]  }
0x8b: {  	v24 =	vld [tilespmem:s29+$0x50]  }
0x8c: {  	v25 =	vld [tilespmem:s29+$0xD0]  }
0x8d: {  	v26 =	vld [tilespmem:s29+$0x150];
	v10 =	vmul.f32 v10, v0;
	v12 =	vmul.f32 v21, v4  }
0x8e: {  	v27 =	vld [tilespmem:s29+$0x1D0];
	v11 =	vmul.f32 v20, v1;
	v13 =	vmul.f32 v22, v2  }
0x8f: {  	v29 =	vld [tilespmem:s29+$0x250];
	v28 =	vmul.f32 v23, v3  }
0x90: {  	v30 =	vmul.f32 v24, v5;
	v10 =	vadd.f32 v12, v10;
	v11 =	vadd.f32 v13, v11  }
0x91: {  	v31 =	vmul.f32 v25, v7  }
0x92: {  	v32 =	vmul.f32 v26, v6;
	v10 =	vadd.f32 v28, v10;
	v11 =	vadd.f32 v30, v11  }
0x93: {  	v33 =	vmul.f32 v27, v8  }
0x94: {  	v34 =	vmul.f32 v29, v9;
	v10 =	vadd.f32 v31, v10;
	v11 =	vadd.f32 v32, v11;
	_ =	sdelay $0x1  }
0x95: {  	v10 =	vadd.f32 v33, v10;
	v11 =	vadd.f32 v34, v11;
	_ =	sdelay $0x1  }
0x96: {  	v10 =	vadd.f32 v11, v10;
	_ =	sdelay $0x1  }
0x97: {  	[tilespmem:s28+$0x10] =	vst v10  }
0x98: {  	v10 =	vld [tilespmem:s29+$0xFFFFFDE0]  }
0x99: {  	v35 =	vld [tilespmem:s29+$0xFFFFFE60]  }
0x9a: {  	v36 =	vld [tilespmem:s29+$0xFFFFFEE0]  }
0x9b: {  	v37 =	vld [tilespmem:s29+$0xFFFFFF60]  }
0x9c: {  	v38 =	vld [tilespmem:s29+$0xFFFFFFE0]  }
0x9d: {  	v39 =	vld [tilespmem:s29+$0x60]  }
0x9e: {  	v40 =	vld [tilespmem:s29+$0xE0]  }
0x9f: {  	v41 =	vld [tilespmem:s29+$0x160];
	v10 =	vmul.f32 v10, v0;
	v12 =	vmul.f32 v36, v4  }
0xa0: {  	v42 =	vld [tilespmem:s29+$0x1E0];
	v11 =	vmul.f32 v35, v1;
	v13 =	vmul.f32 v37, v2  }
0xa1: {  	v44 =	vld [tilespmem:s29+$0x260];
	v43 =	vmul.f32 v38, v3  }
0xa2: {  	v45 =	vmul.f32 v39, v5;
	v10 =	vadd.f32 v12, v10;
	v11 =	vadd.f32 v13, v11  }
0xa3: {  	v46 =	vmul.f32 v40, v7  }
0xa4: {  	v47 =	vmul.f32 v41, v6;
	v10 =	vadd.f32 v43, v10;
	v11 =	vadd.f32 v45, v11  }
0xa5: {  	v48 =	vmul.f32 v42, v8  }
0xa6: {  	v49 =	vmul.f32 v44, v9;
	v10 =	vadd.f32 v46, v10;
	v11 =	vadd.f32 v47, v11;
	_ =	sdelay $0x1  }
0xa7: {  	v10 =	vadd.f32 v48, v10;
	v11 =	vadd.f32 v49, v11;
	_ =	sdelay $0x1  }
0xa8: {  	v10 =	vadd.f32 v11, v10;
	_ =	sdelay $0x1  }
0xa9: {  	[tilespmem:s28+$0x20] =	vst v10  }
0xaa: {  	v10 =	vld [tilespmem:s29+$0xFFFFFDF0]  }
0xab: {  	v50 =	vld [tilespmem:s29+$0xFFFFFE70]  }
0xac: {  	v51 =	vld [tilespmem:s29+$0xFFFFFEF0]  }
0xad: {  	v52 =	vld [tilespmem:s29+$0xFFFFFF70]  }
0xae: {  	v53 =	vld [tilespmem:s29+$0xFFFFFFF0]  }
0xaf: {  	v54 =	vld [tilespmem:s29+$0x70]  }
0xb0: {  	v55 =	vld [tilespmem:s29+$0xF0]  }
0xb1: {  	v56 =	vld [tilespmem:s29+$0x170];
	v0 =	vmul.f32 v10, v0;
	v4 =	vmul.f32 v51, v4  }
0xb2: {  	v57 =	vld [tilespmem:s29+$0x1F0];
	v1 =	vmul.f32 v50, v1;
	v2 =	vmul.f32 v52, v2  }
0xb3: {  	v58 =	vld [tilespmem:s29+$0x270];
	v3 =	vmul.f32 v53, v3  }
0xb4: {  	v59 =	vmul.f32 v54, v5;
	v0 =	vadd.f32 v4, v0;
	v1 =	vadd.f32 v2, v1  }
0xb5: {  	v60 =	vmul.f32 v55, v7  }
0xb6: {  	v61 =	vmul.f32 v56, v6;
	v0 =	vadd.f32 v3, v0;
	v1 =	vadd.f32 v59, v1  }
0xb7: {  	v62 =	vmul.f32 v57, v8  }
0xb8: {  	v63 =	vmul.f32 v58, v9;
	v0 =	vadd.f32 v60, v0;
	v1 =	vadd.f32 v61, v1  }
0xb9: {  	p0 =	sne.s32 s1, $0x7C0  }
.Ltmp0:
0xba: {  	v0 =	vadd.f32 v62, v0;
	v1 =	vadd.f32 v63, v1;
	(pc) =	sbr.rel @p0 .LBB2_2-.Ltmp0, $3  }
0xbb: {  	_ = 	snop  }
0xbc: {  	v0 =	vadd.f32 v1, v0;
	_ =	sdelay $0x1  }
0xbd: {  	s1 =	sadd.s32 $0x40, s1;
	s29 =	sadd.s32 $0x500, s29;
	[tilespmem:s28+$0x30] =	vst v0;
	s28 =	sadd.s32 $0x80, s28  }
0xbe: {  	s0 =	simm.s32 $0x280  }
0xbf: {  	[tilespmem:s16], [sflag:$0x1] =	stream.indirect.gather [hbm4b:s2+s15], $0x80, s0, s15, $0xb8;
	[tilespmem:$0x18A00] =	vst v63  }
0xc0: {  	s1 =	simm.s32 $0x300  }
0xc1: {  	[tilespmem:s17], [sflag:$0x1] =	stream.indirect.gather [hbm4b:s2+s15], $0x80, s1, s15, $0xb8;
	[tilespmem:$0x18A00] =	vst v63  }
0xc2: {  	_ = 	snop  }
0xc3: {  	[tilespmem:s20], [sflag:$0x1] =	stream.indirect.gather [hbm4b:s2+s18], $0x80, s14, s18, $0xb8;
	[tilespmem:$0x18A00] =	vst v63  }
0xc4: {  	s28 =	simm.s32 $0x0  }
0xc5: {  	[hbm4b:s8+s28] =	stream.linear.scatter [tilespmem:s19], [sflag:$0x3], $0x1000, $0x38;
	[tilespmem:$0x18A00] =	vst v63  }
0xc6: {  	_ =	swait.ge [sflag:s21], $0xA000  }
0xc7: {  	[sflag:s21] =	ssyncset.done $0x0  }
0xc8: {  	s29 =	simm.s32 $0x15A40;
	s1 =	simm.s32 $0xAC80;
	[sflag:s21] =	ssyncadd.s32 $0xFFFF6000  }
.LBB2_4:
0xc9: {  	s0 =	sand.u32 $0x1F0, s28  }
0xca: {  	v9 =	vld [tilespmem:s0+$0x600]  }
0xcb: {  	v1 =	vld [tilespmem:s1+$0xFFFFFD80]  }
0xcc: {  	v5 =	vld [tilespmem:s1+$0xFFFFFE80]  }
0xcd: {  	v6 =	vld [tilespmem:s1+$0xFFFFFF00]  }
0xce: {  	v3 =	vld [tilespmem:s1+$0xFFFFFE00]  }
0xcf: {  	v7 =	vld [tilespmem:s1+$0xFFFFFF80];
	v0 =	vbroadcast v9, $0x0  }
0xd0: {  	v10 =	vld [tilespmem:s1+$0x0];
	v4 =	vbroadcast v9, $0x2;
	v2 =	vbroadcast v9, $0x3  }
0xd1: {  	v11 =	vld [tilespmem:s1+$0x80];
	v8 =	vmul.f32 v0, v1;
	v1 =	vbroadcast v9, $0x1  }
0xd2: {  	v13 =	vld [tilespmem:s1+$0x100];
	v14 =	vmul.f32 v5, v4;
	v15 =	vmul.f32 v6, v2  }
0xd3: {  	v12 =	vmul.f32 v3, v1;
	v3 =	vbroadcast v9, $0x4  }
0xd4: {  	v17 =	vld [tilespmem:s1+$0x180];
	v5 =	vbroadcast v9, $0x5;
	v6 =	vbroadcast v9, $0x7  }
0xd5: {  	v50 =	vld [tilespmem:s1+$0x200];
	v8 =	vadd.f32 v14, v8;
	v16 =	vmul.f32 v7, v3;
	v7 =	vbroadcast v9, $0x6  }
0xd6: {  	v10 =	vmul.f32 v10, v5;
	v12 =	vadd.f32 v15, v12  }
0xd7: {  	v13 =	vmul.f32 v13, v6;
	v51 =	vadd.f32 v16, v8;
	v11 =	vmul.f32 v11, v7  }
0xd8: {  	v10 =	vadd.f32 v10, v12;
	v8 =	vbroadcast v9, $0x8;
	v9 =	vbroadcast v9, $0x9  }
0xd9: {  	v11 =	vadd.f32 v11, v51  }
0xda: {  	v10 =	vadd.f32 v13, v10;
	v52 =	vmul.f32 v17, v8;
	v53 =	vmul.f32 v50, v9;
	_ =	sdelay $0x1  }
0xdb: {  	v11 =	vadd.f32 v52, v11;
	v10 =	vadd.f32 v53, v10;
	_ =	sdelay $0x1  }
0xdc: {  	v10 =	vadd.f32 v10, v11;
	_ =	sdelay $0x1  }
0xdd: {  	[tilespmem:s29+$0xFFFFFFC0] =	vst v10  }
0xde: {  	v10 =	vld [tilespmem:s1+$0xFFFFFD90]  }
0xdf: {  	v54 =	vld [tilespmem:s1+$0xFFFFFE10]  }
0xe0: {  	v55 =	vld [tilespmem:s1+$0xFFFFFE90]  }
0xe1: {  	v56 =	vld [tilespmem:s1+$0xFFFFFF10]  }
0xe2: {  	v57 =	vld [tilespmem:s1+$0xFFFFFF90]  }
0xe3: {  	v58 =	vld [tilespmem:s1+$0x10]  }
0xe4: {  	v59 =	vld [tilespmem:s1+$0x90]  }
0xe5: {  	v60 =	vld [tilespmem:s1+$0x110];
	v10 =	vmul.f32 v10, v0;
	v12 =	vmul.f32 v55, v4  }
0xe6: {  	v18 =	vld [tilespmem:s1+$0x190];
	v11 =	vmul.f32 v54, v1;
	v13 =	vmul.f32 v56, v2  }
0xe7: {  	v62 =	vld [tilespmem:s1+$0x210];
	v61 =	vmul.f32 v57, v3  }
0xe8: {  	v63 =	vmul.f32 v58, v5;
	v10 =	vadd.f32 v12, v10;
	v11 =	vadd.f32 v13, v11  }
0xe9: {  	v19 =	vmul.f32 v59, v7  }
0xea: {  	v20 =	vmul.f32 v60, v6;
	v10 =	vadd.f32 v61, v10;
	v11 =	vadd.f32 v63, v11  }
0xeb: {  	v21 =	vmul.f32 v18, v8  }
0xec: {  	v22 =	vmul.f32 v62, v9;
	v10 =	vadd.f32 v19, v10;
	v11 =	vadd.f32 v20, v11;
	_ =	sdelay $0x1  }
0xed: {  	v10 =	vadd.f32 v21, v10;
	v11 =	vadd.f32 v22, v11;
	_ =	sdelay $0x1  }
0xee: {  	v10 =	vadd.f32 v11, v10;
	_ =	sdelay $0x1  }
0xef: {  	[tilespmem:s29+$0xFFFFFFD0] =	vst v10  }
0xf0: {  	v10 =	vld [tilespmem:s1+$0xFFFFFDA0]  }
0xf1: {  	v23 =	vld [tilespmem:s1+$0xFFFFFE20]  }
0xf2: {  	v24 =	vld [tilespmem:s1+$0xFFFFFEA0]  }
0xf3: {  	v25 =	vld [tilespmem:s1+$0xFFFFFF20]  }
0xf4: {  	v26 =	vld [tilespmem:s1+$0xFFFFFFA0]  }
0xf5: {  	v27 =	vld [tilespmem:s1+$0x20]  }
0xf6: {  	v28 =	vld [tilespmem:s1+$0xA0]  }
0xf7: {  	v29 =	vld [tilespmem:s1+$0x120];
	v10 =	vmul.f32 v10, v0;
	v12 =	vmul.f32 v24, v4  }
0xf8: {  	v30 =	vld [tilespmem:s1+$0x1A0];
	v11 =	vmul.f32 v23, v1;
	v13 =	vmul.f32 v25, v2  }
0xf9: {  	v32 =	vld [tilespmem:s1+$0x220];
	v31 =	vmul.f32 v26, v3  }
0xfa: {  	v33 =	vmul.f32 v27, v5;
	v10 =	vadd.f32 v12, v10;
	v11 =	vadd.f32 v13, v11  }
0xfb: {  	v34 =	vmul.f32 v28, v7  }
0xfc: {  	v35 =	vmul.f32 v29, v6;
	v10 =	vadd.f32 v31, v10;
	v11 =	vadd.f32 v33, v11  }
0xfd: {  	v36 =	vmul.f32 v30, v8  }
0xfe: {  	v37 =	vmul.f32 v32, v9;
	v10 =	vadd.f32 v34, v10;
	v11 =	vadd.f32 v35, v11;
	_ =	sdelay $0x1  }
0xff: {  	v10 =	vadd.f32 v36, v10;
	v11 =	vadd.f32 v37, v11;
	_ =	sdelay $0x1  }
0x100: {  	v10 =	vadd.f32 v11, v10;
	_ =	sdelay $0x1  }
0x101: {  	[tilespmem:s29+$0xFFFFFFE0] =	vst v10  }
0x102: {  	v10 =	vld [tilespmem:s1+$0xFFFFFDB0]  }
0x103: {  	v38 =	vld [tilespmem:s1+$0xFFFFFE30]  }
0x104: {  	v39 =	vld [tilespmem:s1+$0xFFFFFEB0]  }
0x105: {  	v40 =	vld [tilespmem:s1+$0xFFFFFF30]  }
0x106: {  	v41 =	vld [tilespmem:s1+$0xFFFFFFB0]  }
0x107: {  	v42 =	vld [tilespmem:s1+$0x30]  }
0x108: {  	v43 =	vld [tilespmem:s1+$0xB0]  }
0x109: {  	v44 =	vld [tilespmem:s1+$0x130];
	v10 =	vmul.f32 v10, v0;
	v12 =	vmul.f32 v39, v4  }
0x10a: {  	v45 =	vld [tilespmem:s1+$0x1B0];
	v11 =	vmul.f32 v38, v1;
	v13 =	vmul.f32 v40, v2  }
0x10b: {  	v47 =	vld [tilespmem:s1+$0x230];
	v46 =	vmul.f32 v41, v3  }
0x10c: {  	v48 =	vmul.f32 v42, v5;
	v10 =	vadd.f32 v12, v10;
	v11 =	vadd.f32 v13, v11  }
0x10d: {  	v49 =	vmul.f32 v43, v7  }
0x10e: {  	v50 =	vmul.f32 v44, v6;
	v10 =	vadd.f32 v46, v10;
	v11 =	vadd.f32 v48, v11  }
0x10f: {  	v51 =	vmul.f32 v45, v8  }
0x110: {  	v52 =	vmul.f32 v47, v9;
	v10 =	vadd.f32 v49, v10;
	v11 =	vadd.f32 v50, v11;
	_ =	sdelay $0x1  }
0x111: {  	v10 =	vadd.f32 v51, v10;
	v11 =	vadd.f32 v52, v11;
	_ =	sdelay $0x1  }
0x112: {  	v10 =	vadd.f32 v11, v10;
	_ =	sdelay $0x1  }
0x113: {  	[tilespmem:s29+$0xFFFFFFF0] =	vst v10  }
0x114: {  	v10 =	vld [tilespmem:s1+$0xFFFFFDC0]  }
0x115: {  	v53 =	vld [tilespmem:s1+$0xFFFFFE40]  }
0x116: {  	v54 =	vld [tilespmem:s1+$0xFFFFFEC0]  }
0x117: {  	v55 =	vld [tilespmem:s1+$0xFFFFFF40]  }
0x118: {  	v56 =	vld [tilespmem:s1+$0xFFFFFFC0]  }
0x119: {  	v57 =	vld [tilespmem:s1+$0x40]  }
0x11a: {  	v58 =	vld [tilespmem:s1+$0xC0]  }
0x11b: {  	v59 =	vld [tilespmem:s1+$0x140];
	v10 =	vmul.f32 v10, v0;
	v12 =	vmul.f32 v54, v4  }
0x11c: {  	v60 =	vld [tilespmem:s1+$0x1C0];
	v11 =	vmul.f32 v53, v1;
	v13 =	vmul.f32 v55, v2  }
0x11d: {  	v62 =	vld [tilespmem:s1+$0x240];
	v61 =	vmul.f32 v56, v3  }
0x11e: {  	v63 =	vmul.f32 v57, v5;
	v10 =	vadd.f32 v12, v10;
	v11 =	vadd.f32 v13, v11  }
0x11f: {  	v16 =	vmul.f32 v58, v7  }
0x120: {  	v17 =	vmul.f32 v59, v6;
	v10 =	vadd.f32 v61, v10;
	v11 =	vadd.f32 v63, v11  }
0x121: {  	v18 =	vmul.f32 v60, v8  }
0x122: {  	v19 =	vmul.f32 v62, v9;
	v10 =	vadd.f32 v16, v10;
	v11 =	vadd.f32 v17, v11;
	_ =	sdelay $0x1  }
0x123: {  	v10 =	vadd.f32 v18, v10;
	v11 =	vadd.f32 v19, v11;
	_ =	sdelay $0x1  }
0x124: {  	v10 =	vadd.f32 v11, v10;
	_ =	sdelay $0x1  }
0x125: {  	[tilespmem:s29+$0x0] =	vst v10  }
0x126: {  	v10 =	vld [tilespmem:s1+$0xFFFFFDD0]  }
0x127: {  	v20 =	vld [tilespmem:s1+$0xFFFFFE50]  }
0x128: {  	v21 =	vld [tilespmem:s1+$0xFFFFFED0]  }
0x129: {  	v22 =	vld [tilespmem:s1+$0xFFFFFF50]  }
0x12a: {  	v23 =	vld [tilespmem:s1+$0xFFFFFFD0]  }
0x12b: {  	v24 =	vld [tilespmem:s1+$0x50]  }
0x12c: {  	v25 =	vld [tilespmem:s1+$0xD0]  }
0x12d: {  	v26 =	vld [tilespmem:s1+$0x150];
	v10 =	vmul.f32 v10, v0;
	v12 =	vmul.f32 v21, v4  }
0x12e: {  	v27 =	vld [tilespmem:s1+$0x1D0];
	v11 =	vmul.f32 v20, v1;
	v13 =	vmul.f32 v22, v2  }
0x12f: {  	v29 =	vld [tilespmem:s1+$0x250];
	v28 =	vmul.f32 v23, v3  }
0x130: {  	v30 =	vmul.f32 v24, v5;
	v10 =	vadd.f32 v12, v10;
	v11 =	vadd.f32 v13, v11  }
0x131: {  	v31 =	vmul.f32 v25, v7  }
0x132: {  	v32 =	vmul.f32 v26, v6;
	v10 =	vadd.f32 v28, v10;
	v11 =	vadd.f32 v30, v11  }
0x133: {  	v33 =	vmul.f32 v27, v8  }
0x134: {  	v34 =	vmul.f32 v29, v9;
	v10 =	vadd.f32 v31, v10;
	v11 =	vadd.f32 v32, v11;
	_ =	sdelay $0x1  }
0x135: {  	v10 =	vadd.f32 v33, v10;
	v11 =	vadd.f32 v34, v11;
	_ =	sdelay $0x1  }
0x136: {  	v10 =	vadd.f32 v11, v10;
	_ =	sdelay $0x1  }
0x137: {  	[tilespmem:s29+$0x10] =	vst v10  }
0x138: {  	v10 =	vld [tilespmem:s1+$0xFFFFFDE0]  }
0x139: {  	v35 =	vld [tilespmem:s1+$0xFFFFFE60]  }
0x13a: {  	v36 =	vld [tilespmem:s1+$0xFFFFFEE0]  }
0x13b: {  	v37 =	vld [tilespmem:s1+$0xFFFFFF60]  }
0x13c: {  	v38 =	vld [tilespmem:s1+$0xFFFFFFE0]  }
0x13d: {  	v39 =	vld [tilespmem:s1+$0x60]  }
0x13e: {  	v40 =	vld [tilespmem:s1+$0xE0]  }
0x13f: {  	v41 =	vld [tilespmem:s1+$0x160];
	v10 =	vmul.f32 v10, v0;
	v12 =	vmul.f32 v36, v4  }
0x140: {  	v42 =	vld [tilespmem:s1+$0x1E0];
	v11 =	vmul.f32 v35, v1;
	v13 =	vmul.f32 v37, v2  }
0x141: {  	v44 =	vld [tilespmem:s1+$0x260];
	v43 =	vmul.f32 v38, v3  }
0x142: {  	v45 =	vmul.f32 v39, v5;
	v10 =	vadd.f32 v12, v10;
	v11 =	vadd.f32 v13, v11  }
0x143: {  	v46 =	vmul.f32 v40, v7  }
0x144: {  	v47 =	vmul.f32 v41, v6;
	v10 =	vadd.f32 v43, v10;
	v11 =	vadd.f32 v45, v11  }
0x145: {  	v48 =	vmul.f32 v42, v8  }
0x146: {  	v49 =	vmul.f32 v44, v9;
	v10 =	vadd.f32 v46, v10;
	v11 =	vadd.f32 v47, v11;
	_ =	sdelay $0x1  }
0x147: {  	v10 =	vadd.f32 v48, v10;
	v11 =	vadd.f32 v49, v11;
	_ =	sdelay $0x1  }
0x148: {  	v10 =	vadd.f32 v11, v10;
	_ =	sdelay $0x1  }
0x149: {  	[tilespmem:s29+$0x20] =	vst v10  }
0x14a: {  	v10 =	vld [tilespmem:s1+$0xFFFFFDF0]  }
0x14b: {  	v50 =	vld [tilespmem:s1+$0xFFFFFE70]  }
0x14c: {  	v51 =	vld [tilespmem:s1+$0xFFFFFEF0]  }
0x14d: {  	v52 =	vld [tilespmem:s1+$0xFFFFFF70]  }
0x14e: {  	v53 =	vld [tilespmem:s1+$0xFFFFFFF0]  }
0x14f: {  	v54 =	vld [tilespmem:s1+$0x70]  }
0x150: {  	v55 =	vld [tilespmem:s1+$0xF0]  }
0x151: {  	v56 =	vld [tilespmem:s1+$0x170];
	v0 =	vmul.f32 v10, v0;
	v4 =	vmul.f32 v51, v4  }
0x152: {  	v57 =	vld [tilespmem:s1+$0x1F0];
	v1 =	vmul.f32 v50, v1;
	v2 =	vmul.f32 v52, v2  }
0x153: {  	v58 =	vld [tilespmem:s1+$0x270];
	v3 =	vmul.f32 v53, v3  }
0x154: {  	v59 =	vmul.f32 v54, v5;
	v0 =	vadd.f32 v4, v0;
	v1 =	vadd.f32 v2, v1  }
0x155: {  	v60 =	vmul.f32 v55, v7  }
0x156: {  	v61 =	vmul.f32 v56, v6;
	v0 =	vadd.f32 v3, v0;
	v1 =	vadd.f32 v59, v1  }
0x157: {  	v62 =	vmul.f32 v57, v8  }
0x158: {  	v63 =	vmul.f32 v58, v9;
	v0 =	vadd.f32 v60, v0;
	v1 =	vadd.f32 v61, v1  }
0x159: {  	p0 =	sne.s32 s28, $0x1F0  }
.Ltmp1:
0x15a: {  	v0 =	vadd.f32 v62, v0;
	v1 =	vadd.f32 v63, v1;
	(pc) =	sbr.rel @p0 .LBB2_4-.Ltmp1, $3  }
0x15b: {  	_ = 	snop  }
0x15c: {  	v0 =	vadd.f32 v1, v0;
	_ =	sdelay $0x1  }
0x15d: {  	s28 =	sadd.s32 $0x10, s28;
	s1 =	sadd.s32 $0x500, s1;
	[tilespmem:s29+$0x30] =	vst v0;
	s29 =	sadd.s32 $0x80, s29  }
0x15e: {  	s28 =	simm.s32 $0x0  }
0x15f: {  	[hbm4b:s9+s28] =	stream.linear.scatter [tilespmem:s22], [sflag:$0x3], $0x1000, $0x38;
	[tilespmem:$0x18A00] =	vst v63  }
0x160: {  	_ =	swait.ge [sflag:s31], $0xA000  }
0x161: {  	[sflag:s31] =	ssyncset.done $0x0  }
0x162: {  	s29 =	simm.s32 $0x16A40;
	s1 =	simm.s32 $0xC80;
	[sflag:s31] =	ssyncadd.s32 $0xFFFF6000  }
.LBB2_6:
0x163: {  	s0 =	sand.u32 $0x1F0, s28  }
0x164: {  	v9 =	vld [tilespmem:s0+$0x800]  }
0x165: {  	v1 =	vld [tilespmem:s1+$0xFFFFFD80]  }
0x166: {  	v5 =	vld [tilespmem:s1+$0xFFFFFE80]  }
0x167: {  	v6 =	vld [tilespmem:s1+$0xFFFFFF00]  }
0x168: {  	v3 =	vld [tilespmem:s1+$0xFFFFFE00]  }
0x169: {  	v7 =	vld [tilespmem:s1+$0xFFFFFF80];
	v0 =	vbroadcast v9, $0x0  }
0x16a: {  	v10 =	vld [tilespmem:s1+$0x0];
	v4 =	vbroadcast v9, $0x2;
	v2 =	vbroadcast v9, $0x3  }
0x16b: {  	v11 =	vld [tilespmem:s1+$0x80];
	v8 =	vmul.f32 v0, v1;
	v1 =	vbroadcast v9, $0x1  }
0x16c: {  	v13 =	vld [tilespmem:s1+$0x100];
	v14 =	vmul.f32 v5, v4;
	v15 =	vmul.f32 v6, v2  }
0x16d: {  	v12 =	vmul.f32 v3, v1;
	v3 =	vbroadcast v9, $0x4  }
0x16e: {  	v17 =	vld [tilespmem:s1+$0x180];
	v5 =	vbroadcast v9, $0x5;
	v6 =	vbroadcast v9, $0x7  }
0x16f: {  	v50 =	vld [tilespmem:s1+$0x200];
	v8 =	vadd.f32 v14, v8;
	v16 =	vmul.f32 v7, v3;
	v7 =	vbroadcast v9, $0x6  }
0x170: {  	v10 =	vmul.f32 v10, v5;
	v12 =	vadd.f32 v15, v12  }
0x171: {  	v13 =	vmul.f32 v13, v6;
	v51 =	vadd.f32 v16, v8;
	v11 =	vmul.f32 v11, v7  }
0x172: {  	v10 =	vadd.f32 v10, v12;
	v8 =	vbroadcast v9, $0x8;
	v9 =	vbroadcast v9, $0x9  }
0x173: {  	v11 =	vadd.f32 v11, v51  }
0x174: {  	v10 =	vadd.f32 v13, v10;
	v52 =	vmul.f32 v17, v8;
	v53 =	vmul.f32 v50, v9;
	_ =	sdelay $0x1  }
0x175: {  	v11 =	vadd.f32 v52, v11;
	v10 =	vadd.f32 v53, v10;
	_ =	sdelay $0x1  }
0x176: {  	v10 =	vadd.f32 v10, v11;
	_ =	sdelay $0x1  }
0x177: {  	[tilespmem:s29+$0xFFFFFFC0] =	vst v10  }
0x178: {  	v10 =	vld [tilespmem:s1+$0xFFFFFD90]  }
0x179: {  	v54 =	vld [tilespmem:s1+$0xFFFFFE10]  }
0x17a: {  	v55 =	vld [tilespmem:s1+$0xFFFFFE90]  }
0x17b: {  	v56 =	vld [tilespmem:s1+$0xFFFFFF10]  }
0x17c: {  	v57 =	vld [tilespmem:s1+$0xFFFFFF90]  }
0x17d: {  	v58 =	vld [tilespmem:s1+$0x10]  }
0x17e: {  	v59 =	vld [tilespmem:s1+$0x90]  }
0x17f: {  	v60 =	vld [tilespmem:s1+$0x110];
	v10 =	vmul.f32 v10, v0;
	v12 =	vmul.f32 v55, v4  }
0x180: {  	v18 =	vld [tilespmem:s1+$0x190];
	v11 =	vmul.f32 v54, v1;
	v13 =	vmul.f32 v56, v2  }
0x181: {  	v62 =	vld [tilespmem:s1+$0x210];
	v61 =	vmul.f32 v57, v3  }
0x182: {  	v63 =	vmul.f32 v58, v5;
	v10 =	vadd.f32 v12, v10;
	v11 =	vadd.f32 v13, v11  }
0x183: {  	v19 =	vmul.f32 v59, v7  }
0x184: {  	v20 =	vmul.f32 v60, v6;
	v10 =	vadd.f32 v61, v10;
	v11 =	vadd.f32 v63, v11  }
0x185: {  	v21 =	vmul.f32 v18, v8  }
0x186: {  	v22 =	vmul.f32 v62, v9;
	v10 =	vadd.f32 v19, v10;
	v11 =	vadd.f32 v20, v11;
	_ =	sdelay $0x1  }
0x187: {  	v10 =	vadd.f32 v21, v10;
	v11 =	vadd.f32 v22, v11;
	_ =	sdelay $0x1  }
0x188: {  	v10 =	vadd.f32 v11, v10;
	_ =	sdelay $0x1  }
0x189: {  	[tilespmem:s29+$0xFFFFFFD0] =	vst v10  }
0x18a: {  	v10 =	vld [tilespmem:s1+$0xFFFFFDA0]  }
0x18b: {  	v23 =	vld [tilespmem:s1+$0xFFFFFE20]  }
0x18c: {  	v24 =	vld [tilespmem:s1+$0xFFFFFEA0]  }
0x18d: {  	v25 =	vld [tilespmem:s1+$0xFFFFFF20]  }
0x18e: {  	v26 =	vld [tilespmem:s1+$0xFFFFFFA0]  }
0x18f: {  	v27 =	vld [tilespmem:s1+$0x20]  }
0x190: {  	v28 =	vld [tilespmem:s1+$0xA0]  }
0x191: {  	v29 =	vld [tilespmem:s1+$0x120];
	v10 =	vmul.f32 v10, v0;
	v12 =	vmul.f32 v24, v4  }
0x192: {  	v30 =	vld [tilespmem:s1+$0x1A0];
	v11 =	vmul.f32 v23, v1;
	v13 =	vmul.f32 v25, v2  }
0x193: {  	v32 =	vld [tilespmem:s1+$0x220];
	v31 =	vmul.f32 v26, v3  }
0x194: {  	v33 =	vmul.f32 v27, v5;
	v10 =	vadd.f32 v12, v10;
	v11 =	vadd.f32 v13, v11  }
0x195: {  	v34 =	vmul.f32 v28, v7  }
0x196: {  	v35 =	vmul.f32 v29, v6;
	v10 =	vadd.f32 v31, v10;
	v11 =	vadd.f32 v33, v11  }
0x197: {  	v36 =	vmul.f32 v30, v8  }
0x198: {  	v37 =	vmul.f32 v32, v9;
	v10 =	vadd.f32 v34, v10;
	v11 =	vadd.f32 v35, v11;
	_ =	sdelay $0x1  }
0x199: {  	v10 =	vadd.f32 v36, v10;
	v11 =	vadd.f32 v37, v11;
	_ =	sdelay $0x1  }
0x19a: {  	v10 =	vadd.f32 v11, v10;
	_ =	sdelay $0x1  }
0x19b: {  	[tilespmem:s29+$0xFFFFFFE0] =	vst v10  }
0x19c: {  	v10 =	vld [tilespmem:s1+$0xFFFFFDB0]  }
0x19d: {  	v38 =	vld [tilespmem:s1+$0xFFFFFE30]  }
0x19e: {  	v39 =	vld [tilespmem:s1+$0xFFFFFEB0]  }
0x19f: {  	v40 =	vld [tilespmem:s1+$0xFFFFFF30]  }
0x1a0: {  	v41 =	vld [tilespmem:s1+$0xFFFFFFB0]  }
0x1a1: {  	v42 =	vld [tilespmem:s1+$0x30]  }
0x1a2: {  	v43 =	vld [tilespmem:s1+$0xB0]  }
0x1a3: {  	v44 =	vld [tilespmem:s1+$0x130];
	v10 =	vmul.f32 v10, v0;
	v12 =	vmul.f32 v39, v4  }
0x1a4: {  	v45 =	vld [tilespmem:s1+$0x1B0];
	v11 =	vmul.f32 v38, v1;
	v13 =	vmul.f32 v40, v2  }
0x1a5: {  	v47 =	vld [tilespmem:s1+$0x230];
	v46 =	vmul.f32 v41, v3  }
0x1a6: {  	v48 =	vmul.f32 v42, v5;
	v10 =	vadd.f32 v12, v10;
	v11 =	vadd.f32 v13, v11  }
0x1a7: {  	v49 =	vmul.f32 v43, v7  }
0x1a8: {  	v50 =	vmul.f32 v44, v6;
	v10 =	vadd.f32 v46, v10;
	v11 =	vadd.f32 v48, v11  }
0x1a9: {  	v51 =	vmul.f32 v45, v8  }
0x1aa: {  	v52 =	vmul.f32 v47, v9;
	v10 =	vadd.f32 v49, v10;
	v11 =	vadd.f32 v50, v11;
	_ =	sdelay $0x1  }
0x1ab: {  	v10 =	vadd.f32 v51, v10;
	v11 =	vadd.f32 v52, v11;
	_ =	sdelay $0x1  }
0x1ac: {  	v10 =	vadd.f32 v11, v10;
	_ =	sdelay $0x1  }
0x1ad: {  	[tilespmem:s29+$0xFFFFFFF0] =	vst v10  }
0x1ae: {  	v10 =	vld [tilespmem:s1+$0xFFFFFDC0]  }
0x1af: {  	v53 =	vld [tilespmem:s1+$0xFFFFFE40]  }
0x1b0: {  	v54 =	vld [tilespmem:s1+$0xFFFFFEC0]  }
0x1b1: {  	v55 =	vld [tilespmem:s1+$0xFFFFFF40]  }
0x1b2: {  	v56 =	vld [tilespmem:s1+$0xFFFFFFC0]  }
0x1b3: {  	v57 =	vld [tilespmem:s1+$0x40]  }
0x1b4: {  	v58 =	vld [tilespmem:s1+$0xC0]  }
0x1b5: {  	v59 =	vld [tilespmem:s1+$0x140];
	v10 =	vmul.f32 v10, v0;
	v12 =	vmul.f32 v54, v4  }
0x1b6: {  	v60 =	vld [tilespmem:s1+$0x1C0];
	v11 =	vmul.f32 v53, v1;
	v13 =	vmul.f32 v55, v2  }
0x1b7: {  	v62 =	vld [tilespmem:s1+$0x240];
	v61 =	vmul.f32 v56, v3  }
0x1b8: {  	v63 =	vmul.f32 v57, v5;
	v10 =	vadd.f32 v12, v10;
	v11 =	vadd.f32 v13, v11  }
0x1b9: {  	v16 =	vmul.f32 v58, v7  }
0x1ba: {  	v17 =	vmul.f32 v59, v6;
	v10 =	vadd.f32 v61, v10;
	v11 =	vadd.f32 v63, v11  }
0x1bb: {  	v18 =	vmul.f32 v60, v8  }
0x1bc: {  	v19 =	vmul.f32 v62, v9;
	v10 =	vadd.f32 v16, v10;
	v11 =	vadd.f32 v17, v11;
	_ =	sdelay $0x1  }
0x1bd: {  	v10 =	vadd.f32 v18, v10;
	v11 =	vadd.f32 v19, v11;
	_ =	sdelay $0x1  }
0x1be: {  	v10 =	vadd.f32 v11, v10;
	_ =	sdelay $0x1  }
0x1bf: {  	[tilespmem:s29+$0x0] =	vst v10  }
0x1c0: {  	v10 =	vld [tilespmem:s1+$0xFFFFFDD0]  }
0x1c1: {  	v20 =	vld [tilespmem:s1+$0xFFFFFE50]  }
0x1c2: {  	v21 =	vld [tilespmem:s1+$0xFFFFFED0]  }
0x1c3: {  	v22 =	vld [tilespmem:s1+$0xFFFFFF50]  }
0x1c4: {  	v23 =	vld [tilespmem:s1+$0xFFFFFFD0]  }
0x1c5: {  	v24 =	vld [tilespmem:s1+$0x50]  }
0x1c6: {  	v25 =	vld [tilespmem:s1+$0xD0]  }
0x1c7: {  	v26 =	vld [tilespmem:s1+$0x150];
	v10 =	vmul.f32 v10, v0;
	v12 =	vmul.f32 v21, v4  }
0x1c8: {  	v27 =	vld [tilespmem:s1+$0x1D0];
	v11 =	vmul.f32 v20, v1;
	v13 =	vmul.f32 v22, v2  }
0x1c9: {  	v29 =	vld [tilespmem:s1+$0x250];
	v28 =	vmul.f32 v23, v3  }
0x1ca: {  	v30 =	vmul.f32 v24, v5;
	v10 =	vadd.f32 v12, v10;
	v11 =	vadd.f32 v13, v11  }
0x1cb: {  	v31 =	vmul.f32 v25, v7  }
0x1cc: {  	v32 =	vmul.f32 v26, v6;
	v10 =	vadd.f32 v28, v10;
	v11 =	vadd.f32 v30, v11  }
0x1cd: {  	v33 =	vmul.f32 v27, v8  }
0x1ce: {  	v34 =	vmul.f32 v29, v9;
	v10 =	vadd.f32 v31, v10;
	v11 =	vadd.f32 v32, v11;
	_ =	sdelay $0x1  }
0x1cf: {  	v10 =	vadd.f32 v33, v10;
	v11 =	vadd.f32 v34, v11;
	_ =	sdelay $0x1  }
0x1d0: {  	v10 =	vadd.f32 v11, v10;
	_ =	sdelay $0x1  }
0x1d1: {  	[tilespmem:s29+$0x10] =	vst v10  }
0x1d2: {  	v10 =	vld [tilespmem:s1+$0xFFFFFDE0]  }
0x1d3: {  	v35 =	vld [tilespmem:s1+$0xFFFFFE60]  }
0x1d4: {  	v36 =	vld [tilespmem:s1+$0xFFFFFEE0]  }
0x1d5: {  	v37 =	vld [tilespmem:s1+$0xFFFFFF60]  }
0x1d6: {  	v38 =	vld [tilespmem:s1+$0xFFFFFFE0]  }
0x1d7: {  	v39 =	vld [tilespmem:s1+$0x60]  }
0x1d8: {  	v40 =	vld [tilespmem:s1+$0xE0]  }
0x1d9: {  	v41 =	vld [tilespmem:s1+$0x160];
	v10 =	vmul.f32 v10, v0;
	v12 =	vmul.f32 v36, v4  }
0x1da: {  	v42 =	vld [tilespmem:s1+$0x1E0];
	v11 =	vmul.f32 v35, v1;
	v13 =	vmul.f32 v37, v2  }
0x1db: {  	v44 =	vld [tilespmem:s1+$0x260];
	v43 =	vmul.f32 v38, v3  }
0x1dc: {  	v45 =	vmul.f32 v39, v5;
	v10 =	vadd.f32 v12, v10;
	v11 =	vadd.f32 v13, v11  }
0x1dd: {  	v46 =	vmul.f32 v40, v7  }
0x1de: {  	v47 =	vmul.f32 v41, v6;
	v10 =	vadd.f32 v43, v10;
	v11 =	vadd.f32 v45, v11  }
0x1df: {  	v48 =	vmul.f32 v42, v8  }
0x1e0: {  	v49 =	vmul.f32 v44, v9;
	v10 =	vadd.f32 v46, v10;
	v11 =	vadd.f32 v47, v11;
	_ =	sdelay $0x1  }
0x1e1: {  	v10 =	vadd.f32 v48, v10;
	v11 =	vadd.f32 v49, v11;
	_ =	sdelay $0x1  }
0x1e2: {  	v10 =	vadd.f32 v11, v10;
	_ =	sdelay $0x1  }
0x1e3: {  	[tilespmem:s29+$0x20] =	vst v10  }
0x1e4: {  	v10 =	vld [tilespmem:s1+$0xFFFFFDF0]  }
0x1e5: {  	v50 =	vld [tilespmem:s1+$0xFFFFFE70]  }
0x1e6: {  	v51 =	vld [tilespmem:s1+$0xFFFFFEF0]  }
0x1e7: {  	v52 =	vld [tilespmem:s1+$0xFFFFFF70]  }
0x1e8: {  	v53 =	vld [tilespmem:s1+$0xFFFFFFF0]  }
0x1e9: {  	v54 =	vld [tilespmem:s1+$0x70]  }
0x1ea: {  	v55 =	vld [tilespmem:s1+$0xF0]  }
0x1eb: {  	v56 =	vld [tilespmem:s1+$0x170];
	v0 =	vmul.f32 v10, v0;
	v4 =	vmul.f32 v51, v4  }
0x1ec: {  	v57 =	vld [tilespmem:s1+$0x1F0];
	v1 =	vmul.f32 v50, v1;
	v2 =	vmul.f32 v52, v2  }
0x1ed: {  	v58 =	vld [tilespmem:s1+$0x270];
	v3 =	vmul.f32 v53, v3  }
0x1ee: {  	v59 =	vmul.f32 v54, v5;
	v0 =	vadd.f32 v4, v0;
	v1 =	vadd.f32 v2, v1  }
0x1ef: {  	v60 =	vmul.f32 v55, v7  }
0x1f0: {  	v61 =	vmul.f32 v56, v6;
	v0 =	vadd.f32 v3, v0;
	v1 =	vadd.f32 v59, v1  }
0x1f1: {  	v62 =	vmul.f32 v57, v8  }
0x1f2: {  	v63 =	vmul.f32 v58, v9;
	v0 =	vadd.f32 v60, v0;
	v1 =	vadd.f32 v61, v1  }
0x1f3: {  	p0 =	sne.s32 s28, $0x1F0  }
.Ltmp2:
0x1f4: {  	v0 =	vadd.f32 v62, v0;
	v1 =	vadd.f32 v63, v1;
	(pc) =	sbr.rel @p0 .LBB2_6-.Ltmp2, $3  }
0x1f5: {  	_ = 	snop  }
0x1f6: {  	v0 =	vadd.f32 v1, v0;
	_ =	sdelay $0x1  }
0x1f7: {  	s28 =	sadd.s32 $0x10, s28;
	s1 =	sadd.s32 $0x500, s1;
	[tilespmem:s29+$0x30] =	vst v0;
	s29 =	sadd.s32 $0x80, s29  }
0x1f8: {  	[hbm4b:s10+s3] =	stream.linear.scatter [tilespmem:s23], [sflag:$0x3], $0x1000, $0x38;
	[tilespmem:$0x18A00] =	vst v63  }
0x1f9: {  	s26 =	sadd.s32 $0x1, s26;
	_ =	swait.ge [sflag:s24], $0x1000  }
0x1fa: {  	p0 =	sne.s32 s26, s12;
	[sflag:s24] =	ssyncset.done $0x0  }
.Ltmp3:
0x1fb: {  	[sflag:s24] =	ssyncadd.s32 $0xFFFFF000;
	(pc) =	sbr.rel @p0 .LBB2_1-.Ltmp3, $4  }
0x1fc: {  	[hbm4b:s11+s3] =	stream.linear.scatter [tilespmem:s30], [sflag:$0x3], $0x1000, $0x38;
	[tilespmem:$0x18A00] =	vst v63  }
0x1fd: {  	_ =	swait.ge [sflag:s25], $0x4000  }
0x1fe: {  	[sflag:s25] =	ssyncset.done $0x0  }
0x1ff: {  	[sflag:s25] =	ssyncadd.s32 $0xFFFFC000  }
0x200: {  	_ =	sfence.sel $0x180000  }
0x201: {  	[bflag:$0x0] =	sbarrier.arrive $0xFFFF  }
0x202: {  	_ =	strace $0x90000047  }
0x203: {  	s0 =	stileid.u32;
	[bflag:$0x2] =	sbarrier.arrive $0xFFFF  }
0x204: {  	p0 =	sne.s32 s0, $0x0;
	s0 =	rddreg [dreg:$0x3]  }
0x205: {  	s0 =	sadd.s32 @!p0 $0x100000, s0  }
0x206: {  	[sflag:s0] =	ssyncadd.tile.s32 @!p0 $0x1;
	_ =	shalt  }
.Lfunc_end2:
_tile_overlayer_lowered:
.L_overlay_start_2:
0x207: {  	(tag) =	ssettag $0x2  }
0x208: {  	s0 =	rddreg [dreg:$0x0];
	s2 =	stileid.u32  }
0x209: {  	s1 =	rddreg [dreg:$0x1];
	p0 =	sne.s32 s2, $0x0  }
0x20a: {  	s3 =	rddreg [dreg:$0x2];
	[bflag:$0x3] =	sbarrier.arrive $0xFFFF;
	s2 =	simm.s32 @!p0 $0x1C05  }
0x20b: {  	[timem:s3], [sflag:s2] =	dma.local @!p0 [hbm:s0], s1  }
0x20c: {  	s0 =	simm.s32 @!p0 $0x5  }
0x20d: {  	_ =	swait.ge @!p0 [sflag:s0], s1  }
0x20e: {  	s1 =	ssub.s32 @!p0 $0x0, s1;
	[sflag:s0] =	ssyncset.done @!p0 $0x0  }
0x20f: {  	[sflag:s0] =	ssyncadd.s32 @!p0 s1  }
0x210: {  	[bflag:$0x3] =	sbarrier.arrive $0xFFFF  }
0x211: {  	_ =	shalt  }

</sc_bundles>
